<compile_context>
chip_gen: v7x
topology: tpu7x:2x2x1
jax: 0.10.2.dev20260603
libtpu: 0.0.44.dev20260713+nightly
codegen_flags: <defaults>
</compile_context>

<pallas_src>
import functools

import numpy as np

import jax
import jax.numpy as jnp
from jax import lax
from jax.experimental import pallas as pl
from jax.experimental.pallas import tpu as pltpu
from jax.experimental.pallas import tpu_sc as plsc

_N, _D, _H, _O, _B = 100000, 128, 128, 128, 1024
_BN = 2000
_SLICES = (44000, 42000)
_TAIL = 14000
_CH = 128
_NW = 32
_STRIPE = _B // 16
_NBUF = 4

_ZEROS = np.zeros((_B, _H), np.float32)


def _mlp_body(x_ref, w1_ref, b1_ref, w2_ref, b2_ref, h_ref):
    x = x_ref[...]
    h = jnp.dot(x, w1_ref[...], preferred_element_type=jnp.float32)
    h = jnp.maximum(h + b1_ref[...], 0.0)
    h = jnp.dot(h, w2_ref[...], preferred_element_type=jnp.float32)
    h_ref[...] = jnp.maximum(h + b2_ref[...], 0.0)


def _mlp(x, W1, b1, W2, b2, base_blk, nb):
    return pl.pallas_call(
        _mlp_body,
        grid=(nb,),
        in_specs=[
            pl.BlockSpec((_BN, _D), lambda g: (g + base_blk, 0)),
            pl.BlockSpec((_D, _H), lambda g: (0, 0)),
            pl.BlockSpec((1, _H), lambda g: (0, 0)),
            pl.BlockSpec((_H, _H), lambda g: (0, 0)),
            pl.BlockSpec((1, _H), lambda g: (0, 0)),
        ],
        out_specs=pl.BlockSpec((_BN, _H), lambda g: (g, 0)),
        out_shape=jax.ShapeDtypeStruct((nb * _BN, _H), jnp.float32),
    )(x, W1, b1.reshape(1, _H), W2, b2.reshape(1, _H))


def _make_segsum_body(base_row, nrows, rem):
    nfull = nrows // _CH
    tmax = -(-nfull // _NW)
    ntail = nfull % _NW

    def body(h_hbm, ids_hbm, zeros_hbm, out_hbm,
             idx0, idx1, idx2, idx3, rows0, rows1, rows2, rows3,
             idx_r, rows_r, acc_sh,
             sl0, sl1, sl2, sl3, ss0, ss1, ss2, ss3):
        cid = lax.axis_index("c")
        sid = lax.axis_index("s")
        wid = sid * 2 + cid
        idx = (idx0, idx1, idx2, idx3)
        rows = (rows0, rows1, rows2, rows3)
        sem_l = (sl0, sl1, sl2, sl3)
        sem_s = (ss0, ss1, ss2, ss3)

        pltpu.sync_copy(zeros_hbm.at[pl.ds(sid * _STRIPE, _STRIPE)],
                        acc_sh.at[pl.ds(sid * _STRIPE, _STRIPE)])

        def valid(t):
            return t < tmax - 1 or ntail == 0

        def guard(t, fn):
            if valid(t):
                fn()
            else:
                pl.when(wid < ntail)(fn)

        def start_load(t, b):
            base = (wid + _NW * t) * _CH
            pltpu.async_copy(ids_hbm.at[pl.ds(base_row + base, _CH)],
                             idx[b], sem_l[b])
            pltpu.async_copy(h_hbm.at[pl.ds(base, _CH)], rows[b], sem_l[b])

        def issue_scatter(t, b):
            base = (wid + _NW * t) * _CH
            pltpu.make_async_copy(ids_hbm.at[pl.ds(base_row + base, _CH)],
                                  idx[b], sem_l[b]).wait()
            pltpu.make_async_copy(h_hbm.at[pl.ds(base, _CH)], rows[b],
                                  sem_l[b]).wait()
            pltpu.async_copy(rows[b], acc_sh.at[idx[b]], sem_s[b], add=True)

        def wait_scatter(t, b):
            pltpu.make_async_copy(rows[b], acc_sh.at[idx[b]],
                                  sem_s[b]).wait()

        guard(0, lambda: start_load(0, 0))
        plsc.subcore_barrier()

        for t in range(tmax):
            b = t % _NBUF
            if t >= _NBUF - 1:
                guard(t - _NBUF + 1,
                      functools.partial(wait_scatter, t - _NBUF + 1,
                                        (t - _NBUF + 1) % _NBUF))
            if t + 1 < tmax:
                guard(t + 1, functools.partial(start_load, t + 1,
                                               (t + 1) % _NBUF))
            guard(t, functools.partial(issue_scatter, t, b))
        for t in range(max(0, tmax - _NBUF + 1), tmax):
            guard(t, functools.partial(wait_scatter, t, t % _NBUF))

        if rem > 0:
            @pl.when(wid == _NW - 1)
            def _rem():
                base = nfull * _CH
                pltpu.sync_copy(ids_hbm.at[pl.ds(base_row + base, rem)],
                                idx_r)
                pltpu.sync_copy(h_hbm.at[pl.ds(base, rem)], rows_r)
                pltpu.sync_copy(rows_r, acc_sh.at[idx_r], add=True)

        plsc.subcore_barrier()
        out_base = cid * _B + sid * _STRIPE
        pltpu.sync_copy(acc_sh.at[pl.ds(sid * _STRIPE, _STRIPE)],
                        out_hbm.at[pl.ds(out_base, _STRIPE)])

    return body


def _segsum(h, ids, zeros, base_row, nrows):
    rem = nrows % _CH
    mesh = plsc.VectorSubcoreMesh(core_axis_name="c", subcore_axis_name="s")
    f = functools.partial(
        pl.kernel,
        mesh=mesh,
        out_type=jax.ShapeDtypeStruct((2 * _B, _H), jnp.float32),
        scratch_types=(
            [pltpu.VMEM((_CH,), jnp.int32)] * _NBUF
            + [pltpu.VMEM((_CH, _H), jnp.float32)] * _NBUF
            + [pltpu.VMEM((max(rem, 8),), jnp.int32),
               pltpu.VMEM((max(rem, 8), _H), jnp.float32),
               pltpu.VMEM_SHARED((_B, _H), jnp.float32)]
            + [pltpu.SemaphoreType.DMA] * (2 * _NBUF)
        ),
    )(_make_segsum_body(base_row, nrows, rem))
    return f(h, ids, zeros)


def _tail_body(ids_ref, x_ref, w1_ref, b1_ref, w2_ref, b2_ref,
               out_ref, acc_ref):
    g = pl.program_id(0)
    nb = pl.num_programs(0)

    @pl.when(g == 0)
    def _init():
        acc_ref[...] = jnp.zeros_like(acc_ref)

    x = x_ref[...]
    h = jnp.dot(x, w1_ref[...], preferred_element_type=jnp.float32)
    h = jnp.maximum(h + b1_ref[...], 0.0)
    h = jnp.dot(h, w2_ref[...], preferred_element_type=jnp.float32)
    h = jnp.maximum(h + b2_ref[...], 0.0)
    ids = ids_ref[0, 0, :]
    onehot = (jax.lax.broadcasted_iota(jnp.int32, (_BN, _B), 1)
              == ids[:, None]).astype(jnp.float32)
    acc_ref[...] += jax.lax.dot_general(
        onehot, h, (((0,), (0,)), ((), ())),
        preferred_element_type=jnp.float32)

    @pl.when(g == nb - 1)
    def _final():
        out_ref[...] = acc_ref[...]


def _tail_segsum(x, ids3, W1, b1, W2, b2, base_blk, nb):
    return pl.pallas_call(
        _tail_body,
        grid=(nb,),
        in_specs=[
            pl.BlockSpec((1, 1, _BN), lambda g: (g + base_blk, 0, 0)),
            pl.BlockSpec((_BN, _D), lambda g: (g + base_blk, 0)),
            pl.BlockSpec((_D, _H), lambda g: (0, 0)),
            pl.BlockSpec((1, _H), lambda g: (0, 0)),
            pl.BlockSpec((_H, _H), lambda g: (0, 0)),
            pl.BlockSpec((1, _H), lambda g: (0, 0)),
        ],
        out_specs=pl.BlockSpec((_B, _H), lambda g: (0, 0)),
        out_shape=jax.ShapeDtypeStruct((_B, _H), jnp.float32),
        scratch_shapes=[pltpu.VMEM((_B, _H), jnp.float32)],
    )(ids3, x, W1, b1.reshape(1, _H), W2, b2.reshape(1, _H))


def _out_body(p0_ref, p1_ref, pt_ref, wout_ref, bout_ref, out_ref):
    acc = (p0_ref[0:_B, :] + p0_ref[_B:2 * _B, :]
           + p1_ref[0:_B, :] + p1_ref[_B:2 * _B, :]
           + pt_ref[...])
    out_ref[...] = (jnp.dot(acc, wout_ref[...],
                            preferred_element_type=jnp.float32)
                    + bout_ref[...])


def _out_layer(partials, tail_partial, Wout, bout):
    pspec = pl.BlockSpec((2 * _B, _H), lambda: (0, 0))
    return pl.pallas_call(
        _out_body,
        in_specs=[pspec, pspec,
                  pl.BlockSpec((_B, _H), lambda: (0, 0)),
                  pl.BlockSpec((_H, _O), lambda: (0, 0)),
                  pl.BlockSpec((1, _O), lambda: (0, 0))],
        out_specs=pl.BlockSpec((_B, _O), lambda: (0, 0)),
        out_shape=jax.ShapeDtypeStruct((_B, _O), jnp.float32),
    )(*partials, tail_partial, Wout, bout.reshape(1, _O))


def kernel(node_features, batch_vector, W1, b1, W2, b2, Wout, bout):
    ids = batch_vector.astype(jnp.int32)
    ids3 = ids.reshape(_N // _BN, 1, _BN)
    zeros = jnp.asarray(_ZEROS)
    partials = []
    base = 0
    for nrows in _SLICES:
        h_s = _mlp(node_features, W1, b1, W2, b2, base // _BN, nrows // _BN)
        partials.append(_segsum(h_s, ids, zeros, base, nrows))
        base += nrows
    tail_partial = _tail_segsum(node_features, ids3, W1, b1, W2, b2,
                                base // _BN, _TAIL // _BN)
    return _out_layer(partials, tail_partial, Wout, bout)

# --- scband reference (transcript-rebuilt; emitter-appended) ---
"""Pipeline reference for scband-readout-layer-83356725281391 (READ-ONLY COPY).

The authoritative reference and input builder live on the scoring server;
editing this copy changes nothing except your own understanding.
"""

import jax, jax.numpy as jnp
import numpy as np

N, D, H, O, B = 100000, 128, 128, 128, 1024

def setup_inputs(seed: int = 0) -> dict:
    key = jax.random.key(seed)
    ks = jax.random.split(key, 10)
    node_features = jax.random.normal(ks[0], (N, D), dtype=jnp.float32)
    batch_vector = jnp.sort(jax.random.randint(ks[1], (N,), 0, B))
    batch_vector = batch_vector.at[-1].set(B - 1)
    def lin_init(kw, kb, fan_in, fan_out):
        bound = 1.0 / np.sqrt(fan_in)
        W = jax.random.uniform(kw, (fan_in, fan_out), minval=-bound, maxval=bound, dtype=jnp.float32)
        b = jax.random.uniform(kb, (fan_out,), minval=-bound, maxval=bound, dtype=jnp.float32)
        return W, b
    W1, b1 = lin_init(ks[2], ks[3], D, H)
    W2, b2 = lin_init(ks[4], ks[5], H, H)
    Wout, bout = lin_init(ks[6], ks[7], H, O)
    return {"node_features": node_features, "batch_vector": batch_vector,
            "W1": W1, "b1": b1, "W2": W2, "b2": b2, "Wout": Wout, "bout": bout}

def reference(node_features, batch_vector, W1, b1, W2, b2, Wout, bout):
    # MLP applied per node (dropout is identity in eval mode)
    h = jax.nn.relu(node_features @ W1 + b1)
    h = jax.nn.relu(h @ W2 + b2)
    # scatter-add: sum node embeddings per graph (torch index_add_)
    num_batches = B
    mol_embeddings = jax.ops.segment_sum(h, batch_vector, num_segments=num_batches)
    # output linear layer on graph embeddings
    return mol_embeddings @ Wout + bout

if __name__ == "__main__":
    import jax
    _d = setup_inputs()
    print(jax.jit(kernel)(*tuple(_d.values())))

</pallas_src>

<mosaic_0001>
#map = affine_map<(d0, d1) -> (0, 0)>
#map1 = affine_map<(d0, d1) -> (0)>
module attributes {stable_mosaic.version = 14 : i64} {
  func.func @body(%arg0: i32, %arg1: i32, %arg2: memref<44000x128xf32, #tpu.memory_space<hbm>>, %arg3: memref<100000xi32, #tpu.memory_space<hbm>>, %arg4: memref<1024x128xf32, #tpu.memory_space<hbm>>, %arg5: memref<2048x128xf32, #tpu.memory_space<hbm>>, %arg6: memref<128xi32, #tpu.memory_space<vmem>>, %arg7: memref<128xi32, #tpu.memory_space<vmem>>, %arg8: memref<128xi32, #tpu.memory_space<vmem>>, %arg9: memref<128xi32, #tpu.memory_space<vmem>>, %arg10: memref<128x128xf32, #tpu.memory_space<vmem>>, %arg11: memref<128x128xf32, #tpu.memory_space<vmem>>, %arg12: memref<128x128xf32, #tpu.memory_space<vmem>>, %arg13: memref<128x128xf32, #tpu.memory_space<vmem>>, %arg14: memref<96xi32, #tpu.memory_space<vmem>>, %arg15: memref<96x128xf32, #tpu.memory_space<vmem>>, %arg16: memref<1024x128xf32, #tpu.memory_space<vmem_shared>>, %arg17: memref<!tpu.dma_semaphore, #tpu.memory_space<semaphore_mem>>, %arg18: memref<!tpu.dma_semaphore, #tpu.memory_space<semaphore_mem>>, %arg19: memref<!tpu.dma_semaphore, #tpu.memory_space<semaphore_mem>>, %arg20: memref<!tpu.dma_semaphore, #tpu.memory_space<semaphore_mem>>, %arg21: memref<!tpu.dma_semaphore, #tpu.memory_space<semaphore_mem>>, %arg22: memref<!tpu.dma_semaphore, #tpu.memory_space<semaphore_mem>>, %arg23: memref<!tpu.dma_semaphore, #tpu.memory_space<semaphore_mem>>, %arg24: memref<!tpu.dma_semaphore, #tpu.memory_space<semaphore_mem>>) attributes {dimension_semantics = [#tpu.dimension_semantics<core_parallel>, #tpu.dimension_semantics<subcore_parallel>], iteration_bounds = array<i64: 2, 16>, scalar_prefetch = 0 : i64, scratch_operands = 19 : i64, tpu.core_type = #tpu.core_type<sc_vector_subcore>, window_params = [{transform_indices = #map}, {transform_indices = #map1}, {transform_indices = #map}, {transform_indices = #map}]} {
    %mul3A = arith.constant 2 : i32
    %mul3A_0 = arith.muli %arg1, %mul3A : i32
    %add3A = arith.addi %mul3A_0, %arg0 : i32
    %mul3A_1 = arith.constant 64 : i32
    %mul3A_2 = arith.muli %arg1, %mul3A_1 : i32
    %mul3A_3 = arith.constant 64 : i32
    %mul3A_4 = arith.muli %arg1, %mul3A_3 : i32
    "tpu.region"() ({
      %run_scoped3A = tpu.sem_alloc : memref<!tpu.dma_semaphore, #tpu.memory_space<semaphore_mem>>
      %dma_start3A_327 = arith.constant 0 : i32
      %dma_start3A_328 = tpu.memref_slice %arg16[%mul3A_4, %dma_start3A_327] : memref<1024x128xf32, #tpu.memory_space<vmem_shared>> -> memref<64x128xf32, #tpu.memory_space<vmem_shared>>
      %dma_start3A_329 = arith.constant 0 : i32
      %dma_start3A_330 = tpu.memref_slice %arg4[%mul3A_2, %dma_start3A_329] : memref<1024x128xf32, #tpu.memory_space<hbm>> -> memref<64x128xf32, #tpu.memory_space<hbm>>
      tpu.enqueue_dma source(%dma_start3A_330 : memref<64x128xf32, #tpu.memory_space<hbm>>) target(%dma_start3A_328 : memref<64x128xf32, #tpu.memory_space<vmem_shared>>) target_semaphore(%run_scoped3A : memref<!tpu.dma_semaphore, #tpu.memory_space<semaphore_mem>>)
      %dma_wait3A_331 = arith.constant 0 : i32
      %dma_wait3A_332 = tpu.memref_slice %arg16[%mul3A_4, %dma_wait3A_331] : memref<1024x128xf32, #tpu.memory_space<vmem_shared>> -> memref<64x128xf32, #tpu.memory_space<vmem_shared>>
      %dma_wait3A_333 = arith.constant 0 : i32
      %dma_wait3A_334 = tpu.memref_slice %arg4[%mul3A_2, %dma_wait3A_333] : memref<1024x128xf32, #tpu.memory_space<hbm>> -> memref<64x128xf32, #tpu.memory_space<hbm>>
      tpu.wait_dma2 semaphore(%run_scoped3A : memref<!tpu.dma_semaphore, #tpu.memory_space<semaphore_mem>>) src(%dma_wait3A_334 : memref<64x128xf32, #tpu.memory_space<hbm>>) dst(%dma_wait3A_332 : memref<64x128xf32, #tpu.memory_space<vmem_shared>>)
      tpu.yield
    }) : () -> ()
    %add3A_5 = arith.constant 0 : i32
    %add3A_6 = arith.addi %add3A, %add3A_5 : i32
    %mul3A_7 = arith.constant 128 : i32
    %mul3A_8 = arith.muli %add3A_6, %mul3A_7 : i32
    %add3A_9 = arith.constant 0 : i32
    %add3A_10 = arith.addi %add3A_9, %mul3A_8 : i32
    %dma_start3A = tpu.memref_slice %arg3[%add3A_10] : memref<100000xi32, #tpu.memory_space<hbm>> -> memref<128xi32, #tpu.memory_space<hbm>>
    %dma_start3A_11 = tpu.memref_slice %arg3[%add3A_10] : memref<100000xi32, #tpu.memory_space<hbm>> -> memref<128xi32, #tpu.memory_space<hbm>>
    tpu.enqueue_dma source(%dma_start3A_11 : memref<128xi32, #tpu.memory_space<hbm>>) target(%arg6 : memref<128xi32, #tpu.memory_space<vmem>>) target_semaphore(%arg17 : memref<!tpu.dma_semaphore, #tpu.memory_space<semaphore_mem>>)
    %dma_start3A_12 = arith.constant 0 : i32
    %dma_start3A_13 = tpu.memref_slice %arg2[%mul3A_8, %dma_start3A_12] : memref<44000x128xf32, #tpu.memory_space<hbm>> -> memref<128x128xf32, #tpu.memory_space<hbm>>
    %dma_start3A_14 = arith.constant 0 : i32
    %dma_start3A_15 = tpu.memref_slice %arg2[%mul3A_8, %dma_start3A_14] : memref<44000x128xf32, #tpu.memory_space<hbm>> -> memref<128x128xf32, #tpu.memory_space<hbm>>
    tpu.enqueue_dma source(%dma_start3A_15 : memref<128x128xf32, #tpu.memory_space<hbm>>) target(%arg10 : memref<128x128xf32, #tpu.memory_space<vmem>>) target_semaphore(%arg17 : memref<!tpu.dma_semaphore, #tpu.memory_space<semaphore_mem>>)
    %barrier3A = arith.constant 0 : index
    tpu.barrier barrier_id(%barrier3A)
    %add3A_16 = arith.constant 32 : i32
    %add3A_17 = arith.addi %add3A, %add3A_16 : i32
    %mul3A_18 = arith.constant 128 : i32
    %mul3A_19 = arith.muli %add3A_17, %mul3A_18 : i32
    %add3A_20 = arith.constant 0 : i32
    %add3A_21 = arith.addi %add3A_20, %mul3A_19 : i32
    %dma_start3A_22 = tpu.memref_slice %arg3[%add3A_21] : memref<100000xi32, #tpu.memory_space<hbm>> -> memref<128xi32, #tpu.memory_space<hbm>>
    %dma_start3A_23 = tpu.memref_slice %arg3[%add3A_21] : memref<100000xi32, #tpu.memory_space<hbm>> -> memref<128xi32, #tpu.memory_space<hbm>>
    tpu.enqueue_dma source(%dma_start3A_23 : memref<128xi32, #tpu.memory_space<hbm>>) target(%arg7 : memref<128xi32, #tpu.memory_space<vmem>>) target_semaphore(%arg18 : memref<!tpu.dma_semaphore, #tpu.memory_space<semaphore_mem>>)
    %dma_start3A_24 = arith.constant 0 : i32
    %dma_start3A_25 = tpu.memref_slice %arg2[%mul3A_19, %dma_start3A_24] : memref<44000x128xf32, #tpu.memory_space<hbm>> -> memref<128x128xf32, #tpu.memory_space<hbm>>
    %dma_start3A_26 = arith.constant 0 : i32
    %dma_start3A_27 = tpu.memref_slice %arg2[%mul3A_19, %dma_start3A_26] : memref<44000x128xf32, #tpu.memory_space<hbm>> -> memref<128x128xf32, #tpu.memory_space<hbm>>
    tpu.enqueue_dma source(%dma_start3A_27 : memref<128x128xf32, #tpu.memory_space<hbm>>) target(%arg11 : memref<128x128xf32, #tpu.memory_space<vmem>>) target_semaphore(%arg18 : memref<!tpu.dma_semaphore, #tpu.memory_space<semaphore_mem>>)
    %add3A_28 = arith.constant 0 : i32
    %add3A_29 = arith.addi %add3A, %add3A_28 : i32
    %mul3A_30 = arith.constant 128 : i32
    %mul3A_31 = arith.muli %add3A_29, %mul3A_30 : i32
    %add3A_32 = arith.constant 0 : i32
    %add3A_33 = arith.addi %add3A_32, %mul3A_31 : i32
    %dma_wait3A = tpu.memref_slice %arg3[%add3A_33] : memref<100000xi32, #tpu.memory_space<hbm>> -> memref<128xi32, #tpu.memory_space<hbm>>
    %dma_wait3A_34 = tpu.memref_slice %arg3[%add3A_33] : memref<100000xi32, #tpu.memory_space<hbm>> -> memref<128xi32, #tpu.memory_space<hbm>>
    tpu.wait_dma2 semaphore(%arg17 : memref<!tpu.dma_semaphore, #tpu.memory_space<semaphore_mem>>) src(%dma_wait3A_34 : memref<128xi32, #tpu.memory_space<hbm>>) dst(%arg6 : memref<128xi32, #tpu.memory_space<vmem>>)
    %dma_wait3A_35 = arith.constant 0 : i32
    %dma_wait3A_36 = tpu.memref_slice %arg2[%mul3A_31, %dma_wait3A_35] : memref<44000x128xf32, #tpu.memory_space<hbm>> -> memref<128x128xf32, #tpu.memory_space<hbm>>
    %dma_wait3A_37 = arith.constant 0 : i32
    %dma_wait3A_38 = tpu.memref_slice %arg2[%mul3A_31, %dma_wait3A_37] : memref<44000x128xf32, #tpu.memory_space<hbm>> -> memref<128x128xf32, #tpu.memory_space<hbm>>
    tpu.wait_dma2 semaphore(%arg17 : memref<!tpu.dma_semaphore, #tpu.memory_space<semaphore_mem>>) src(%dma_wait3A_38 : memref<128x128xf32, #tpu.memory_space<hbm>>) dst(%arg10 : memref<128x128xf32, #tpu.memory_space<vmem>>)
    %dma_start3A_39 = arith.constant 0 : i32
    %dma_start3A_40 = arith.constant 0 : i32
    %dma_start3A_41 = tpu.memref_slice %arg16[%dma_start3A_39, %dma_start3A_40] : memref<1024x128xf32, #tpu.memory_space<vmem_shared>> -> memref<1024x128xf32, #tpu.memory_space<vmem_shared>>
    tpu.enqueue_indirect_dma source(%arg10 : memref<128x128xf32, #tpu.memory_space<vmem>>) target(%dma_start3A_41 : memref<1024x128xf32, #tpu.memory_space<vmem_shared>>) offsets(%arg6 : memref<128xi32, #tpu.memory_space<vmem>>) semaphore(%arg21 : memref<!tpu.dma_semaphore, #tpu.memory_space<semaphore_mem>>) {add = true}
    %add3A_42 = arith.constant 64 : i32
    %add3A_43 = arith.addi %add3A, %add3A_42 : i32
    %mul3A_44 = arith.constant 128 : i32
    %mul3A_45 = arith.muli %add3A_43, %mul3A_44 : i32
    %add3A_46 = arith.constant 0 : i32
    %add3A_47 = arith.addi %add3A_46, %mul3A_45 : i32
    %dma_start3A_48 = tpu.memref_slice %arg3[%add3A_47] : memref<100000xi32, #tpu.memory_space<hbm>> -> memref<128xi32, #tpu.memory_space<hbm>>
    %dma_start3A_49 = tpu.memref_slice %arg3[%add3A_47] : memref<100000xi32, #tpu.memory_space<hbm>> -> memref<128xi32, #tpu.memory_space<hbm>>
    tpu.enqueue_dma source(%dma_start3A_49 : memref<128xi32, #tpu.memory_space<hbm>>) target(%arg8 : memref<128xi32, #tpu.memory_space<vmem>>) target_semaphore(%arg19 : memref<!tpu.dma_semaphore, #tpu.memory_space<semaphore_mem>>)
    %dma_start3A_50 = arith.constant 0 : i32
    %dma_start3A_51 = tpu.memref_slice %arg2[%mul3A_45, %dma_start3A_50] : memref<44000x128xf32, #tpu.memory_space<hbm>> -> memref<128x128xf32, #tpu.memory_space<hbm>>
    %dma_start3A_52 = arith.constant 0 : i32
    %dma_start3A_53 = tpu.memref_slice %arg2[%mul3A_45, %dma_start3A_52] : memref<44000x128xf32, #tpu.memory_space<hbm>> -> memref<128x128xf32, #tpu.memory_space<hbm>>
    tpu.enqueue_dma source(%dma_start3A_53 : memref<128x128xf32, #tpu.memory_space<hbm>>) target(%arg12 : memref<128x128xf32, #tpu.memory_space<vmem>>) target_semaphore(%arg19 : memref<!tpu.dma_semaphore, #tpu.memory_space<semaphore_mem>>)
    %add3A_54 = arith.constant 32 : i32
    %add3A_55 = arith.addi %add3A, %add3A_54 : i32
    %mul3A_56 = arith.constant 128 : i32
    %mul3A_57 = arith.muli %add3A_55, %mul3A_56 : i32
    %add3A_58 = arith.constant 0 : i32
    %add3A_59 = arith.addi %add3A_58, %mul3A_57 : i32
    %dma_wait3A_60 = tpu.memref_slice %arg3[%add3A_59] : memref<100000xi32, #tpu.memory_space<hbm>> -> memref<128xi32, #tpu.memory_space<hbm>>
    %dma_wait3A_61 = tpu.memref_slice %arg3[%add3A_59] : memref<100000xi32, #tpu.memory_space<hbm>> -> memref<128xi32, #tpu.memory_space<hbm>>
    tpu.wait_dma2 semaphore(%arg18 : memref<!tpu.dma_semaphore, #tpu.memory_space<semaphore_mem>>) src(%dma_wait3A_61 : memref<128xi32, #tpu.memory_space<hbm>>) dst(%arg7 : memref<128xi32, #tpu.memory_space<vmem>>)
    %dma_wait3A_62 = arith.constant 0 : i32
    %dma_wait3A_63 = tpu.memref_slice %arg2[%mul3A_57, %dma_wait3A_62] : memref<44000x128xf32, #tpu.memory_space<hbm>> -> memref<128x128xf32, #tpu.memory_space<hbm>>
    %dma_wait3A_64 = arith.constant 0 : i32
    %dma_wait3A_65 = tpu.memref_slice %arg2[%mul3A_57, %dma_wait3A_64] : memref<44000x128xf32, #tpu.memory_space<hbm>> -> memref<128x128xf32, #tpu.memory_space<hbm>>
    tpu.wait_dma2 semaphore(%arg18 : memref<!tpu.dma_semaphore, #tpu.memory_space<semaphore_mem>>) src(%dma_wait3A_65 : memref<128x128xf32, #tpu.memory_space<hbm>>) dst(%arg11 : memref<128x128xf32, #tpu.memory_space<vmem>>)
    %dma_start3A_66 = arith.constant 0 : i32
    %dma_start3A_67 = arith.constant 0 : i32
    %dma_start3A_68 = tpu.memref_slice %arg16[%dma_start3A_66, %dma_start3A_67] : memref<1024x128xf32, #tpu.memory_space<vmem_shared>> -> memref<1024x128xf32, #tpu.memory_space<vmem_shared>>
    tpu.enqueue_indirect_dma source(%arg11 : memref<128x128xf32, #tpu.memory_space<vmem>>) target(%dma_start3A_68 : memref<1024x128xf32, #tpu.memory_space<vmem_shared>>) offsets(%arg7 : memref<128xi32, #tpu.memory_space<vmem>>) semaphore(%arg22 : memref<!tpu.dma_semaphore, #tpu.memory_space<semaphore_mem>>) {add = true}
    %add3A_69 = arith.constant 96 : i32
    %add3A_70 = arith.addi %add3A, %add3A_69 : i32
    %mul3A_71 = arith.constant 128 : i32
    %mul3A_72 = arith.muli %add3A_70, %mul3A_71 : i32
    %add3A_73 = arith.constant 0 : i32
    %add3A_74 = arith.addi %add3A_73, %mul3A_72 : i32
    %dma_start3A_75 = tpu.memref_slice %arg3[%add3A_74] : memref<100000xi32, #tpu.memory_space<hbm>> -> memref<128xi32, #tpu.memory_space<hbm>>
    %dma_start3A_76 = tpu.memref_slice %arg3[%add3A_74] : memref<100000xi32, #tpu.memory_space<hbm>> -> memref<128xi32, #tpu.memory_space<hbm>>
    tpu.enqueue_dma source(%dma_start3A_76 : memref<128xi32, #tpu.memory_space<hbm>>) target(%arg9 : memref<128xi32, #tpu.memory_space<vmem>>) target_semaphore(%arg20 : memref<!tpu.dma_semaphore, #tpu.memory_space<semaphore_mem>>)
    %dma_start3A_77 = arith.constant 0 : i32
    %dma_start3A_78 = tpu.memref_slice %arg2[%mul3A_72, %dma_start3A_77] : memref<44000x128xf32, #tpu.memory_space<hbm>> -> memref<128x128xf32, #tpu.memory_space<hbm>>
    %dma_start3A_79 = arith.constant 0 : i32
    %dma_start3A_80 = tpu.memref_slice %arg2[%mul3A_72, %dma_start3A_79] : memref<44000x128xf32, #tpu.memory_space<hbm>> -> memref<128x128xf32, #tpu.memory_space<hbm>>
    tpu.enqueue_dma source(%dma_start3A_80 : memref<128x128xf32, #tpu.memory_space<hbm>>) target(%arg13 : memref<128x128xf32, #tpu.memory_space<vmem>>) target_semaphore(%arg20 : memref<!tpu.dma_semaphore, #tpu.memory_space<semaphore_mem>>)
    %add3A_81 = arith.constant 64 : i32
    %add3A_82 = arith.addi %add3A, %add3A_81 : i32
    %mul3A_83 = arith.constant 128 : i32
    %mul3A_84 = arith.muli %add3A_82, %mul3A_83 : i32
    %add3A_85 = arith.constant 0 : i32
    %add3A_86 = arith.addi %add3A_85, %mul3A_84 : i32
    %dma_wait3A_87 = tpu.memref_slice %arg3[%add3A_86] : memref<100000xi32, #tpu.memory_space<hbm>> -> memref<128xi32, #tpu.memory_space<hbm>>
    %dma_wait3A_88 = tpu.memref_slice %arg3[%add3A_86] : memref<100000xi32, #tpu.memory_space<hbm>> -> memref<128xi32, #tpu.memory_space<hbm>>
    tpu.wait_dma2 semaphore(%arg19 : memref<!tpu.dma_semaphore, #tpu.memory_space<semaphore_mem>>) src(%dma_wait3A_88 : memref<128xi32, #tpu.memory_space<hbm>>) dst(%arg8 : memref<128xi32, #tpu.memory_space<vmem>>)
    %dma_wait3A_89 = arith.constant 0 : i32
    %dma_wait3A_90 = tpu.memref_slice %arg2[%mul3A_84, %dma_wait3A_89] : memref<44000x128xf32, #tpu.memory_space<hbm>> -> memref<128x128xf32, #tpu.memory_space<hbm>>
    %dma_wait3A_91 = arith.constant 0 : i32
    %dma_wait3A_92 = tpu.memref_slice %arg2[%mul3A_84, %dma_wait3A_91] : memref<44000x128xf32, #tpu.memory_space<hbm>> -> memref<128x128xf32, #tpu.memory_space<hbm>>
    tpu.wait_dma2 semaphore(%arg19 : memref<!tpu.dma_semaphore, #tpu.memory_space<semaphore_mem>>) src(%dma_wait3A_92 : memref<128x128xf32, #tpu.memory_space<hbm>>) dst(%arg12 : memref<128x128xf32, #tpu.memory_space<vmem>>)
    %dma_start3A_93 = arith.constant 0 : i32
    %dma_start3A_94 = arith.constant 0 : i32
    %dma_start3A_95 = tpu.memref_slice %arg16[%dma_start3A_93, %dma_start3A_94] : memref<1024x128xf32, #tpu.memory_space<vmem_shared>> -> memref<1024x128xf32, #tpu.memory_space<vmem_shared>>
    tpu.enqueue_indirect_dma source(%arg12 : memref<128x128xf32, #tpu.memory_space<vmem>>) target(%dma_start3A_95 : memref<1024x128xf32, #tpu.memory_space<vmem_shared>>) offsets(%arg8 : memref<128xi32, #tpu.memory_space<vmem>>) semaphore(%arg23 : memref<!tpu.dma_semaphore, #tpu.memory_space<semaphore_mem>>) {add = true}
    %dma_wait3A_96 = arith.constant 0 : i32
    %dma_wait3A_97 = arith.constant 0 : i32
    %dma_wait3A_98 = tpu.memref_slice %arg16[%dma_wait3A_96, %dma_wait3A_97] : memref<1024x128xf32, #tpu.memory_space<vmem_shared>> -> memref<1024x128xf32, #tpu.memory_space<vmem_shared>>
    tpu.wait_indirect_dma semaphore(%arg21 : memref<!tpu.dma_semaphore, #tpu.memory_space<semaphore_mem>>) src(%arg10 : memref<128x128xf32, #tpu.memory_space<vmem>>) dst(%dma_wait3A_98 : memref<1024x128xf32, #tpu.memory_space<vmem_shared>>)
    %add3A_99 = arith.constant 128 : i32
    %add3A_100 = arith.addi %add3A, %add3A_99 : i32
    %mul3A_101 = arith.constant 128 : i32
    %mul3A_102 = arith.muli %add3A_100, %mul3A_101 : i32
    %add3A_103 = arith.constant 0 : i32
    %add3A_104 = arith.addi %add3A_103, %mul3A_102 : i32
    %dma_start3A_105 = tpu.memref_slice %arg3[%add3A_104] : memref<100000xi32, #tpu.memory_space<hbm>> -> memref<128xi32, #tpu.memory_space<hbm>>
    %dma_start3A_106 = tpu.memref_slice %arg3[%add3A_104] : memref<100000xi32, #tpu.memory_space<hbm>> -> memref<128xi32, #tpu.memory_space<hbm>>
    tpu.enqueue_dma source(%dma_start3A_106 : memref<128xi32, #tpu.memory_space<hbm>>) target(%arg6 : memref<128xi32, #tpu.memory_space<vmem>>) target_semaphore(%arg17 : memref<!tpu.dma_semaphore, #tpu.memory_space<semaphore_mem>>)
    %dma_start3A_107 = arith.constant 0 : i32
    %dma_start3A_108 = tpu.memref_slice %arg2[%mul3A_102, %dma_start3A_107] : memref<44000x128xf32, #tpu.memory_space<hbm>> -> memref<128x128xf32, #tpu.memory_space<hbm>>
    %dma_start3A_109 = arith.constant 0 : i32
    %dma_start3A_110 = tpu.memref_slice %arg2[%mul3A_102, %dma_start3A_109] : memref<44000x128xf32, #tpu.memory_space<hbm>> -> memref<128x128xf32, #tpu.memory_space<hbm>>
    tpu.enqueue_dma source(%dma_start3A_110 : memref<128x128xf32, #tpu.memory_space<hbm>>) target(%arg10 : memref<128x128xf32, #tpu.memory_space<vmem>>) target_semaphore(%arg17 : memref<!tpu.dma_semaphore, #tpu.memory_space<semaphore_mem>>)
    %add3A_111 = arith.constant 96 : i32
    %add3A_112 = arith.addi %add3A, %add3A_111 : i32
    %mul3A_113 = arith.constant 128 : i32
    %mul3A_114 = arith.muli %add3A_112, %mul3A_113 : i32
    %add3A_115 = arith.constant 0 : i32
    %add3A_116 = arith.addi %add3A_115, %mul3A_114 : i32
    %dma_wait3A_117 = tpu.memref_slice %arg3[%add3A_116] : memref<100000xi32, #tpu.memory_space<hbm>> -> memref<128xi32, #tpu.memory_space<hbm>>
    %dma_wait3A_118 = tpu.memref_slice %arg3[%add3A_116] : memref<100000xi32, #tpu.memory_space<hbm>> -> memref<128xi32, #tpu.memory_space<hbm>>
    tpu.wait_dma2 semaphore(%arg20 : memref<!tpu.dma_semaphore, #tpu.memory_space<semaphore_mem>>) src(%dma_wait3A_118 : memref<128xi32, #tpu.memory_space<hbm>>) dst(%arg9 : memref<128xi32, #tpu.memory_space<vmem>>)
    %dma_wait3A_119 = arith.constant 0 : i32
    %dma_wait3A_120 = tpu.memref_slice %arg2[%mul3A_114, %dma_wait3A_119] : memref<44000x128xf32, #tpu.memory_space<hbm>> -> memref<128x128xf32, #tpu.memory_space<hbm>>
    %dma_wait3A_121 = arith.constant 0 : i32
    %dma_wait3A_122 = tpu.memref_slice %arg2[%mul3A_114, %dma_wait3A_121] : memref<44000x128xf32, #tpu.memory_space<hbm>> -> memref<128x128xf32, #tpu.memory_space<hbm>>
    tpu.wait_dma2 semaphore(%arg20 : memref<!tpu.dma_semaphore, #tpu.memory_space<semaphore_mem>>) src(%dma_wait3A_122 : memref<128x128xf32, #tpu.memory_space<hbm>>) dst(%arg13 : memref<128x128xf32, #tpu.memory_space<vmem>>)
    %dma_start3A_123 = arith.constant 0 : i32
    %dma_start3A_124 = arith.constant 0 : i32
    %dma_start3A_125 = tpu.memref_slice %arg16[%dma_start3A_123, %dma_start3A_124] : memref<1024x128xf32, #tpu.memory_space<vmem_shared>> -> memref<1024x128xf32, #tpu.memory_space<vmem_shared>>
    tpu.enqueue_indirect_dma source(%arg13 : memref<128x128xf32, #tpu.memory_space<vmem>>) target(%dma_start3A_125 : memref<1024x128xf32, #tpu.memory_space<vmem_shared>>) offsets(%arg9 : memref<128xi32, #tpu.memory_space<vmem>>) semaphore(%arg24 : memref<!tpu.dma_semaphore, #tpu.memory_space<semaphore_mem>>) {add = true}
    %dma_wait3A_126 = arith.constant 0 : i32
    %dma_wait3A_127 = arith.constant 0 : i32
    %dma_wait3A_128 = tpu.memref_slice %arg16[%dma_wait3A_126, %dma_wait3A_127] : memref<1024x128xf32, #tpu.memory_space<vmem_shared>> -> memref<1024x128xf32, #tpu.memory_space<vmem_shared>>
    tpu.wait_indirect_dma semaphore(%arg22 : memref<!tpu.dma_semaphore, #tpu.memory_space<semaphore_mem>>) src(%arg11 : memref<128x128xf32, #tpu.memory_space<vmem>>) dst(%dma_wait3A_128 : memref<1024x128xf32, #tpu.memory_space<vmem_shared>>)
    %add3A_129 = arith.constant 160 : i32
    %add3A_130 = arith.addi %add3A, %add3A_129 : i32
    %mul3A_131 = arith.constant 128 : i32
    %mul3A_132 = arith.muli %add3A_130, %mul3A_131 : i32
    %add3A_133 = arith.constant 0 : i32
    %add3A_134 = arith.addi %add3A_133, %mul3A_132 : i32
    %dma_start3A_135 = tpu.memref_slice %arg3[%add3A_134] : memref<100000xi32, #tpu.memory_space<hbm>> -> memref<128xi32, #tpu.memory_space<hbm>>
    %dma_start3A_136 = tpu.memref_slice %arg3[%add3A_134] : memref<100000xi32, #tpu.memory_space<hbm>> -> memref<128xi32, #tpu.memory_space<hbm>>
    tpu.enqueue_dma source(%dma_start3A_136 : memref<128xi32, #tpu.memory_space<hbm>>) target(%arg7 : memref<128xi32, #tpu.memory_space<vmem>>) target_semaphore(%arg18 : memref<!tpu.dma_semaphore, #tpu.memory_space<semaphore_mem>>)
    %dma_start3A_137 = arith.constant 0 : i32
    %dma_start3A_138 = tpu.memref_slice %arg2[%mul3A_132, %dma_start3A_137] : memref<44000x128xf32, #tpu.memory_space<hbm>> -> memref<128x128xf32, #tpu.memory_space<hbm>>
    %dma_start3A_139 = arith.constant 0 : i32
    %dma_start3A_140 = tpu.memref_slice %arg2[%mul3A_132, %dma_start3A_139] : memref<44000x128xf32, #tpu.memory_space<hbm>> -> memref<128x128xf32, #tpu.memory_space<hbm>>
    tpu.enqueue_dma source(%dma_start3A_140 : memref<128x128xf32, #tpu.memory_space<hbm>>) target(%arg11 : memref<128x128xf32, #tpu.memory_space<vmem>>) target_semaphore(%arg18 : memref<!tpu.dma_semaphore, #tpu.memory_space<semaphore_mem>>)
    %add3A_141 = arith.constant 128 : i32
    %add3A_142 = arith.addi %add3A, %add3A_141 : i32
    %mul3A_143 = arith.constant 128 : i32
    %mul3A_144 = arith.muli %add3A_142, %mul3A_143 : i32
    %add3A_145 = arith.constant 0 : i32
    %add3A_146 = arith.addi %add3A_145, %mul3A_144 : i32
    %dma_wait3A_147 = tpu.memref_slice %arg3[%add3A_146] : memref<100000xi32, #tpu.memory_space<hbm>> -> memref<128xi32, #tpu.memory_space<hbm>>
    %dma_wait3A_148 = tpu.memref_slice %arg3[%add3A_146] : memref<100000xi32, #tpu.memory_space<hbm>> -> memref<128xi32, #tpu.memory_space<hbm>>
    tpu.wait_dma2 semaphore(%arg17 : memref<!tpu.dma_semaphore, #tpu.memory_space<semaphore_mem>>) src(%dma_wait3A_148 : memref<128xi32, #tpu.memory_space<hbm>>) dst(%arg6 : memref<128xi32, #tpu.memory_space<vmem>>)
    %dma_wait3A_149 = arith.constant 0 : i32
    %dma_wait3A_150 = tpu.memref_slice %arg2[%mul3A_144, %dma_wait3A_149] : memref<44000x128xf32, #tpu.memory_space<hbm>> -> memref<128x128xf32, #tpu.memory_space<hbm>>
    %dma_wait3A_151 = arith.constant 0 : i32
    %dma_wait3A_152 = tpu.memref_slice %arg2[%mul3A_144, %dma_wait3A_151] : memref<44000x128xf32, #tpu.memory_space<hbm>> -> memref<128x128xf32, #tpu.memory_space<hbm>>
    tpu.wait_dma2 semaphore(%arg17 : memref<!tpu.dma_semaphore, #tpu.memory_space<semaphore_mem>>) src(%dma_wait3A_152 : memref<128x128xf32, #tpu.memory_space<hbm>>) dst(%arg10 : memref<128x128xf32, #tpu.memory_space<vmem>>)
    %dma_start3A_153 = arith.constant 0 : i32
    %dma_start3A_154 = arith.constant 0 : i32
    %dma_start3A_155 = tpu.memref_slice %arg16[%dma_start3A_153, %dma_start3A_154] : memref<1024x128xf32, #tpu.memory_space<vmem_shared>> -> memref<1024x128xf32, #tpu.memory_space<vmem_shared>>
    tpu.enqueue_indirect_dma source(%arg10 : memref<128x128xf32, #tpu.memory_space<vmem>>) target(%dma_start3A_155 : memref<1024x128xf32, #tpu.memory_space<vmem_shared>>) offsets(%arg6 : memref<128xi32, #tpu.memory_space<vmem>>) semaphore(%arg21 : memref<!tpu.dma_semaphore, #tpu.memory_space<semaphore_mem>>) {add = true}
    %dma_wait3A_156 = arith.constant 0 : i32
    %dma_wait3A_157 = arith.constant 0 : i32
    %dma_wait3A_158 = tpu.memref_slice %arg16[%dma_wait3A_156, %dma_wait3A_157] : memref<1024x128xf32, #tpu.memory_space<vmem_shared>> -> memref<1024x128xf32, #tpu.memory_space<vmem_shared>>
    tpu.wait_indirect_dma semaphore(%arg23 : memref<!tpu.dma_semaphore, #tpu.memory_space<semaphore_mem>>) src(%arg12 : memref<128x128xf32, #tpu.memory_space<vmem>>) dst(%dma_wait3A_158 : memref<1024x128xf32, #tpu.memory_space<vmem_shared>>)
    %add3A_159 = arith.constant 192 : i32
    %add3A_160 = arith.addi %add3A, %add3A_159 : i32
    %mul3A_161 = arith.constant 128 : i32
    %mul3A_162 = arith.muli %add3A_160, %mul3A_161 : i32
    %add3A_163 = arith.constant 0 : i32
    %add3A_164 = arith.addi %add3A_163, %mul3A_162 : i32
    %dma_start3A_165 = tpu.memref_slice %arg3[%add3A_164] : memref<100000xi32, #tpu.memory_space<hbm>> -> memref<128xi32, #tpu.memory_space<hbm>>
    %dma_start3A_166 = tpu.memref_slice %arg3[%add3A_164] : memref<100000xi32, #tpu.memory_space<hbm>> -> memref<128xi32, #tpu.memory_space<hbm>>
    tpu.enqueue_dma source(%dma_start3A_166 : memref<128xi32, #tpu.memory_space<hbm>>) target(%arg8 : memref<128xi32, #tpu.memory_space<vmem>>) target_semaphore(%arg19 : memref<!tpu.dma_semaphore, #tpu.memory_space<semaphore_mem>>)
    %dma_start3A_167 = arith.constant 0 : i32
    %dma_start3A_168 = tpu.memref_slice %arg2[%mul3A_162, %dma_start3A_167] : memref<44000x128xf32, #tpu.memory_space<hbm>> -> memref<128x128xf32, #tpu.memory_space<hbm>>
    %dma_start3A_169 = arith.constant 0 : i32
    %dma_start3A_170 = tpu.memref_slice %arg2[%mul3A_162, %dma_start3A_169] : memref<44000x128xf32, #tpu.memory_space<hbm>> -> memref<128x128xf32, #tpu.memory_space<hbm>>
    tpu.enqueue_dma source(%dma_start3A_170 : memref<128x128xf32, #tpu.memory_space<hbm>>) target(%arg12 : memref<128x128xf32, #tpu.memory_space<vmem>>) target_semaphore(%arg19 : memref<!tpu.dma_semaphore, #tpu.memory_space<semaphore_mem>>)
    %add3A_171 = arith.constant 160 : i32
    %add3A_172 = arith.addi %add3A, %add3A_171 : i32
    %mul3A_173 = arith.constant 128 : i32
    %mul3A_174 = arith.muli %add3A_172, %mul3A_173 : i32
    %add3A_175 = arith.constant 0 : i32
    %add3A_176 = arith.addi %add3A_175, %mul3A_174 : i32
    %dma_wait3A_177 = tpu.memref_slice %arg3[%add3A_176] : memref<100000xi32, #tpu.memory_space<hbm>> -> memref<128xi32, #tpu.memory_space<hbm>>
    %dma_wait3A_178 = tpu.memref_slice %arg3[%add3A_176] : memref<100000xi32, #tpu.memory_space<hbm>> -> memref<128xi32, #tpu.memory_space<hbm>>
    tpu.wait_dma2 semaphore(%arg18 : memref<!tpu.dma_semaphore, #tpu.memory_space<semaphore_mem>>) src(%dma_wait3A_178 : memref<128xi32, #tpu.memory_space<hbm>>) dst(%arg7 : memref<128xi32, #tpu.memory_space<vmem>>)
    %dma_wait3A_179 = arith.constant 0 : i32
    %dma_wait3A_180 = tpu.memref_slice %arg2[%mul3A_174, %dma_wait3A_179] : memref<44000x128xf32, #tpu.memory_space<hbm>> -> memref<128x128xf32, #tpu.memory_space<hbm>>
    %dma_wait3A_181 = arith.constant 0 : i32
    %dma_wait3A_182 = tpu.memref_slice %arg2[%mul3A_174, %dma_wait3A_181] : memref<44000x128xf32, #tpu.memory_space<hbm>> -> memref<128x128xf32, #tpu.memory_space<hbm>>
    tpu.wait_dma2 semaphore(%arg18 : memref<!tpu.dma_semaphore, #tpu.memory_space<semaphore_mem>>) src(%dma_wait3A_182 : memref<128x128xf32, #tpu.memory_space<hbm>>) dst(%arg11 : memref<128x128xf32, #tpu.memory_space<vmem>>)
    %dma_start3A_183 = arith.constant 0 : i32
    %dma_start3A_184 = arith.constant 0 : i32
    %dma_start3A_185 = tpu.memref_slice %arg16[%dma_start3A_183, %dma_start3A_184] : memref<1024x128xf32, #tpu.memory_space<vmem_shared>> -> memref<1024x128xf32, #tpu.memory_space<vmem_shared>>
    tpu.enqueue_indirect_dma source(%arg11 : memref<128x128xf32, #tpu.memory_space<vmem>>) target(%dma_start3A_185 : memref<1024x128xf32, #tpu.memory_space<vmem_shared>>) offsets(%arg7 : memref<128xi32, #tpu.memory_space<vmem>>) semaphore(%arg22 : memref<!tpu.dma_semaphore, #tpu.memory_space<semaphore_mem>>) {add = true}
    %dma_wait3A_186 = arith.constant 0 : i32
    %dma_wait3A_187 = arith.constant 0 : i32
    %dma_wait3A_188 = tpu.memref_slice %arg16[%dma_wait3A_186, %dma_wait3A_187] : memref<1024x128xf32, #tpu.memory_space<vmem_shared>> -> memref<1024x128xf32, #tpu.memory_space<vmem_shared>>
    tpu.wait_indirect_dma semaphore(%arg24 : memref<!tpu.dma_semaphore, #tpu.memory_space<semaphore_mem>>) src(%arg13 : memref<128x128xf32, #tpu.memory_space<vmem>>) dst(%dma_wait3A_188 : memref<1024x128xf32, #tpu.memory_space<vmem_shared>>)
    %add3A_189 = arith.constant 224 : i32
    %add3A_190 = arith.addi %add3A, %add3A_189 : i32
    %mul3A_191 = arith.constant 128 : i32
    %mul3A_192 = arith.muli %add3A_190, %mul3A_191 : i32
    %add3A_193 = arith.constant 0 : i32
    %add3A_194 = arith.addi %add3A_193, %mul3A_192 : i32
    %dma_start3A_195 = tpu.memref_slice %arg3[%add3A_194] : memref<100000xi32, #tpu.memory_space<hbm>> -> memref<128xi32, #tpu.memory_space<hbm>>
    %dma_start3A_196 = tpu.memref_slice %arg3[%add3A_194] : memref<100000xi32, #tpu.memory_space<hbm>> -> memref<128xi32, #tpu.memory_space<hbm>>
    tpu.enqueue_dma source(%dma_start3A_196 : memref<128xi32, #tpu.memory_space<hbm>>) target(%arg9 : memref<128xi32, #tpu.memory_space<vmem>>) target_semaphore(%arg20 : memref<!tpu.dma_semaphore, #tpu.memory_space<semaphore_mem>>)
    %dma_start3A_197 = arith.constant 0 : i32
    %dma_start3A_198 = tpu.memref_slice %arg2[%mul3A_192, %dma_start3A_197] : memref<44000x128xf32, #tpu.memory_space<hbm>> -> memref<128x128xf32, #tpu.memory_space<hbm>>
    %dma_start3A_199 = arith.constant 0 : i32
    %dma_start3A_200 = tpu.memref_slice %arg2[%mul3A_192, %dma_start3A_199] : memref<44000x128xf32, #tpu.memory_space<hbm>> -> memref<128x128xf32, #tpu.memory_space<hbm>>
    tpu.enqueue_dma source(%dma_start3A_200 : memref<128x128xf32, #tpu.memory_space<hbm>>) target(%arg13 : memref<128x128xf32, #tpu.memory_space<vmem>>) target_semaphore(%arg20 : memref<!tpu.dma_semaphore, #tpu.memory_space<semaphore_mem>>)
    %add3A_201 = arith.constant 192 : i32
    %add3A_202 = arith.addi %add3A, %add3A_201 : i32
    %mul3A_203 = arith.constant 128 : i32
    %mul3A_204 = arith.muli %add3A_202, %mul3A_203 : i32
    %add3A_205 = arith.constant 0 : i32
    %add3A_206 = arith.addi %add3A_205, %mul3A_204 : i32
    %dma_wait3A_207 = tpu.memref_slice %arg3[%add3A_206] : memref<100000xi32, #tpu.memory_space<hbm>> -> memref<128xi32, #tpu.memory_space<hbm>>
    %dma_wait3A_208 = tpu.memref_slice %arg3[%add3A_206] : memref<100000xi32, #tpu.memory_space<hbm>> -> memref<128xi32, #tpu.memory_space<hbm>>
    tpu.wait_dma2 semaphore(%arg19 : memref<!tpu.dma_semaphore, #tpu.memory_space<semaphore_mem>>) src(%dma_wait3A_208 : memref<128xi32, #tpu.memory_space<hbm>>) dst(%arg8 : memref<128xi32, #tpu.memory_space<vmem>>)
    %dma_wait3A_209 = arith.constant 0 : i32
    %dma_wait3A_210 = tpu.memref_slice %arg2[%mul3A_204, %dma_wait3A_209] : memref<44000x128xf32, #tpu.memory_space<hbm>> -> memref<128x128xf32, #tpu.memory_space<hbm>>
    %dma_wait3A_211 = arith.constant 0 : i32
    %dma_wait3A_212 = tpu.memref_slice %arg2[%mul3A_204, %dma_wait3A_211] : memref<44000x128xf32, #tpu.memory_space<hbm>> -> memref<128x128xf32, #tpu.memory_space<hbm>>
    tpu.wait_dma2 semaphore(%arg19 : memref<!tpu.dma_semaphore, #tpu.memory_space<semaphore_mem>>) src(%dma_wait3A_212 : memref<128x128xf32, #tpu.memory_space<hbm>>) dst(%arg12 : memref<128x128xf32, #tpu.memory_space<vmem>>)
    %dma_start3A_213 = arith.constant 0 : i32
    %dma_start3A_214 = arith.constant 0 : i32
    %dma_start3A_215 = tpu.memref_slice %arg16[%dma_start3A_213, %dma_start3A_214] : memref<1024x128xf32, #tpu.memory_space<vmem_shared>> -> memref<1024x128xf32, #tpu.memory_space<vmem_shared>>
    tpu.enqueue_indirect_dma source(%arg12 : memref<128x128xf32, #tpu.memory_space<vmem>>) target(%dma_start3A_215 : memref<1024x128xf32, #tpu.memory_space<vmem_shared>>) offsets(%arg8 : memref<128xi32, #tpu.memory_space<vmem>>) semaphore(%arg23 : memref<!tpu.dma_semaphore, #tpu.memory_space<semaphore_mem>>) {add = true}
    %dma_wait3A_216 = arith.constant 0 : i32
    %dma_wait3A_217 = arith.constant 0 : i32
    %dma_wait3A_218 = tpu.memref_slice %arg16[%dma_wait3A_216, %dma_wait3A_217] : memref<1024x128xf32, #tpu.memory_space<vmem_shared>> -> memref<1024x128xf32, #tpu.memory_space<vmem_shared>>
    tpu.wait_indirect_dma semaphore(%arg21 : memref<!tpu.dma_semaphore, #tpu.memory_space<semaphore_mem>>) src(%arg10 : memref<128x128xf32, #tpu.memory_space<vmem>>) dst(%dma_wait3A_218 : memref<1024x128xf32, #tpu.memory_space<vmem_shared>>)
    %add3A_219 = arith.constant 256 : i32
    %add3A_220 = arith.addi %add3A, %add3A_219 : i32
    %mul3A_221 = arith.constant 128 : i32
    %mul3A_222 = arith.muli %add3A_220, %mul3A_221 : i32
    %add3A_223 = arith.constant 0 : i32
    %add3A_224 = arith.addi %add3A_223, %mul3A_222 : i32
    %dma_start3A_225 = tpu.memref_slice %arg3[%add3A_224] : memref<100000xi32, #tpu.memory_space<hbm>> -> memref<128xi32, #tpu.memory_space<hbm>>
    %dma_start3A_226 = tpu.memref_slice %arg3[%add3A_224] : memref<100000xi32, #tpu.memory_space<hbm>> -> memref<128xi32, #tpu.memory_space<hbm>>
    tpu.enqueue_dma source(%dma_start3A_226 : memref<128xi32, #tpu.memory_space<hbm>>) target(%arg6 : memref<128xi32, #tpu.memory_space<vmem>>) target_semaphore(%arg17 : memref<!tpu.dma_semaphore, #tpu.memory_space<semaphore_mem>>)
    %dma_start3A_227 = arith.constant 0 : i32
    %dma_start3A_228 = tpu.memref_slice %arg2[%mul3A_222, %dma_start3A_227] : memref<44000x128xf32, #tpu.memory_space<hbm>> -> memref<128x128xf32, #tpu.memory_space<hbm>>
    %dma_start3A_229 = arith.constant 0 : i32
    %dma_start3A_230 = tpu.memref_slice %arg2[%mul3A_222, %dma_start3A_229] : memref<44000x128xf32, #tpu.memory_space<hbm>> -> memref<128x128xf32, #tpu.memory_space<hbm>>
    tpu.enqueue_dma source(%dma_start3A_230 : memref<128x128xf32, #tpu.memory_space<hbm>>) target(%arg10 : memref<128x128xf32, #tpu.memory_space<vmem>>) target_semaphore(%arg17 : memref<!tpu.dma_semaphore, #tpu.memory_space<semaphore_mem>>)
    %add3A_231 = arith.constant 224 : i32
    %add3A_232 = arith.addi %add3A, %add3A_231 : i32
    %mul3A_233 = arith.constant 128 : i32
    %mul3A_234 = arith.muli %add3A_232, %mul3A_233 : i32
    %add3A_235 = arith.constant 0 : i32
    %add3A_236 = arith.addi %add3A_235, %mul3A_234 : i32
    %dma_wait3A_237 = tpu.memref_slice %arg3[%add3A_236] : memref<100000xi32, #tpu.memory_space<hbm>> -> memref<128xi32, #tpu.memory_space<hbm>>
    %dma_wait3A_238 = tpu.memref_slice %arg3[%add3A_236] : memref<100000xi32, #tpu.memory_space<hbm>> -> memref<128xi32, #tpu.memory_space<hbm>>
    tpu.wait_dma2 semaphore(%arg20 : memref<!tpu.dma_semaphore, #tpu.memory_space<semaphore_mem>>) src(%dma_wait3A_238 : memref<128xi32, #tpu.memory_space<hbm>>) dst(%arg9 : memref<128xi32, #tpu.memory_space<vmem>>)
    %dma_wait3A_239 = arith.constant 0 : i32
    %dma_wait3A_240 = tpu.memref_slice %arg2[%mul3A_234, %dma_wait3A_239] : memref<44000x128xf32, #tpu.memory_space<hbm>> -> memref<128x128xf32, #tpu.memory_space<hbm>>
    %dma_wait3A_241 = arith.constant 0 : i32
    %dma_wait3A_242 = tpu.memref_slice %arg2[%mul3A_234, %dma_wait3A_241] : memref<44000x128xf32, #tpu.memory_space<hbm>> -> memref<128x128xf32, #tpu.memory_space<hbm>>
    tpu.wait_dma2 semaphore(%arg20 : memref<!tpu.dma_semaphore, #tpu.memory_space<semaphore_mem>>) src(%dma_wait3A_242 : memref<128x128xf32, #tpu.memory_space<hbm>>) dst(%arg13 : memref<128x128xf32, #tpu.memory_space<vmem>>)
    %dma_start3A_243 = arith.constant 0 : i32
    %dma_start3A_244 = arith.constant 0 : i32
    %dma_start3A_245 = tpu.memref_slice %arg16[%dma_start3A_243, %dma_start3A_244] : memref<1024x128xf32, #tpu.memory_space<vmem_shared>> -> memref<1024x128xf32, #tpu.memory_space<vmem_shared>>
    tpu.enqueue_indirect_dma source(%arg13 : memref<128x128xf32, #tpu.memory_space<vmem>>) target(%dma_start3A_245 : memref<1024x128xf32, #tpu.memory_space<vmem_shared>>) offsets(%arg9 : memref<128xi32, #tpu.memory_space<vmem>>) semaphore(%arg24 : memref<!tpu.dma_semaphore, #tpu.memory_space<semaphore_mem>>) {add = true}
    %dma_wait3A_246 = arith.constant 0 : i32
    %dma_wait3A_247 = arith.constant 0 : i32
    %dma_wait3A_248 = tpu.memref_slice %arg16[%dma_wait3A_246, %dma_wait3A_247] : memref<1024x128xf32, #tpu.memory_space<vmem_shared>> -> memref<1024x128xf32, #tpu.memory_space<vmem_shared>>
    tpu.wait_indirect_dma semaphore(%arg22 : memref<!tpu.dma_semaphore, #tpu.memory_space<semaphore_mem>>) src(%arg11 : memref<128x128xf32, #tpu.memory_space<vmem>>) dst(%dma_wait3A_248 : memref<1024x128xf32, #tpu.memory_space<vmem_shared>>)
    %add3A_249 = arith.constant 288 : i32
    %add3A_250 = arith.addi %add3A, %add3A_249 : i32
    %mul3A_251 = arith.constant 128 : i32
    %mul3A_252 = arith.muli %add3A_250, %mul3A_251 : i32
    %add3A_253 = arith.constant 0 : i32
    %add3A_254 = arith.addi %add3A_253, %mul3A_252 : i32
    %dma_start3A_255 = tpu.memref_slice %arg3[%add3A_254] : memref<100000xi32, #tpu.memory_space<hbm>> -> memref<128xi32, #tpu.memory_space<hbm>>
    %dma_start3A_256 = tpu.memref_slice %arg3[%add3A_254] : memref<100000xi32, #tpu.memory_space<hbm>> -> memref<128xi32, #tpu.memory_space<hbm>>
    tpu.enqueue_dma source(%dma_start3A_256 : memref<128xi32, #tpu.memory_space<hbm>>) target(%arg7 : memref<128xi32, #tpu.memory_space<vmem>>) target_semaphore(%arg18 : memref<!tpu.dma_semaphore, #tpu.memory_space<semaphore_mem>>)
    %dma_start3A_257 = arith.constant 0 : i32
    %dma_start3A_258 = tpu.memref_slice %arg2[%mul3A_252, %dma_start3A_257] : memref<44000x128xf32, #tpu.memory_space<hbm>> -> memref<128x128xf32, #tpu.memory_space<hbm>>
    %dma_start3A_259 = arith.constant 0 : i32
    %dma_start3A_260 = tpu.memref_slice %arg2[%mul3A_252, %dma_start3A_259] : memref<44000x128xf32, #tpu.memory_space<hbm>> -> memref<128x128xf32, #tpu.memory_space<hbm>>
    tpu.enqueue_dma source(%dma_start3A_260 : memref<128x128xf32, #tpu.memory_space<hbm>>) target(%arg11 : memref<128x128xf32, #tpu.memory_space<vmem>>) target_semaphore(%arg18 : memref<!tpu.dma_semaphore, #tpu.memory_space<semaphore_mem>>)
    %add3A_261 = arith.constant 256 : i32
    %add3A_262 = arith.addi %add3A, %add3A_261 : i32
    %mul3A_263 = arith.constant 128 : i32
    %mul3A_264 = arith.muli %add3A_262, %mul3A_263 : i32
    %add3A_265 = arith.constant 0 : i32
    %add3A_266 = arith.addi %add3A_265, %mul3A_264 : i32
    %dma_wait3A_267 = tpu.memref_slice %arg3[%add3A_266] : memref<100000xi32, #tpu.memory_space<hbm>> -> memref<128xi32, #tpu.memory_space<hbm>>
    %dma_wait3A_268 = tpu.memref_slice %arg3[%add3A_266] : memref<100000xi32, #tpu.memory_space<hbm>> -> memref<128xi32, #tpu.memory_space<hbm>>
    tpu.wait_dma2 semaphore(%arg17 : memref<!tpu.dma_semaphore, #tpu.memory_space<semaphore_mem>>) src(%dma_wait3A_268 : memref<128xi32, #tpu.memory_space<hbm>>) dst(%arg6 : memref<128xi32, #tpu.memory_space<vmem>>)
    %dma_wait3A_269 = arith.constant 0 : i32
    %dma_wait3A_270 = tpu.memref_slice %arg2[%mul3A_264, %dma_wait3A_269] : memref<44000x128xf32, #tpu.memory_space<hbm>> -> memref<128x128xf32, #tpu.memory_space<hbm>>
    %dma_wait3A_271 = arith.constant 0 : i32
    %dma_wait3A_272 = tpu.memref_slice %arg2[%mul3A_264, %dma_wait3A_271] : memref<44000x128xf32, #tpu.memory_space<hbm>> -> memref<128x128xf32, #tpu.memory_space<hbm>>
    tpu.wait_dma2 semaphore(%arg17 : memref<!tpu.dma_semaphore, #tpu.memory_space<semaphore_mem>>) src(%dma_wait3A_272 : memref<128x128xf32, #tpu.memory_space<hbm>>) dst(%arg10 : memref<128x128xf32, #tpu.memory_space<vmem>>)
    %dma_start3A_273 = arith.constant 0 : i32
    %dma_start3A_274 = arith.constant 0 : i32
    %dma_start3A_275 = tpu.memref_slice %arg16[%dma_start3A_273, %dma_start3A_274] : memref<1024x128xf32, #tpu.memory_space<vmem_shared>> -> memref<1024x128xf32, #tpu.memory_space<vmem_shared>>
    tpu.enqueue_indirect_dma source(%arg10 : memref<128x128xf32, #tpu.memory_space<vmem>>) target(%dma_start3A_275 : memref<1024x128xf32, #tpu.memory_space<vmem_shared>>) offsets(%arg6 : memref<128xi32, #tpu.memory_space<vmem>>) semaphore(%arg21 : memref<!tpu.dma_semaphore, #tpu.memory_space<semaphore_mem>>) {add = true}
    %dma_wait3A_276 = arith.constant 0 : i32
    %dma_wait3A_277 = arith.constant 0 : i32
    %dma_wait3A_278 = tpu.memref_slice %arg16[%dma_wait3A_276, %dma_wait3A_277] : memref<1024x128xf32, #tpu.memory_space<vmem_shared>> -> memref<1024x128xf32, #tpu.memory_space<vmem_shared>>
    tpu.wait_indirect_dma semaphore(%arg23 : memref<!tpu.dma_semaphore, #tpu.memory_space<semaphore_mem>>) src(%arg12 : memref<128x128xf32, #tpu.memory_space<vmem>>) dst(%dma_wait3A_278 : memref<1024x128xf32, #tpu.memory_space<vmem_shared>>)
    %lt3A = arith.constant 23 : i32
    %lt3A_279 = arith.cmpi slt, %add3A, %lt3A : i32
    %convert_element_type3A = arith.extui %lt3A_279 : i1 to i32
    %cond3A = arith.constant 0 : i32
    %cond3A_280 = arith.cmpi ne, %convert_element_type3A, %cond3A : i32
    scf.if %cond3A_280 {
      %add3A_327 = arith.constant 320 : i32
      %add3A_328 = arith.addi %add3A, %add3A_327 : i32
      %mul3A_329 = arith.constant 128 : i32
      %mul3A_330 = arith.muli %add3A_328, %mul3A_329 : i32
      %add3A_331 = arith.constant 0 : i32
      %add3A_332 = arith.addi %add3A_331, %mul3A_330 : i32
      %dma_start3A_333 = tpu.memref_slice %arg3[%add3A_332] : memref<100000xi32, #tpu.memory_space<hbm>> -> memref<128xi32, #tpu.memory_space<hbm>>
      %dma_start3A_334 = tpu.memref_slice %arg3[%add3A_332] : memref<100000xi32, #tpu.memory_space<hbm>> -> memref<128xi32, #tpu.memory_space<hbm>>
      tpu.enqueue_dma source(%dma_start3A_334 : memref<128xi32, #tpu.memory_space<hbm>>) target(%arg8 : memref<128xi32, #tpu.memory_space<vmem>>) target_semaphore(%arg19 : memref<!tpu.dma_semaphore, #tpu.memory_space<semaphore_mem>>)
      %dma_start3A_335 = arith.constant 0 : i32
      %dma_start3A_336 = tpu.memref_slice %arg2[%mul3A_330, %dma_start3A_335] : memref<44000x128xf32, #tpu.memory_space<hbm>> -> memref<128x128xf32, #tpu.memory_space<hbm>>
      %dma_start3A_337 = arith.constant 0 : i32
      %dma_start3A_338 = tpu.memref_slice %arg2[%mul3A_330, %dma_start3A_337] : memref<44000x128xf32, #tpu.memory_space<hbm>> -> memref<128x128xf32, #tpu.memory_space<hbm>>
      tpu.enqueue_dma source(%dma_start3A_338 : memref<128x128xf32, #tpu.memory_space<hbm>>) target(%arg12 : memref<128x128xf32, #tpu.memory_space<vmem>>) target_semaphore(%arg19 : memref<!tpu.dma_semaphore, #tpu.memory_space<semaphore_mem>>)
    } else {
    }
    %add3A_281 = arith.constant 288 : i32
    %add3A_282 = arith.addi %add3A, %add3A_281 : i32
    %mul3A_283 = arith.constant 128 : i32
    %mul3A_284 = arith.muli %add3A_282, %mul3A_283 : i32
    %add3A_285 = arith.constant 0 : i32
    %add3A_286 = arith.addi %add3A_285, %mul3A_284 : i32
    %dma_wait3A_287 = tpu.memref_slice %arg3[%add3A_286] : memref<100000xi32, #tpu.memory_space<hbm>> -> memref<128xi32, #tpu.memory_space<hbm>>
    %dma_wait3A_288 = tpu.memref_slice %arg3[%add3A_286] : memref<100000xi32, #tpu.memory_space<hbm>> -> memref<128xi32, #tpu.memory_space<hbm>>
    tpu.wait_dma2 semaphore(%arg18 : memref<!tpu.dma_semaphore, #tpu.memory_space<semaphore_mem>>) src(%dma_wait3A_288 : memref<128xi32, #tpu.memory_space<hbm>>) dst(%arg7 : memref<128xi32, #tpu.memory_space<vmem>>)
    %dma_wait3A_289 = arith.constant 0 : i32
    %dma_wait3A_290 = tpu.memref_slice %arg2[%mul3A_284, %dma_wait3A_289] : memref<44000x128xf32, #tpu.memory_space<hbm>> -> memref<128x128xf32, #tpu.memory_space<hbm>>
    %dma_wait3A_291 = arith.constant 0 : i32
    %dma_wait3A_292 = tpu.memref_slice %arg2[%mul3A_284, %dma_wait3A_291] : memref<44000x128xf32, #tpu.memory_space<hbm>> -> memref<128x128xf32, #tpu.memory_space<hbm>>
    tpu.wait_dma2 semaphore(%arg18 : memref<!tpu.dma_semaphore, #tpu.memory_space<semaphore_mem>>) src(%dma_wait3A_292 : memref<128x128xf32, #tpu.memory_space<hbm>>) dst(%arg11 : memref<128x128xf32, #tpu.memory_space<vmem>>)
    %dma_start3A_293 = arith.constant 0 : i32
    %dma_start3A_294 = arith.constant 0 : i32
    %dma_start3A_295 = tpu.memref_slice %arg16[%dma_start3A_293, %dma_start3A_294] : memref<1024x128xf32, #tpu.memory_space<vmem_shared>> -> memref<1024x128xf32, #tpu.memory_space<vmem_shared>>
    tpu.enqueue_indirect_dma source(%arg11 : memref<128x128xf32, #tpu.memory_space<vmem>>) target(%dma_start3A_295 : memref<1024x128xf32, #tpu.memory_space<vmem_shared>>) offsets(%arg7 : memref<128xi32, #tpu.memory_space<vmem>>) semaphore(%arg22 : memref<!tpu.dma_semaphore, #tpu.memory_space<semaphore_mem>>) {add = true}
    %dma_wait3A_296 = arith.constant 0 : i32
    %dma_wait3A_297 = arith.constant 0 : i32
    %dma_wait3A_298 = tpu.memref_slice %arg16[%dma_wait3A_296, %dma_wait3A_297] : memref<1024x128xf32, #tpu.memory_space<vmem_shared>> -> memref<1024x128xf32, #tpu.memory_space<vmem_shared>>
    tpu.wait_indirect_dma semaphore(%arg24 : memref<!tpu.dma_semaphore, #tpu.memory_space<semaphore_mem>>) src(%arg13 : memref<128x128xf32, #tpu.memory_space<vmem>>) dst(%dma_wait3A_298 : memref<1024x128xf32, #tpu.memory_space<vmem_shared>>)
    %lt3A_299 = arith.constant 23 : i32
    %lt3A_300 = arith.cmpi slt, %add3A, %lt3A_299 : i32
    %convert_element_type3A_301 = arith.extui %lt3A_300 : i1 to i32
    %cond3A_302 = arith.constant 0 : i32
    %cond3A_303 = arith.cmpi ne, %convert_element_type3A_301, %cond3A_302 : i32
    scf.if %cond3A_303 {
      %add3A_327 = arith.constant 320 : i32
      %add3A_328 = arith.addi %add3A, %add3A_327 : i32
      %mul3A_329 = arith.constant 128 : i32
      %mul3A_330 = arith.muli %add3A_328, %mul3A_329 : i32
      %add3A_331 = arith.constant 0 : i32
      %add3A_332 = arith.addi %add3A_331, %mul3A_330 : i32
      %dma_wait3A_333 = tpu.memref_slice %arg3[%add3A_332] : memref<100000xi32, #tpu.memory_space<hbm>> -> memref<128xi32, #tpu.memory_space<hbm>>
      %dma_wait3A_334 = tpu.memref_slice %arg3[%add3A_332] : memref<100000xi32, #tpu.memory_space<hbm>> -> memref<128xi32, #tpu.memory_space<hbm>>
      tpu.wait_dma2 semaphore(%arg19 : memref<!tpu.dma_semaphore, #tpu.memory_space<semaphore_mem>>) src(%dma_wait3A_334 : memref<128xi32, #tpu.memory_space<hbm>>) dst(%arg8 : memref<128xi32, #tpu.memory_space<vmem>>)
      %dma_wait3A_335 = arith.constant 0 : i32
      %dma_wait3A_336 = tpu.memref_slice %arg2[%mul3A_330, %dma_wait3A_335] : memref<44000x128xf32, #tpu.memory_space<hbm>> -> memref<128x128xf32, #tpu.memory_space<hbm>>
      %dma_wait3A_337 = arith.constant 0 : i32
      %dma_wait3A_338 = tpu.memref_slice %arg2[%mul3A_330, %dma_wait3A_337] : memref<44000x128xf32, #tpu.memory_space<hbm>> -> memref<128x128xf32, #tpu.memory_space<hbm>>
      tpu.wait_dma2 semaphore(%arg19 : memref<!tpu.dma_semaphore, #tpu.memory_space<semaphore_mem>>) src(%dma_wait3A_338 : memref<128x128xf32, #tpu.memory_space<hbm>>) dst(%arg12 : memref<128x128xf32, #tpu.memory_space<vmem>>)
      %dma_start3A_339 = arith.constant 0 : i32
      %dma_start3A_340 = arith.constant 0 : i32
      %dma_start3A_341 = tpu.memref_slice %arg16[%dma_start3A_339, %dma_start3A_340] : memref<1024x128xf32, #tpu.memory_space<vmem_shared>> -> memref<1024x128xf32, #tpu.memory_space<vmem_shared>>
      tpu.enqueue_indirect_dma source(%arg12 : memref<128x128xf32, #tpu.memory_space<vmem>>) target(%dma_start3A_341 : memref<1024x128xf32, #tpu.memory_space<vmem_shared>>) offsets(%arg8 : memref<128xi32, #tpu.memory_space<vmem>>) semaphore(%arg23 : memref<!tpu.dma_semaphore, #tpu.memory_space<semaphore_mem>>) {add = true}
    } else {
    }
    %dma_wait3A_304 = arith.constant 0 : i32
    %dma_wait3A_305 = arith.constant 0 : i32
    %dma_wait3A_306 = tpu.memref_slice %arg16[%dma_wait3A_304, %dma_wait3A_305] : memref<1024x128xf32, #tpu.memory_space<vmem_shared>> -> memref<1024x128xf32, #tpu.memory_space<vmem_shared>>
    tpu.wait_indirect_dma semaphore(%arg21 : memref<!tpu.dma_semaphore, #tpu.memory_space<semaphore_mem>>) src(%arg10 : memref<128x128xf32, #tpu.memory_space<vmem>>) dst(%dma_wait3A_306 : memref<1024x128xf32, #tpu.memory_space<vmem_shared>>)
    %dma_wait3A_307 = arith.constant 0 : i32
    %dma_wait3A_308 = arith.constant 0 : i32
    %dma_wait3A_309 = tpu.memref_slice %arg16[%dma_wait3A_307, %dma_wait3A_308] : memref<1024x128xf32, #tpu.memory_space<vmem_shared>> -> memref<1024x128xf32, #tpu.memory_space<vmem_shared>>
    tpu.wait_indirect_dma semaphore(%arg22 : memref<!tpu.dma_semaphore, #tpu.memory_space<semaphore_mem>>) src(%arg11 : memref<128x128xf32, #tpu.memory_space<vmem>>) dst(%dma_wait3A_309 : memref<1024x128xf32, #tpu.memory_space<vmem_shared>>)
    %lt3A_310 = arith.constant 23 : i32
    %lt3A_311 = arith.cmpi slt, %add3A, %lt3A_310 : i32
    %convert_element_type3A_312 = arith.extui %lt3A_311 : i1 to i32
    %cond3A_313 = arith.constant 0 : i32
    %cond3A_314 = arith.cmpi ne, %convert_element_type3A_312, %cond3A_313 : i32
    scf.if %cond3A_314 {
      %dma_wait3A_327 = arith.constant 0 : i32
      %dma_wait3A_328 = arith.constant 0 : i32
      %dma_wait3A_329 = tpu.memref_slice %arg16[%dma_wait3A_327, %dma_wait3A_328] : memref<1024x128xf32, #tpu.memory_space<vmem_shared>> -> memref<1024x128xf32, #tpu.memory_space<vmem_shared>>
      tpu.wait_indirect_dma semaphore(%arg23 : memref<!tpu.dma_semaphore, #tpu.memory_space<semaphore_mem>>) src(%arg12 : memref<128x128xf32, #tpu.memory_space<vmem>>) dst(%dma_wait3A_329 : memref<1024x128xf32, #tpu.memory_space<vmem_shared>>)
    } else {
    }
    %eq3A = arith.constant 31 : i32
    %eq3A_315 = arith.cmpi eq, %add3A, %eq3A : i32
    %convert_element_type3A_316 = arith.extui %eq3A_315 : i1 to i32
    %cond3A_317 = arith.constant 0 : i32
    %cond3A_318 = arith.cmpi ne, %convert_element_type3A_316, %cond3A_317 : i32
    scf.if %cond3A_318 {
      "tpu.region"() ({
        %run_scoped3A = tpu.sem_alloc : memref<!tpu.dma_semaphore, #tpu.memory_space<semaphore_mem>>
        %dma_start3A_327 = arith.constant 43904 : i32
        %dma_start3A_328 = tpu.memref_slice %arg3[%dma_start3A_327] : memref<100000xi32, #tpu.memory_space<hbm>> -> memref<96xi32, #tpu.memory_space<hbm>>
        %dma_start3A_329 = arith.constant 43904 : i32
        %dma_start3A_330 = tpu.memref_slice %arg3[%dma_start3A_329] : memref<100000xi32, #tpu.memory_space<hbm>> -> memref<96xi32, #tpu.memory_space<hbm>>
        tpu.enqueue_dma source(%dma_start3A_330 : memref<96xi32, #tpu.memory_space<hbm>>) target(%arg14 : memref<96xi32, #tpu.memory_space<vmem>>) target_semaphore(%run_scoped3A : memref<!tpu.dma_semaphore, #tpu.memory_space<semaphore_mem>>)
        %dma_wait3A_331 = arith.constant 43904 : i32
        %dma_wait3A_332 = tpu.memref_slice %arg3[%dma_wait3A_331] : memref<100000xi32, #tpu.memory_space<hbm>> -> memref<96xi32, #tpu.memory_space<hbm>>
        %dma_wait3A_333 = arith.constant 43904 : i32
        %dma_wait3A_334 = tpu.memref_slice %arg3[%dma_wait3A_333] : memref<100000xi32, #tpu.memory_space<hbm>> -> memref<96xi32, #tpu.memory_space<hbm>>
        tpu.wait_dma2 semaphore(%run_scoped3A : memref<!tpu.dma_semaphore, #tpu.memory_space<semaphore_mem>>) src(%dma_wait3A_334 : memref<96xi32, #tpu.memory_space<hbm>>) dst(%arg14 : memref<96xi32, #tpu.memory_space<vmem>>)
        tpu.yield
      }) : () -> ()
      "tpu.region"() ({
        %run_scoped3A = tpu.sem_alloc : memref<!tpu.dma_semaphore, #tpu.memory_space<semaphore_mem>>
        %dma_start3A_327 = arith.constant 43904 : i32
        %dma_start3A_328 = arith.constant 0 : i32
        %dma_start3A_329 = tpu.memref_slice %arg2[%dma_start3A_327, %dma_start3A_328] : memref<44000x128xf32, #tpu.memory_space<hbm>> -> memref<96x128xf32, #tpu.memory_space<hbm>>
        %dma_start3A_330 = arith.constant 43904 : i32
        %dma_start3A_331 = arith.constant 0 : i32
        %dma_start3A_332 = tpu.memref_slice %arg2[%dma_start3A_330, %dma_start3A_331] : memref<44000x128xf32, #tpu.memory_space<hbm>> -> memref<96x128xf32, #tpu.memory_space<hbm>>
        tpu.enqueue_dma source(%dma_start3A_332 : memref<96x128xf32, #tpu.memory_space<hbm>>) target(%arg15 : memref<96x128xf32, #tpu.memory_space<vmem>>) target_semaphore(%run_scoped3A : memref<!tpu.dma_semaphore, #tpu.memory_space<semaphore_mem>>)
        %dma_wait3A_333 = arith.constant 43904 : i32
        %dma_wait3A_334 = arith.constant 0 : i32
        %dma_wait3A_335 = tpu.memref_slice %arg2[%dma_wait3A_333, %dma_wait3A_334] : memref<44000x128xf32, #tpu.memory_space<hbm>> -> memref<96x128xf32, #tpu.memory_space<hbm>>
        %dma_wait3A_336 = arith.constant 43904 : i32
        %dma_wait3A_337 = arith.constant 0 : i32
        %dma_wait3A_338 = tpu.memref_slice %arg2[%dma_wait3A_336, %dma_wait3A_337] : memref<44000x128xf32, #tpu.memory_space<hbm>> -> memref<96x128xf32, #tpu.memory_space<hbm>>
        tpu.wait_dma2 semaphore(%run_scoped3A : memref<!tpu.dma_semaphore, #tpu.memory_space<semaphore_mem>>) src(%dma_wait3A_338 : memref<96x128xf32, #tpu.memory_space<hbm>>) dst(%arg15 : memref<96x128xf32, #tpu.memory_space<vmem>>)
        tpu.yield
      }) : () -> ()
      "tpu.region"() ({
        %run_scoped3A = tpu.sem_alloc : memref<!tpu.dma_semaphore, #tpu.memory_space<semaphore_mem>>
        %dma_start3A_327 = arith.constant 0 : i32
        %dma_start3A_328 = arith.constant 0 : i32
        %dma_start3A_329 = tpu.memref_slice %arg16[%dma_start3A_327, %dma_start3A_328] : memref<1024x128xf32, #tpu.memory_space<vmem_shared>> -> memref<1024x128xf32, #tpu.memory_space<vmem_shared>>
        tpu.enqueue_indirect_dma source(%arg15 : memref<96x128xf32, #tpu.memory_space<vmem>>) target(%dma_start3A_329 : memref<1024x128xf32, #tpu.memory_space<vmem_shared>>) offsets(%arg14 : memref<96xi32, #tpu.memory_space<vmem>>) semaphore(%run_scoped3A : memref<!tpu.dma_semaphore, #tpu.memory_space<semaphore_mem>>) {add = true}
        %dma_wait3A_330 = arith.constant 0 : i32
        %dma_wait3A_331 = arith.constant 0 : i32
        %dma_wait3A_332 = tpu.memref_slice %arg16[%dma_wait3A_330, %dma_wait3A_331] : memref<1024x128xf32, #tpu.memory_space<vmem_shared>> -> memref<1024x128xf32, #tpu.memory_space<vmem_shared>>
        tpu.wait_indirect_dma semaphore(%run_scoped3A : memref<!tpu.dma_semaphore, #tpu.memory_space<semaphore_mem>>) src(%arg15 : memref<96x128xf32, #tpu.memory_space<vmem>>) dst(%dma_wait3A_332 : memref<1024x128xf32, #tpu.memory_space<vmem_shared>>)
        tpu.yield
      }) : () -> ()
    } else {
    }
    %barrier3A_319 = arith.constant 0 : index
    tpu.barrier barrier_id(%barrier3A_319)
    %mul3A_320 = arith.constant 1024 : i32
    %mul3A_321 = arith.muli %arg0, %mul3A_320 : i32
    %mul3A_322 = arith.constant 64 : i32
    %mul3A_323 = arith.muli %arg1, %mul3A_322 : i32
    %add3A_324 = arith.addi %mul3A_321, %mul3A_323 : i32
    %mul3A_325 = arith.constant 64 : i32
    %mul3A_326 = arith.muli %arg1, %mul3A_325 : i32
    "tpu.region"() ({
      %run_scoped3A = tpu.sem_alloc : memref<!tpu.dma_semaphore, #tpu.memory_space<semaphore_mem>>
      %dma_start3A_327 = arith.constant 0 : i32
      %dma_start3A_328 = tpu.memref_slice %arg5[%add3A_324, %dma_start3A_327] : memref<2048x128xf32, #tpu.memory_space<hbm>> -> memref<64x128xf32, #tpu.memory_space<hbm>>
      %dma_start3A_329 = arith.constant 0 : i32
      %dma_start3A_330 = tpu.memref_slice %arg16[%mul3A_326, %dma_start3A_329] : memref<1024x128xf32, #tpu.memory_space<vmem_shared>> -> memref<64x128xf32, #tpu.memory_space<vmem_shared>>
      tpu.enqueue_dma source(%dma_start3A_330 : memref<64x128xf32, #tpu.memory_space<vmem_shared>>) target(%dma_start3A_328 : memref<64x128xf32, #tpu.memory_space<hbm>>) target_semaphore(%run_scoped3A : memref<!tpu.dma_semaphore, #tpu.memory_space<semaphore_mem>>)
      %dma_wait3A_331 = arith.constant 0 : i32
      %dma_wait3A_332 = tpu.memref_slice %arg5[%add3A_324, %dma_wait3A_331] : memref<2048x128xf32, #tpu.memory_space<hbm>> -> memref<64x128xf32, #tpu.memory_space<hbm>>
      %dma_wait3A_333 = arith.constant 0 : i32
      %dma_wait3A_334 = tpu.memref_slice %arg16[%mul3A_326, %dma_wait3A_333] : memref<1024x128xf32, #tpu.memory_space<vmem_shared>> -> memref<64x128xf32, #tpu.memory_space<vmem_shared>>
      tpu.wait_dma2 semaphore(%run_scoped3A : memref<!tpu.dma_semaphore, #tpu.memory_space<semaphore_mem>>) src(%dma_wait3A_334 : memref<64x128xf32, #tpu.memory_space<vmem_shared>>) dst(%dma_wait3A_332 : memref<64x128xf32, #tpu.memory_space<hbm>>)
      tpu.yield
    }) : () -> ()
    return
  }
}

#map = affine_map<(d0, d1) -> (0, 0)>
#map1 = affine_map<(d0, d1) -> (0)>
module attributes {stable_mosaic.version = 14 : i64} {
  func.func @body(%arg0: i32, %arg1: i32, %arg2: memref<42000x128xf32, #tpu.memory_space<hbm>>, %arg3: memref<100000xi32, #tpu.memory_space<hbm>>, %arg4: memref<1024x128xf32, #tpu.memory_space<hbm>>, %arg5: memref<2048x128xf32, #tpu.memory_space<hbm>>, %arg6: memref<128xi32, #tpu.memory_space<vmem>>, %arg7: memref<128xi32, #tpu.memory_space<vmem>>, %arg8: memref<128xi32, #tpu.memory_space<vmem>>, %arg9: memref<128xi32, #tpu.memory_space<vmem>>, %arg10: memref<128x128xf32, #tpu.memory_space<vmem>>, %arg11: memref<128x128xf32, #tpu.memory_space<vmem>>, %arg12: memref<128x128xf32, #tpu.memory_space<vmem>>, %arg13: memref<128x128xf32, #tpu.memory_space<vmem>>, %arg14: memref<16xi32, #tpu.memory_space<vmem>>, %arg15: memref<16x128xf32, #tpu.memory_space<vmem>>, %arg16: memref<1024x128xf32, #tpu.memory_space<vmem_shared>>, %arg17: memref<!tpu.dma_semaphore, #tpu.memory_space<semaphore_mem>>, %arg18: memref<!tpu.dma_semaphore, #tpu.memory_space<semaphore_mem>>, %arg19: memref<!tpu.dma_semaphore, #tpu.memory_space<semaphore_mem>>, %arg20: memref<!tpu.dma_semaphore, #tpu.memory_space<semaphore_mem>>, %arg21: memref<!tpu.dma_semaphore, #tpu.memory_space<semaphore_mem>>, %arg22: memref<!tpu.dma_semaphore, #tpu.memory_space<semaphore_mem>>, %arg23: memref<!tpu.dma_semaphore, #tpu.memory_space<semaphore_mem>>, %arg24: memref<!tpu.dma_semaphore, #tpu.memory_space<semaphore_mem>>) attributes {dimension_semantics = [#tpu.dimension_semantics<core_parallel>, #tpu.dimension_semantics<subcore_parallel>], iteration_bounds = array<i64: 2, 16>, scalar_prefetch = 0 : i64, scratch_operands = 19 : i64, tpu.core_type = #tpu.core_type<sc_vector_subcore>, window_params = [{transform_indices = #map}, {transform_indices = #map1}, {transform_indices = #map}, {transform_indices = #map}]} {
    %mul3A = arith.constant 2 : i32
    %mul3A_0 = arith.muli %arg1, %mul3A : i32
    %add3A = arith.addi %mul3A_0, %arg0 : i32
    %mul3A_1 = arith.constant 64 : i32
    %mul3A_2 = arith.muli %arg1, %mul3A_1 : i32
    %mul3A_3 = arith.constant 64 : i32
    %mul3A_4 = arith.muli %arg1, %mul3A_3 : i32
    "tpu.region"() ({
      %run_scoped3A = tpu.sem_alloc : memref<!tpu.dma_semaphore, #tpu.memory_space<semaphore_mem>>
      %dma_start3A_327 = arith.constant 0 : i32
      %dma_start3A_328 = tpu.memref_slice %arg16[%mul3A_4, %dma_start3A_327] : memref<1024x128xf32, #tpu.memory_space<vmem_shared>> -> memref<64x128xf32, #tpu.memory_space<vmem_shared>>
      %dma_start3A_329 = arith.constant 0 : i32
      %dma_start3A_330 = tpu.memref_slice %arg4[%mul3A_2, %dma_start3A_329] : memref<1024x128xf32, #tpu.memory_space<hbm>> -> memref<64x128xf32, #tpu.memory_space<hbm>>
      tpu.enqueue_dma source(%dma_start3A_330 : memref<64x128xf32, #tpu.memory_space<hbm>>) target(%dma_start3A_328 : memref<64x128xf32, #tpu.memory_space<vmem_shared>>) target_semaphore(%run_scoped3A : memref<!tpu.dma_semaphore, #tpu.memory_space<semaphore_mem>>)
      %dma_wait3A_331 = arith.constant 0 : i32
      %dma_wait3A_332 = tpu.memref_slice %arg16[%mul3A_4, %dma_wait3A_331] : memref<1024x128xf32, #tpu.memory_space<vmem_shared>> -> memref<64x128xf32, #tpu.memory_space<vmem_shared>>
      %dma_wait3A_333 = arith.constant 0 : i32
      %dma_wait3A_334 = tpu.memref_slice %arg4[%mul3A_2, %dma_wait3A_333] : memref<1024x128xf32, #tpu.memory_space<hbm>> -> memref<64x128xf32, #tpu.memory_space<hbm>>
      tpu.wait_dma2 semaphore(%run_scoped3A : memref<!tpu.dma_semaphore, #tpu.memory_space<semaphore_mem>>) src(%dma_wait3A_334 : memref<64x128xf32, #tpu.memory_space<hbm>>) dst(%dma_wait3A_332 : memref<64x128xf32, #tpu.memory_space<vmem_shared>>)
      tpu.yield
    }) : () -> ()
    %add3A_5 = arith.constant 0 : i32
    %add3A_6 = arith.addi %add3A, %add3A_5 : i32
    %mul3A_7 = arith.constant 128 : i32
    %mul3A_8 = arith.muli %add3A_6, %mul3A_7 : i32
    %add3A_9 = arith.constant 44000 : i32
    %add3A_10 = arith.addi %add3A_9, %mul3A_8 : i32
    %dma_start3A = tpu.memref_slice %arg3[%add3A_10] : memref<100000xi32, #tpu.memory_space<hbm>> -> memref<128xi32, #tpu.memory_space<hbm>>
    %dma_start3A_11 = tpu.memref_slice %arg3[%add3A_10] : memref<100000xi32, #tpu.memory_space<hbm>> -> memref<128xi32, #tpu.memory_space<hbm>>
    tpu.enqueue_dma source(%dma_start3A_11 : memref<128xi32, #tpu.memory_space<hbm>>) target(%arg6 : memref<128xi32, #tpu.memory_space<vmem>>) target_semaphore(%arg17 : memref<!tpu.dma_semaphore, #tpu.memory_space<semaphore_mem>>)
    %dma_start3A_12 = arith.constant 0 : i32
    %dma_start3A_13 = tpu.memref_slice %arg2[%mul3A_8, %dma_start3A_12] : memref<42000x128xf32, #tpu.memory_space<hbm>> -> memref<128x128xf32, #tpu.memory_space<hbm>>
    %dma_start3A_14 = arith.constant 0 : i32
    %dma_start3A_15 = tpu.memref_slice %arg2[%mul3A_8, %dma_start3A_14] : memref<42000x128xf32, #tpu.memory_space<hbm>> -> memref<128x128xf32, #tpu.memory_space<hbm>>
    tpu.enqueue_dma source(%dma_start3A_15 : memref<128x128xf32, #tpu.memory_space<hbm>>) target(%arg10 : memref<128x128xf32, #tpu.memory_space<vmem>>) target_semaphore(%arg17 : memref<!tpu.dma_semaphore, #tpu.memory_space<semaphore_mem>>)
    %barrier3A = arith.constant 0 : index
    tpu.barrier barrier_id(%barrier3A)
    %add3A_16 = arith.constant 32 : i32
    %add3A_17 = arith.addi %add3A, %add3A_16 : i32
    %mul3A_18 = arith.constant 128 : i32
    %mul3A_19 = arith.muli %add3A_17, %mul3A_18 : i32
    %add3A_20 = arith.constant 44000 : i32
    %add3A_21 = arith.addi %add3A_20, %mul3A_19 : i32
    %dma_start3A_22 = tpu.memref_slice %arg3[%add3A_21] : memref<100000xi32, #tpu.memory_space<hbm>> -> memref<128xi32, #tpu.memory_space<hbm>>
    %dma_start3A_23 = tpu.memref_slice %arg3[%add3A_21] : memref<100000xi32, #tpu.memory_space<hbm>> -> memref<128xi32, #tpu.memory_space<hbm>>
    tpu.enqueue_dma source(%dma_start3A_23 : memref<128xi32, #tpu.memory_space<hbm>>) target(%arg7 : memref<128xi32, #tpu.memory_space<vmem>>) target_semaphore(%arg18 : memref<!tpu.dma_semaphore, #tpu.memory_space<semaphore_mem>>)
    %dma_start3A_24 = arith.constant 0 : i32
    %dma_start3A_25 = tpu.memref_slice %arg2[%mul3A_19, %dma_start3A_24] : memref<42000x128xf32, #tpu.memory_space<hbm>> -> memref<128x128xf32, #tpu.memory_space<hbm>>
    %dma_start3A_26 = arith.constant 0 : i32
    %dma_start3A_27 = tpu.memref_slice %arg2[%mul3A_19, %dma_start3A_26] : memref<42000x128xf32, #tpu.memory_space<hbm>> -> memref<128x128xf32, #tpu.memory_space<hbm>>
    tpu.enqueue_dma source(%dma_start3A_27 : memref<128x128xf32, #tpu.memory_space<hbm>>) target(%arg11 : memref<128x128xf32, #tpu.memory_space<vmem>>) target_semaphore(%arg18 : memref<!tpu.dma_semaphore, #tpu.memory_space<semaphore_mem>>)
    %add3A_28 = arith.constant 0 : i32
    %add3A_29 = arith.addi %add3A, %add3A_28 : i32
    %mul3A_30 = arith.constant 128 : i32
    %mul3A_31 = arith.muli %add3A_29, %mul3A_30 : i32
    %add3A_32 = arith.constant 44000 : i32
    %add3A_33 = arith.addi %add3A_32, %mul3A_31 : i32
    %dma_wait3A = tpu.memref_slice %arg3[%add3A_33] : memref<100000xi32, #tpu.memory_space<hbm>> -> memref<128xi32, #tpu.memory_space<hbm>>
    %dma_wait3A_34 = tpu.memref_slice %arg3[%add3A_33] : memref<100000xi32, #tpu.memory_space<hbm>> -> memref<128xi32, #tpu.memory_space<hbm>>
    tpu.wait_dma2 semaphore(%arg17 : memref<!tpu.dma_semaphore, #tpu.memory_space<semaphore_mem>>) src(%dma_wait3A_34 : memref<128xi32, #tpu.memory_space<hbm>>) dst(%arg6 : memref<128xi32, #tpu.memory_space<vmem>>)
    %dma_wait3A_35 = arith.constant 0 : i32
    %dma_wait3A_36 = tpu.memref_slice %arg2[%mul3A_31, %dma_wait3A_35] : memref<42000x128xf32, #tpu.memory_space<hbm>> -> memref<128x128xf32, #tpu.memory_space<hbm>>
    %dma_wait3A_37 = arith.constant 0 : i32
    %dma_wait3A_38 = tpu.memref_slice %arg2[%mul3A_31, %dma_wait3A_37] : memref<42000x128xf32, #tpu.memory_space<hbm>> -> memref<128x128xf32, #tpu.memory_space<hbm>>
    tpu.wait_dma2 semaphore(%arg17 : memref<!tpu.dma_semaphore, #tpu.memory_space<semaphore_mem>>) src(%dma_wait3A_38 : memref<128x128xf32, #tpu.memory_space<hbm>>) dst(%arg10 : memref<128x128xf32, #tpu.memory_space<vmem>>)
    %dma_start3A_39 = arith.constant 0 : i32
    %dma_start3A_40 = arith.constant 0 : i32
    %dma_start3A_41 = tpu.memref_slice %arg16[%dma_start3A_39, %dma_start3A_40] : memref<1024x128xf32, #tpu.memory_space<vmem_shared>> -> memref<1024x128xf32, #tpu.memory_space<vmem_shared>>
    tpu.enqueue_indirect_dma source(%arg10 : memref<128x128xf32, #tpu.memory_space<vmem>>) target(%dma_start3A_41 : memref<1024x128xf32, #tpu.memory_space<vmem_shared>>) offsets(%arg6 : memref<128xi32, #tpu.memory_space<vmem>>) semaphore(%arg21 : memref<!tpu.dma_semaphore, #tpu.memory_space<semaphore_mem>>) {add = true}
    %add3A_42 = arith.constant 64 : i32
    %add3A_43 = arith.addi %add3A, %add3A_42 : i32
    %mul3A_44 = arith.constant 128 : i32
    %mul3A_45 = arith.muli %add3A_43, %mul3A_44 : i32
    %add3A_46 = arith.constant 44000 : i32
    %add3A_47 = arith.addi %add3A_46, %mul3A_45 : i32
    %dma_start3A_48 = tpu.memref_slice %arg3[%add3A_47] : memref<100000xi32, #tpu.memory_space<hbm>> -> memref<128xi32, #tpu.memory_space<hbm>>
    %dma_start3A_49 = tpu.memref_slice %arg3[%add3A_47] : memref<100000xi32, #tpu.memory_space<hbm>> -> memref<128xi32, #tpu.memory_space<hbm>>
    tpu.enqueue_dma source(%dma_start3A_49 : memref<128xi32, #tpu.memory_space<hbm>>) target(%arg8 : memref<128xi32, #tpu.memory_space<vmem>>) target_semaphore(%arg19 : memref<!tpu.dma_semaphore, #tpu.memory_space<semaphore_mem>>)
    %dma_start3A_50 = arith.constant 0 : i32
    %dma_start3A_51 = tpu.memref_slice %arg2[%mul3A_45, %dma_start3A_50] : memref<42000x128xf32, #tpu.memory_space<hbm>> -> memref<128x128xf32, #tpu.memory_space<hbm>>
    %dma_start3A_52 = arith.constant 0 : i32
    %dma_start3A_53 = tpu.memref_slice %arg2[%mul3A_45, %dma_start3A_52] : memref<42000x128xf32, #tpu.memory_space<hbm>> -> memref<128x128xf32, #tpu.memory_space<hbm>>
    tpu.enqueue_dma source(%dma_start3A_53 : memref<128x128xf32, #tpu.memory_space<hbm>>) target(%arg12 : memref<128x128xf32, #tpu.memory_space<vmem>>) target_semaphore(%arg19 : memref<!tpu.dma_semaphore, #tpu.memory_space<semaphore_mem>>)
    %add3A_54 = arith.constant 32 : i32
    %add3A_55 = arith.addi %add3A, %add3A_54 : i32
    %mul3A_56 = arith.constant 128 : i32
    %mul3A_57 = arith.muli %add3A_55, %mul3A_56 : i32
    %add3A_58 = arith.constant 44000 : i32
    %add3A_59 = arith.addi %add3A_58, %mul3A_57 : i32
    %dma_wait3A_60 = tpu.memref_slice %arg3[%add3A_59] : memref<100000xi32, #tpu.memory_space<hbm>> -> memref<128xi32, #tpu.memory_space<hbm>>
    %dma_wait3A_61 = tpu.memref_slice %arg3[%add3A_59] : memref<100000xi32, #tpu.memory_space<hbm>> -> memref<128xi32, #tpu.memory_space<hbm>>
    tpu.wait_dma2 semaphore(%arg18 : memref<!tpu.dma_semaphore, #tpu.memory_space<semaphore_mem>>) src(%dma_wait3A_61 : memref<128xi32, #tpu.memory_space<hbm>>) dst(%arg7 : memref<128xi32, #tpu.memory_space<vmem>>)
    %dma_wait3A_62 = arith.constant 0 : i32
    %dma_wait3A_63 = tpu.memref_slice %arg2[%mul3A_57, %dma_wait3A_62] : memref<42000x128xf32, #tpu.memory_space<hbm>> -> memref<128x128xf32, #tpu.memory_space<hbm>>
    %dma_wait3A_64 = arith.constant 0 : i32
    %dma_wait3A_65 = tpu.memref_slice %arg2[%mul3A_57, %dma_wait3A_64] : memref<42000x128xf32, #tpu.memory_space<hbm>> -> memref<128x128xf32, #tpu.memory_space<hbm>>
    tpu.wait_dma2 semaphore(%arg18 : memref<!tpu.dma_semaphore, #tpu.memory_space<semaphore_mem>>) src(%dma_wait3A_65 : memref<128x128xf32, #tpu.memory_space<hbm>>) dst(%arg11 : memref<128x128xf32, #tpu.memory_space<vmem>>)
    %dma_start3A_66 = arith.constant 0 : i32
    %dma_start3A_67 = arith.constant 0 : i32
    %dma_start3A_68 = tpu.memref_slice %arg16[%dma_start3A_66, %dma_start3A_67] : memref<1024x128xf32, #tpu.memory_space<vmem_shared>> -> memref<1024x128xf32, #tpu.memory_space<vmem_shared>>
    tpu.enqueue_indirect_dma source(%arg11 : memref<128x128xf32, #tpu.memory_space<vmem>>) target(%dma_start3A_68 : memref<1024x128xf32, #tpu.memory_space<vmem_shared>>) offsets(%arg7 : memref<128xi32, #tpu.memory_space<vmem>>) semaphore(%arg22 : memref<!tpu.dma_semaphore, #tpu.memory_space<semaphore_mem>>) {add = true}
    %add3A_69 = arith.constant 96 : i32
    %add3A_70 = arith.addi %add3A, %add3A_69 : i32
    %mul3A_71 = arith.constant 128 : i32
    %mul3A_72 = arith.muli %add3A_70, %mul3A_71 : i32
    %add3A_73 = arith.constant 44000 : i32
    %add3A_74 = arith.addi %add3A_73, %mul3A_72 : i32
    %dma_start3A_75 = tpu.memref_slice %arg3[%add3A_74] : memref<100000xi32, #tpu.memory_space<hbm>> -> memref<128xi32, #tpu.memory_space<hbm>>
    %dma_start3A_76 = tpu.memref_slice %arg3[%add3A_74] : memref<100000xi32, #tpu.memory_space<hbm>> -> memref<128xi32, #tpu.memory_space<hbm>>
    tpu.enqueue_dma source(%dma_start3A_76 : memref<128xi32, #tpu.memory_space<hbm>>) target(%arg9 : memref<128xi32, #tpu.memory_space<vmem>>) target_semaphore(%arg20 : memref<!tpu.dma_semaphore, #tpu.memory_space<semaphore_mem>>)
    %dma_start3A_77 = arith.constant 0 : i32
    %dma_start3A_78 = tpu.memref_slice %arg2[%mul3A_72, %dma_start3A_77] : memref<42000x128xf32, #tpu.memory_space<hbm>> -> memref<128x128xf32, #tpu.memory_space<hbm>>
    %dma_start3A_79 = arith.constant 0 : i32
    %dma_start3A_80 = tpu.memref_slice %arg2[%mul3A_72, %dma_start3A_79] : memref<42000x128xf32, #tpu.memory_space<hbm>> -> memref<128x128xf32, #tpu.memory_space<hbm>>
    tpu.enqueue_dma source(%dma_start3A_80 : memref<128x128xf32, #tpu.memory_space<hbm>>) target(%arg13 : memref<128x128xf32, #tpu.memory_space<vmem>>) target_semaphore(%arg20 : memref<!tpu.dma_semaphore, #tpu.memory_space<semaphore_mem>>)
    %add3A_81 = arith.constant 64 : i32
    %add3A_82 = arith.addi %add3A, %add3A_81 : i32
    %mul3A_83 = arith.constant 128 : i32
    %mul3A_84 = arith.muli %add3A_82, %mul3A_83 : i32
    %add3A_85 = arith.constant 44000 : i32
    %add3A_86 = arith.addi %add3A_85, %mul3A_84 : i32
    %dma_wait3A_87 = tpu.memref_slice %arg3[%add3A_86] : memref<100000xi32, #tpu.memory_space<hbm>> -> memref<128xi32, #tpu.memory_space<hbm>>
    %dma_wait3A_88 = tpu.memref_slice %arg3[%add3A_86] : memref<100000xi32, #tpu.memory_space<hbm>> -> memref<128xi32, #tpu.memory_space<hbm>>
    tpu.wait_dma2 semaphore(%arg19 : memref<!tpu.dma_semaphore, #tpu.memory_space<semaphore_mem>>) src(%dma_wait3A_88 : memref<128xi32, #tpu.memory_space<hbm>>) dst(%arg8 : memref<128xi32, #tpu.memory_space<vmem>>)
    %dma_wait3A_89 = arith.constant 0 : i32
    %dma_wait3A_90 = tpu.memref_slice %arg2[%mul3A_84, %dma_wait3A_89] : memref<42000x128xf32, #tpu.memory_space<hbm>> -> memref<128x128xf32, #tpu.memory_space<hbm>>
    %dma_wait3A_91 = arith.constant 0 : i32
    %dma_wait3A_92 = tpu.memref_slice %arg2[%mul3A_84, %dma_wait3A_91] : memref<42000x128xf32, #tpu.memory_space<hbm>> -> memref<128x128xf32, #tpu.memory_space<hbm>>
    tpu.wait_dma2 semaphore(%arg19 : memref<!tpu.dma_semaphore, #tpu.memory_space<semaphore_mem>>) src(%dma_wait3A_92 : memref<128x128xf32, #tpu.memory_space<hbm>>) dst(%arg12 : memref<128x128xf32, #tpu.memory_space<vmem>>)
    %dma_start3A_93 = arith.constant 0 : i32
    %dma_start3A_94 = arith.constant 0 : i32
    %dma_start3A_95 = tpu.memref_slice %arg16[%dma_start3A_93, %dma_start3A_94] : memref<1024x128xf32, #tpu.memory_space<vmem_shared>> -> memref<1024x128xf32, #tpu.memory_space<vmem_shared>>
    tpu.enqueue_indirect_dma source(%arg12 : memref<128x128xf32, #tpu.memory_space<vmem>>) target(%dma_start3A_95 : memref<1024x128xf32, #tpu.memory_space<vmem_shared>>) offsets(%arg8 : memref<128xi32, #tpu.memory_space<vmem>>) semaphore(%arg23 : memref<!tpu.dma_semaphore, #tpu.memory_space<semaphore_mem>>) {add = true}
    %dma_wait3A_96 = arith.constant 0 : i32
    %dma_wait3A_97 = arith.constant 0 : i32
    %dma_wait3A_98 = tpu.memref_slice %arg16[%dma_wait3A_96, %dma_wait3A_97] : memref<1024x128xf32, #tpu.memory_space<vmem_shared>> -> memref<1024x128xf32, #tpu.memory_space<vmem_shared>>
    tpu.wait_indirect_dma semaphore(%arg21 : memref<!tpu.dma_semaphore, #tpu.memory_space<semaphore_mem>>) src(%arg10 : memref<128x128xf32, #tpu.memory_space<vmem>>) dst(%dma_wait3A_98 : memref<1024x128xf32, #tpu.memory_space<vmem_shared>>)
    %add3A_99 = arith.constant 128 : i32
    %add3A_100 = arith.addi %add3A, %add3A_99 : i32
    %mul3A_101 = arith.constant 128 : i32
    %mul3A_102 = arith.muli %add3A_100, %mul3A_101 : i32
    %add3A_103 = arith.constant 44000 : i32
    %add3A_104 = arith.addi %add3A_103, %mul3A_102 : i32
    %dma_start3A_105 = tpu.memref_slice %arg3[%add3A_104] : memref<100000xi32, #tpu.memory_space<hbm>> -> memref<128xi32, #tpu.memory_space<hbm>>
    %dma_start3A_106 = tpu.memref_slice %arg3[%add3A_104] : memref<100000xi32, #tpu.memory_space<hbm>> -> memref<128xi32, #tpu.memory_space<hbm>>
    tpu.enqueue_dma source(%dma_start3A_106 : memref<128xi32, #tpu.memory_space<hbm>>) target(%arg6 : memref<128xi32, #tpu.memory_space<vmem>>) target_semaphore(%arg17 : memref<!tpu.dma_semaphore, #tpu.memory_space<semaphore_mem>>)
    %dma_start3A_107 = arith.constant 0 : i32
    %dma_start3A_108 = tpu.memref_slice %arg2[%mul3A_102, %dma_start3A_107] : memref<42000x128xf32, #tpu.memory_space<hbm>> -> memref<128x128xf32, #tpu.memory_space<hbm>>
    %dma_start3A_109 = arith.constant 0 : i32
    %dma_start3A_110 = tpu.memref_slice %arg2[%mul3A_102, %dma_start3A_109] : memref<42000x128xf32, #tpu.memory_space<hbm>> -> memref<128x128xf32, #tpu.memory_space<hbm>>
    tpu.enqueue_dma source(%dma_start3A_110 : memref<128x128xf32, #tpu.memory_space<hbm>>) target(%arg10 : memref<128x128xf32, #tpu.memory_space<vmem>>) target_semaphore(%arg17 : memref<!tpu.dma_semaphore, #tpu.memory_space<semaphore_mem>>)
    %add3A_111 = arith.constant 96 : i32
    %add3A_112 = arith.addi %add3A, %add3A_111 : i32
    %mul3A_113 = arith.constant 128 : i32
    %mul3A_114 = arith.muli %add3A_112, %mul3A_113 : i32
    %add3A_115 = arith.constant 44000 : i32
    %add3A_116 = arith.addi %add3A_115, %mul3A_114 : i32
    %dma_wait3A_117 = tpu.memref_slice %arg3[%add3A_116] : memref<100000xi32, #tpu.memory_space<hbm>> -> memref<128xi32, #tpu.memory_space<hbm>>
    %dma_wait3A_118 = tpu.memref_slice %arg3[%add3A_116] : memref<100000xi32, #tpu.memory_space<hbm>> -> memref<128xi32, #tpu.memory_space<hbm>>
    tpu.wait_dma2 semaphore(%arg20 : memref<!tpu.dma_semaphore, #tpu.memory_space<semaphore_mem>>) src(%dma_wait3A_118 : memref<128xi32, #tpu.memory_space<hbm>>) dst(%arg9 : memref<128xi32, #tpu.memory_space<vmem>>)
    %dma_wait3A_119 = arith.constant 0 : i32
    %dma_wait3A_120 = tpu.memref_slice %arg2[%mul3A_114, %dma_wait3A_119] : memref<42000x128xf32, #tpu.memory_space<hbm>> -> memref<128x128xf32, #tpu.memory_space<hbm>>
    %dma_wait3A_121 = arith.constant 0 : i32
    %dma_wait3A_122 = tpu.memref_slice %arg2[%mul3A_114, %dma_wait3A_121] : memref<42000x128xf32, #tpu.memory_space<hbm>> -> memref<128x128xf32, #tpu.memory_space<hbm>>
    tpu.wait_dma2 semaphore(%arg20 : memref<!tpu.dma_semaphore, #tpu.memory_space<semaphore_mem>>) src(%dma_wait3A_122 : memref<128x128xf32, #tpu.memory_space<hbm>>) dst(%arg13 : memref<128x128xf32, #tpu.memory_space<vmem>>)
    %dma_start3A_123 = arith.constant 0 : i32
    %dma_start3A_124 = arith.constant 0 : i32
    %dma_start3A_125 = tpu.memref_slice %arg16[%dma_start3A_123, %dma_start3A_124] : memref<1024x128xf32, #tpu.memory_space<vmem_shared>> -> memref<1024x128xf32, #tpu.memory_space<vmem_shared>>
    tpu.enqueue_indirect_dma source(%arg13 : memref<128x128xf32, #tpu.memory_space<vmem>>) target(%dma_start3A_125 : memref<1024x128xf32, #tpu.memory_space<vmem_shared>>) offsets(%arg9 : memref<128xi32, #tpu.memory_space<vmem>>) semaphore(%arg24 : memref<!tpu.dma_semaphore, #tpu.memory_space<semaphore_mem>>) {add = true}
    %dma_wait3A_126 = arith.constant 0 : i32
    %dma_wait3A_127 = arith.constant 0 : i32
    %dma_wait3A_128 = tpu.memref_slice %arg16[%dma_wait3A_126, %dma_wait3A_127] : memref<1024x128xf32, #tpu.memory_space<vmem_shared>> -> memref<1024x128xf32, #tpu.memory_space<vmem_shared>>
    tpu.wait_indirect_dma semaphore(%arg22 : memref<!tpu.dma_semaphore, #tpu.memory_space<semaphore_mem>>) src(%arg11 : memref<128x128xf32, #tpu.memory_space<vmem>>) dst(%dma_wait3A_128 : memref<1024x128xf32, #tpu.memory_space<vmem_shared>>)
    %add3A_129 = arith.constant 160 : i32
    %add3A_130 = arith.addi %add3A, %add3A_129 : i32
    %mul3A_131 = arith.constant 128 : i32
    %mul3A_132 = arith.muli %add3A_130, %mul3A_131 : i32
    %add3A_133 = arith.constant 44000 : i32
    %add3A_134 = arith.addi %add3A_133, %mul3A_132 : i32
    %dma_start3A_135 = tpu.memref_slice %arg3[%add3A_134] : memref<100000xi32, #tpu.memory_space<hbm>> -> memref<128xi32, #tpu.memory_space<hbm>>
    %dma_start3A_136 = tpu.memref_slice %arg3[%add3A_134] : memref<100000xi32, #tpu.memory_space<hbm>> -> memref<128xi32, #tpu.memory_space<hbm>>
    tpu.enqueue_dma source(%dma_start3A_136 : memref<128xi32, #tpu.memory_space<hbm>>) target(%arg7 : memref<128xi32, #tpu.memory_space<vmem>>) target_semaphore(%arg18 : memref<!tpu.dma_semaphore, #tpu.memory_space<semaphore_mem>>)
    %dma_start3A_137 = arith.constant 0 : i32
    %dma_start3A_138 = tpu.memref_slice %arg2[%mul3A_132, %dma_start3A_137] : memref<42000x128xf32, #tpu.memory_space<hbm>> -> memref<128x128xf32, #tpu.memory_space<hbm>>
    %dma_start3A_139 = arith.constant 0 : i32
    %dma_start3A_140 = tpu.memref_slice %arg2[%mul3A_132, %dma_start3A_139] : memref<42000x128xf32, #tpu.memory_space<hbm>> -> memref<128x128xf32, #tpu.memory_space<hbm>>
    tpu.enqueue_dma source(%dma_start3A_140 : memref<128x128xf32, #tpu.memory_space<hbm>>) target(%arg11 : memref<128x128xf32, #tpu.memory_space<vmem>>) target_semaphore(%arg18 : memref<!tpu.dma_semaphore, #tpu.memory_space<semaphore_mem>>)
    %add3A_141 = arith.constant 128 : i32
    %add3A_142 = arith.addi %add3A, %add3A_141 : i32
    %mul3A_143 = arith.constant 128 : i32
    %mul3A_144 = arith.muli %add3A_142, %mul3A_143 : i32
    %add3A_145 = arith.constant 44000 : i32
    %add3A_146 = arith.addi %add3A_145, %mul3A_144 : i32
    %dma_wait3A_147 = tpu.memref_slice %arg3[%add3A_146] : memref<100000xi32, #tpu.memory_space<hbm>> -> memref<128xi32, #tpu.memory_space<hbm>>
    %dma_wait3A_148 = tpu.memref_slice %arg3[%add3A_146] : memref<100000xi32, #tpu.memory_space<hbm>> -> memref<128xi32, #tpu.memory_space<hbm>>
    tpu.wait_dma2 semaphore(%arg17 : memref<!tpu.dma_semaphore, #tpu.memory_space<semaphore_mem>>) src(%dma_wait3A_148 : memref<128xi32, #tpu.memory_space<hbm>>) dst(%arg6 : memref<128xi32, #tpu.memory_space<vmem>>)
    %dma_wait3A_149 = arith.constant 0 : i32
    %dma_wait3A_150 = tpu.memref_slice %arg2[%mul3A_144, %dma_wait3A_149] : memref<42000x128xf32, #tpu.memory_space<hbm>> -> memref<128x128xf32, #tpu.memory_space<hbm>>
    %dma_wait3A_151 = arith.constant 0 : i32
    %dma_wait3A_152 = tpu.memref_slice %arg2[%mul3A_144, %dma_wait3A_151] : memref<42000x128xf32, #tpu.memory_space<hbm>> -> memref<128x128xf32, #tpu.memory_space<hbm>>
    tpu.wait_dma2 semaphore(%arg17 : memref<!tpu.dma_semaphore, #tpu.memory_space<semaphore_mem>>) src(%dma_wait3A_152 : memref<128x128xf32, #tpu.memory_space<hbm>>) dst(%arg10 : memref<128x128xf32, #tpu.memory_space<vmem>>)
    %dma_start3A_153 = arith.constant 0 : i32
    %dma_start3A_154 = arith.constant 0 : i32
    %dma_start3A_155 = tpu.memref_slice %arg16[%dma_start3A_153, %dma_start3A_154] : memref<1024x128xf32, #tpu.memory_space<vmem_shared>> -> memref<1024x128xf32, #tpu.memory_space<vmem_shared>>
    tpu.enqueue_indirect_dma source(%arg10 : memref<128x128xf32, #tpu.memory_space<vmem>>) target(%dma_start3A_155 : memref<1024x128xf32, #tpu.memory_space<vmem_shared>>) offsets(%arg6 : memref<128xi32, #tpu.memory_space<vmem>>) semaphore(%arg21 : memref<!tpu.dma_semaphore, #tpu.memory_space<semaphore_mem>>) {add = true}
    %dma_wait3A_156 = arith.constant 0 : i32
    %dma_wait3A_157 = arith.constant 0 : i32
    %dma_wait3A_158 = tpu.memref_slice %arg16[%dma_wait3A_156, %dma_wait3A_157] : memref<1024x128xf32, #tpu.memory_space<vmem_shared>> -> memref<1024x128xf32, #tpu.memory_space<vmem_shared>>
    tpu.wait_indirect_dma semaphore(%arg23 : memref<!tpu.dma_semaphore, #tpu.memory_space<semaphore_mem>>) src(%arg12 : memref<128x128xf32, #tpu.memory_space<vmem>>) dst(%dma_wait3A_158 : memref<1024x128xf32, #tpu.memory_space<vmem_shared>>)
    %add3A_159 = arith.constant 192 : i32
    %add3A_160 = arith.addi %add3A, %add3A_159 : i32
    %mul3A_161 = arith.constant 128 : i32
    %mul3A_162 = arith.muli %add3A_160, %mul3A_161 : i32
    %add3A_163 = arith.constant 44000 : i32
    %add3A_164 = arith.addi %add3A_163, %mul3A_162 : i32
    %dma_start3A_165 = tpu.memref_slice %arg3[%add3A_164] : memref<100000xi32, #tpu.memory_space<hbm>> -> memref<128xi32, #tpu.memory_space<hbm>>
    %dma_start3A_166 = tpu.memref_slice %arg3[%add3A_164] : memref<100000xi32, #tpu.memory_space<hbm>> -> memref<128xi32, #tpu.memory_space<hbm>>
    tpu.enqueue_dma source(%dma_start3A_166 : memref<128xi32, #tpu.memory_space<hbm>>) target(%arg8 : memref<128xi32, #tpu.memory_space<vmem>>) target_semaphore(%arg19 : memref<!tpu.dma_semaphore, #tpu.memory_space<semaphore_mem>>)
    %dma_start3A_167 = arith.constant 0 : i32
    %dma_start3A_168 = tpu.memref_slice %arg2[%mul3A_162, %dma_start3A_167] : memref<42000x128xf32, #tpu.memory_space<hbm>> -> memref<128x128xf32, #tpu.memory_space<hbm>>
    %dma_start3A_169 = arith.constant 0 : i32
    %dma_start3A_170 = tpu.memref_slice %arg2[%mul3A_162, %dma_start3A_169] : memref<42000x128xf32, #tpu.memory_space<hbm>> -> memref<128x128xf32, #tpu.memory_space<hbm>>
    tpu.enqueue_dma source(%dma_start3A_170 : memref<128x128xf32, #tpu.memory_space<hbm>>) target(%arg12 : memref<128x128xf32, #tpu.memory_space<vmem>>) target_semaphore(%arg19 : memref<!tpu.dma_semaphore, #tpu.memory_space<semaphore_mem>>)
    %add3A_171 = arith.constant 160 : i32
    %add3A_172 = arith.addi %add3A, %add3A_171 : i32
    %mul3A_173 = arith.constant 128 : i32
    %mul3A_174 = arith.muli %add3A_172, %mul3A_173 : i32
    %add3A_175 = arith.constant 44000 : i32
    %add3A_176 = arith.addi %add3A_175, %mul3A_174 : i32
    %dma_wait3A_177 = tpu.memref_slice %arg3[%add3A_176] : memref<100000xi32, #tpu.memory_space<hbm>> -> memref<128xi32, #tpu.memory_space<hbm>>
    %dma_wait3A_178 = tpu.memref_slice %arg3[%add3A_176] : memref<100000xi32, #tpu.memory_space<hbm>> -> memref<128xi32, #tpu.memory_space<hbm>>
    tpu.wait_dma2 semaphore(%arg18 : memref<!tpu.dma_semaphore, #tpu.memory_space<semaphore_mem>>) src(%dma_wait3A_178 : memref<128xi32, #tpu.memory_space<hbm>>) dst(%arg7 : memref<128xi32, #tpu.memory_space<vmem>>)
    %dma_wait3A_179 = arith.constant 0 : i32
    %dma_wait3A_180 = tpu.memref_slice %arg2[%mul3A_174, %dma_wait3A_179] : memref<42000x128xf32, #tpu.memory_space<hbm>> -> memref<128x128xf32, #tpu.memory_space<hbm>>
    %dma_wait3A_181 = arith.constant 0 : i32
    %dma_wait3A_182 = tpu.memref_slice %arg2[%mul3A_174, %dma_wait3A_181] : memref<42000x128xf32, #tpu.memory_space<hbm>> -> memref<128x128xf32, #tpu.memory_space<hbm>>
    tpu.wait_dma2 semaphore(%arg18 : memref<!tpu.dma_semaphore, #tpu.memory_space<semaphore_mem>>) src(%dma_wait3A_182 : memref<128x128xf32, #tpu.memory_space<hbm>>) dst(%arg11 : memref<128x128xf32, #tpu.memory_space<vmem>>)
    %dma_start3A_183 = arith.constant 0 : i32
    %dma_start3A_184 = arith.constant 0 : i32
    %dma_start3A_185 = tpu.memref_slice %arg16[%dma_start3A_183, %dma_start3A_184] : memref<1024x128xf32, #tpu.memory_space<vmem_shared>> -> memref<1024x128xf32, #tpu.memory_space<vmem_shared>>
    tpu.enqueue_indirect_dma source(%arg11 : memref<128x128xf32, #tpu.memory_space<vmem>>) target(%dma_start3A_185 : memref<1024x128xf32, #tpu.memory_space<vmem_shared>>) offsets(%arg7 : memref<128xi32, #tpu.memory_space<vmem>>) semaphore(%arg22 : memref<!tpu.dma_semaphore, #tpu.memory_space<semaphore_mem>>) {add = true}
    %dma_wait3A_186 = arith.constant 0 : i32
    %dma_wait3A_187 = arith.constant 0 : i32
    %dma_wait3A_188 = tpu.memref_slice %arg16[%dma_wait3A_186, %dma_wait3A_187] : memref<1024x128xf32, #tpu.memory_space<vmem_shared>> -> memref<1024x128xf32, #tpu.memory_space<vmem_shared>>
    tpu.wait_indirect_dma semaphore(%arg24 : memref<!tpu.dma_semaphore, #tpu.memory_space<semaphore_mem>>) src(%arg13 : memref<128x128xf32, #tpu.memory_space<vmem>>) dst(%dma_wait3A_188 : memref<1024x128xf32, #tpu.memory_space<vmem_shared>>)
    %add3A_189 = arith.constant 224 : i32
    %add3A_190 = arith.addi %add3A, %add3A_189 : i32
    %mul3A_191 = arith.constant 128 : i32
    %mul3A_192 = arith.muli %add3A_190, %mul3A_191 : i32
    %add3A_193 = arith.constant 44000 : i32
    %add3A_194 = arith.addi %add3A_193, %mul3A_192 : i32
    %dma_start3A_195 = tpu.memref_slice %arg3[%add3A_194] : memref<100000xi32, #tpu.memory_space<hbm>> -> memref<128xi32, #tpu.memory_space<hbm>>
    %dma_start3A_196 = tpu.memref_slice %arg3[%add3A_194] : memref<100000xi32, #tpu.memory_space<hbm>> -> memref<128xi32, #tpu.memory_space<hbm>>
    tpu.enqueue_dma source(%dma_start3A_196 : memref<128xi32, #tpu.memory_space<hbm>>) target(%arg9 : memref<128xi32, #tpu.memory_space<vmem>>) target_semaphore(%arg20 : memref<!tpu.dma_semaphore, #tpu.memory_space<semaphore_mem>>)
    %dma_start3A_197 = arith.constant 0 : i32
    %dma_start3A_198 = tpu.memref_slice %arg2[%mul3A_192, %dma_start3A_197] : memref<42000x128xf32, #tpu.memory_space<hbm>> -> memref<128x128xf32, #tpu.memory_space<hbm>>
    %dma_start3A_199 = arith.constant 0 : i32
    %dma_start3A_200 = tpu.memref_slice %arg2[%mul3A_192, %dma_start3A_199] : memref<42000x128xf32, #tpu.memory_space<hbm>> -> memref<128x128xf32, #tpu.memory_space<hbm>>
    tpu.enqueue_dma source(%dma_start3A_200 : memref<128x128xf32, #tpu.memory_space<hbm>>) target(%arg13 : memref<128x128xf32, #tpu.memory_space<vmem>>) target_semaphore(%arg20 : memref<!tpu.dma_semaphore, #tpu.memory_space<semaphore_mem>>)
    %add3A_201 = arith.constant 192 : i32
    %add3A_202 = arith.addi %add3A, %add3A_201 : i32
    %mul3A_203 = arith.constant 128 : i32
    %mul3A_204 = arith.muli %add3A_202, %mul3A_203 : i32
    %add3A_205 = arith.constant 44000 : i32
    %add3A_206 = arith.addi %add3A_205, %mul3A_204 : i32
    %dma_wait3A_207 = tpu.memref_slice %arg3[%add3A_206] : memref<100000xi32, #tpu.memory_space<hbm>> -> memref<128xi32, #tpu.memory_space<hbm>>
    %dma_wait3A_208 = tpu.memref_slice %arg3[%add3A_206] : memref<100000xi32, #tpu.memory_space<hbm>> -> memref<128xi32, #tpu.memory_space<hbm>>
    tpu.wait_dma2 semaphore(%arg19 : memref<!tpu.dma_semaphore, #tpu.memory_space<semaphore_mem>>) src(%dma_wait3A_208 : memref<128xi32, #tpu.memory_space<hbm>>) dst(%arg8 : memref<128xi32, #tpu.memory_space<vmem>>)
    %dma_wait3A_209 = arith.constant 0 : i32
    %dma_wait3A_210 = tpu.memref_slice %arg2[%mul3A_204, %dma_wait3A_209] : memref<42000x128xf32, #tpu.memory_space<hbm>> -> memref<128x128xf32, #tpu.memory_space<hbm>>
    %dma_wait3A_211 = arith.constant 0 : i32
    %dma_wait3A_212 = tpu.memref_slice %arg2[%mul3A_204, %dma_wait3A_211] : memref<42000x128xf32, #tpu.memory_space<hbm>> -> memref<128x128xf32, #tpu.memory_space<hbm>>
    tpu.wait_dma2 semaphore(%arg19 : memref<!tpu.dma_semaphore, #tpu.memory_space<semaphore_mem>>) src(%dma_wait3A_212 : memref<128x128xf32, #tpu.memory_space<hbm>>) dst(%arg12 : memref<128x128xf32, #tpu.memory_space<vmem>>)
    %dma_start3A_213 = arith.constant 0 : i32
    %dma_start3A_214 = arith.constant 0 : i32
    %dma_start3A_215 = tpu.memref_slice %arg16[%dma_start3A_213, %dma_start3A_214] : memref<1024x128xf32, #tpu.memory_space<vmem_shared>> -> memref<1024x128xf32, #tpu.memory_space<vmem_shared>>
    tpu.enqueue_indirect_dma source(%arg12 : memref<128x128xf32, #tpu.memory_space<vmem>>) target(%dma_start3A_215 : memref<1024x128xf32, #tpu.memory_space<vmem_shared>>) offsets(%arg8 : memref<128xi32, #tpu.memory_space<vmem>>) semaphore(%arg23 : memref<!tpu.dma_semaphore, #tpu.memory_space<semaphore_mem>>) {add = true}
    %dma_wait3A_216 = arith.constant 0 : i32
    %dma_wait3A_217 = arith.constant 0 : i32
    %dma_wait3A_218 = tpu.memref_slice %arg16[%dma_wait3A_216, %dma_wait3A_217] : memref<1024x128xf32, #tpu.memory_space<vmem_shared>> -> memref<1024x128xf32, #tpu.memory_space<vmem_shared>>
    tpu.wait_indirect_dma semaphore(%arg21 : memref<!tpu.dma_semaphore, #tpu.memory_space<semaphore_mem>>) src(%arg10 : memref<128x128xf32, #tpu.memory_space<vmem>>) dst(%dma_wait3A_218 : memref<1024x128xf32, #tpu.memory_space<vmem_shared>>)
    %add3A_219 = arith.constant 256 : i32
    %add3A_220 = arith.addi %add3A, %add3A_219 : i32
    %mul3A_221 = arith.constant 128 : i32
    %mul3A_222 = arith.muli %add3A_220, %mul3A_221 : i32
    %add3A_223 = arith.constant 44000 : i32
    %add3A_224 = arith.addi %add3A_223, %mul3A_222 : i32
    %dma_start3A_225 = tpu.memref_slice %arg3[%add3A_224] : memref<100000xi32, #tpu.memory_space<hbm>> -> memref<128xi32, #tpu.memory_space<hbm>>
    %dma_start3A_226 = tpu.memref_slice %arg3[%add3A_224] : memref<100000xi32, #tpu.memory_space<hbm>> -> memref<128xi32, #tpu.memory_space<hbm>>
    tpu.enqueue_dma source(%dma_start3A_226 : memref<128xi32, #tpu.memory_space<hbm>>) target(%arg6 : memref<128xi32, #tpu.memory_space<vmem>>) target_semaphore(%arg17 : memref<!tpu.dma_semaphore, #tpu.memory_space<semaphore_mem>>)
    %dma_start3A_227 = arith.constant 0 : i32
    %dma_start3A_228 = tpu.memref_slice %arg2[%mul3A_222, %dma_start3A_227] : memref<42000x128xf32, #tpu.memory_space<hbm>> -> memref<128x128xf32, #tpu.memory_space<hbm>>
    %dma_start3A_229 = arith.constant 0 : i32
    %dma_start3A_230 = tpu.memref_slice %arg2[%mul3A_222, %dma_start3A_229] : memref<42000x128xf32, #tpu.memory_space<hbm>> -> memref<128x128xf32, #tpu.memory_space<hbm>>
    tpu.enqueue_dma source(%dma_start3A_230 : memref<128x128xf32, #tpu.memory_space<hbm>>) target(%arg10 : memref<128x128xf32, #tpu.memory_space<vmem>>) target_semaphore(%arg17 : memref<!tpu.dma_semaphore, #tpu.memory_space<semaphore_mem>>)
    %add3A_231 = arith.constant 224 : i32
    %add3A_232 = arith.addi %add3A, %add3A_231 : i32
    %mul3A_233 = arith.constant 128 : i32
    %mul3A_234 = arith.muli %add3A_232, %mul3A_233 : i32
    %add3A_235 = arith.constant 44000 : i32
    %add3A_236 = arith.addi %add3A_235, %mul3A_234 : i32
    %dma_wait3A_237 = tpu.memref_slice %arg3[%add3A_236] : memref<100000xi32, #tpu.memory_space<hbm>> -> memref<128xi32, #tpu.memory_space<hbm>>
    %dma_wait3A_238 = tpu.memref_slice %arg3[%add3A_236] : memref<100000xi32, #tpu.memory_space<hbm>> -> memref<128xi32, #tpu.memory_space<hbm>>
    tpu.wait_dma2 semaphore(%arg20 : memref<!tpu.dma_semaphore, #tpu.memory_space<semaphore_mem>>) src(%dma_wait3A_238 : memref<128xi32, #tpu.memory_space<hbm>>) dst(%arg9 : memref<128xi32, #tpu.memory_space<vmem>>)
    %dma_wait3A_239 = arith.constant 0 : i32
    %dma_wait3A_240 = tpu.memref_slice %arg2[%mul3A_234, %dma_wait3A_239] : memref<42000x128xf32, #tpu.memory_space<hbm>> -> memref<128x128xf32, #tpu.memory_space<hbm>>
    %dma_wait3A_241 = arith.constant 0 : i32
    %dma_wait3A_242 = tpu.memref_slice %arg2[%mul3A_234, %dma_wait3A_241] : memref<42000x128xf32, #tpu.memory_space<hbm>> -> memref<128x128xf32, #tpu.memory_space<hbm>>
    tpu.wait_dma2 semaphore(%arg20 : memref<!tpu.dma_semaphore, #tpu.memory_space<semaphore_mem>>) src(%dma_wait3A_242 : memref<128x128xf32, #tpu.memory_space<hbm>>) dst(%arg13 : memref<128x128xf32, #tpu.memory_space<vmem>>)
    %dma_start3A_243 = arith.constant 0 : i32
    %dma_start3A_244 = arith.constant 0 : i32
    %dma_start3A_245 = tpu.memref_slice %arg16[%dma_start3A_243, %dma_start3A_244] : memref<1024x128xf32, #tpu.memory_space<vmem_shared>> -> memref<1024x128xf32, #tpu.memory_space<vmem_shared>>
    tpu.enqueue_indirect_dma source(%arg13 : memref<128x128xf32, #tpu.memory_space<vmem>>) target(%dma_start3A_245 : memref<1024x128xf32, #tpu.memory_space<vmem_shared>>) offsets(%arg9 : memref<128xi32, #tpu.memory_space<vmem>>) semaphore(%arg24 : memref<!tpu.dma_semaphore, #tpu.memory_space<semaphore_mem>>) {add = true}
    %dma_wait3A_246 = arith.constant 0 : i32
    %dma_wait3A_247 = arith.constant 0 : i32
    %dma_wait3A_248 = tpu.memref_slice %arg16[%dma_wait3A_246, %dma_wait3A_247] : memref<1024x128xf32, #tpu.memory_space<vmem_shared>> -> memref<1024x128xf32, #tpu.memory_space<vmem_shared>>
    tpu.wait_indirect_dma semaphore(%arg22 : memref<!tpu.dma_semaphore, #tpu.memory_space<semaphore_mem>>) src(%arg11 : memref<128x128xf32, #tpu.memory_space<vmem>>) dst(%dma_wait3A_248 : memref<1024x128xf32, #tpu.memory_space<vmem_shared>>)
    %add3A_249 = arith.constant 288 : i32
    %add3A_250 = arith.addi %add3A, %add3A_249 : i32
    %mul3A_251 = arith.constant 128 : i32
    %mul3A_252 = arith.muli %add3A_250, %mul3A_251 : i32
    %add3A_253 = arith.constant 44000 : i32
    %add3A_254 = arith.addi %add3A_253, %mul3A_252 : i32
    %dma_start3A_255 = tpu.memref_slice %arg3[%add3A_254] : memref<100000xi32, #tpu.memory_space<hbm>> -> memref<128xi32, #tpu.memory_space<hbm>>
    %dma_start3A_256 = tpu.memref_slice %arg3[%add3A_254] : memref<100000xi32, #tpu.memory_space<hbm>> -> memref<128xi32, #tpu.memory_space<hbm>>
    tpu.enqueue_dma source(%dma_start3A_256 : memref<128xi32, #tpu.memory_space<hbm>>) target(%arg7 : memref<128xi32, #tpu.memory_space<vmem>>) target_semaphore(%arg18 : memref<!tpu.dma_semaphore, #tpu.memory_space<semaphore_mem>>)
    %dma_start3A_257 = arith.constant 0 : i32
    %dma_start3A_258 = tpu.memref_slice %arg2[%mul3A_252, %dma_start3A_257] : memref<42000x128xf32, #tpu.memory_space<hbm>> -> memref<128x128xf32, #tpu.memory_space<hbm>>
    %dma_start3A_259 = arith.constant 0 : i32
    %dma_start3A_260 = tpu.memref_slice %arg2[%mul3A_252, %dma_start3A_259] : memref<42000x128xf32, #tpu.memory_space<hbm>> -> memref<128x128xf32, #tpu.memory_space<hbm>>
    tpu.enqueue_dma source(%dma_start3A_260 : memref<128x128xf32, #tpu.memory_space<hbm>>) target(%arg11 : memref<128x128xf32, #tpu.memory_space<vmem>>) target_semaphore(%arg18 : memref<!tpu.dma_semaphore, #tpu.memory_space<semaphore_mem>>)
    %add3A_261 = arith.constant 256 : i32
    %add3A_262 = arith.addi %add3A, %add3A_261 : i32
    %mul3A_263 = arith.constant 128 : i32
    %mul3A_264 = arith.muli %add3A_262, %mul3A_263 : i32
    %add3A_265 = arith.constant 44000 : i32
    %add3A_266 = arith.addi %add3A_265, %mul3A_264 : i32
    %dma_wait3A_267 = tpu.memref_slice %arg3[%add3A_266] : memref<100000xi32, #tpu.memory_space<hbm>> -> memref<128xi32, #tpu.memory_space<hbm>>
    %dma_wait3A_268 = tpu.memref_slice %arg3[%add3A_266] : memref<100000xi32, #tpu.memory_space<hbm>> -> memref<128xi32, #tpu.memory_space<hbm>>
    tpu.wait_dma2 semaphore(%arg17 : memref<!tpu.dma_semaphore, #tpu.memory_space<semaphore_mem>>) src(%dma_wait3A_268 : memref<128xi32, #tpu.memory_space<hbm>>) dst(%arg6 : memref<128xi32, #tpu.memory_space<vmem>>)
    %dma_wait3A_269 = arith.constant 0 : i32
    %dma_wait3A_270 = tpu.memref_slice %arg2[%mul3A_264, %dma_wait3A_269] : memref<42000x128xf32, #tpu.memory_space<hbm>> -> memref<128x128xf32, #tpu.memory_space<hbm>>
    %dma_wait3A_271 = arith.constant 0 : i32
    %dma_wait3A_272 = tpu.memref_slice %arg2[%mul3A_264, %dma_wait3A_271] : memref<42000x128xf32, #tpu.memory_space<hbm>> -> memref<128x128xf32, #tpu.memory_space<hbm>>
    tpu.wait_dma2 semaphore(%arg17 : memref<!tpu.dma_semaphore, #tpu.memory_space<semaphore_mem>>) src(%dma_wait3A_272 : memref<128x128xf32, #tpu.memory_space<hbm>>) dst(%arg10 : memref<128x128xf32, #tpu.memory_space<vmem>>)
    %dma_start3A_273 = arith.constant 0 : i32
    %dma_start3A_274 = arith.constant 0 : i32
    %dma_start3A_275 = tpu.memref_slice %arg16[%dma_start3A_273, %dma_start3A_274] : memref<1024x128xf32, #tpu.memory_space<vmem_shared>> -> memref<1024x128xf32, #tpu.memory_space<vmem_shared>>
    tpu.enqueue_indirect_dma source(%arg10 : memref<128x128xf32, #tpu.memory_space<vmem>>) target(%dma_start3A_275 : memref<1024x128xf32, #tpu.memory_space<vmem_shared>>) offsets(%arg6 : memref<128xi32, #tpu.memory_space<vmem>>) semaphore(%arg21 : memref<!tpu.dma_semaphore, #tpu.memory_space<semaphore_mem>>) {add = true}
    %dma_wait3A_276 = arith.constant 0 : i32
    %dma_wait3A_277 = arith.constant 0 : i32
    %dma_wait3A_278 = tpu.memref_slice %arg16[%dma_wait3A_276, %dma_wait3A_277] : memref<1024x128xf32, #tpu.memory_space<vmem_shared>> -> memref<1024x128xf32, #tpu.memory_space<vmem_shared>>
    tpu.wait_indirect_dma semaphore(%arg23 : memref<!tpu.dma_semaphore, #tpu.memory_space<semaphore_mem>>) src(%arg12 : memref<128x128xf32, #tpu.memory_space<vmem>>) dst(%dma_wait3A_278 : memref<1024x128xf32, #tpu.memory_space<vmem_shared>>)
    %lt3A = arith.constant 8 : i32
    %lt3A_279 = arith.cmpi slt, %add3A, %lt3A : i32
    %convert_element_type3A = arith.extui %lt3A_279 : i1 to i32
    %cond3A = arith.constant 0 : i32
    %cond3A_280 = arith.cmpi ne, %convert_element_type3A, %cond3A : i32
    scf.if %cond3A_280 {
      %add3A_327 = arith.constant 320 : i32
      %add3A_328 = arith.addi %add3A, %add3A_327 : i32
      %mul3A_329 = arith.constant 128 : i32
      %mul3A_330 = arith.muli %add3A_328, %mul3A_329 : i32
      %add3A_331 = arith.constant 44000 : i32
      %add3A_332 = arith.addi %add3A_331, %mul3A_330 : i32
      %dma_start3A_333 = tpu.memref_slice %arg3[%add3A_332] : memref<100000xi32, #tpu.memory_space<hbm>> -> memref<128xi32, #tpu.memory_space<hbm>>
      %dma_start3A_334 = tpu.memref_slice %arg3[%add3A_332] : memref<100000xi32, #tpu.memory_space<hbm>> -> memref<128xi32, #tpu.memory_space<hbm>>
      tpu.enqueue_dma source(%dma_start3A_334 : memref<128xi32, #tpu.memory_space<hbm>>) target(%arg8 : memref<128xi32, #tpu.memory_space<vmem>>) target_semaphore(%arg19 : memref<!tpu.dma_semaphore, #tpu.memory_space<semaphore_mem>>)
      %dma_start3A_335 = arith.constant 0 : i32
      %dma_start3A_336 = tpu.memref_slice %arg2[%mul3A_330, %dma_start3A_335] : memref<42000x128xf32, #tpu.memory_space<hbm>> -> memref<128x128xf32, #tpu.memory_space<hbm>>
      %dma_start3A_337 = arith.constant 0 : i32
      %dma_start3A_338 = tpu.memref_slice %arg2[%mul3A_330, %dma_start3A_337] : memref<42000x128xf32, #tpu.memory_space<hbm>> -> memref<128x128xf32, #tpu.memory_space<hbm>>
      tpu.enqueue_dma source(%dma_start3A_338 : memref<128x128xf32, #tpu.memory_space<hbm>>) target(%arg12 : memref<128x128xf32, #tpu.memory_space<vmem>>) target_semaphore(%arg19 : memref<!tpu.dma_semaphore, #tpu.memory_space<semaphore_mem>>)
    } else {
    }
    %add3A_281 = arith.constant 288 : i32
    %add3A_282 = arith.addi %add3A, %add3A_281 : i32
    %mul3A_283 = arith.constant 128 : i32
    %mul3A_284 = arith.muli %add3A_282, %mul3A_283 : i32
    %add3A_285 = arith.constant 44000 : i32
    %add3A_286 = arith.addi %add3A_285, %mul3A_284 : i32
    %dma_wait3A_287 = tpu.memref_slice %arg3[%add3A_286] : memref<100000xi32, #tpu.memory_space<hbm>> -> memref<128xi32, #tpu.memory_space<hbm>>
    %dma_wait3A_288 = tpu.memref_slice %arg3[%add3A_286] : memref<100000xi32, #tpu.memory_space<hbm>> -> memref<128xi32, #tpu.memory_space<hbm>>
    tpu.wait_dma2 semaphore(%arg18 : memref<!tpu.dma_semaphore, #tpu.memory_space<semaphore_mem>>) src(%dma_wait3A_288 : memref<128xi32, #tpu.memory_space<hbm>>) dst(%arg7 : memref<128xi32, #tpu.memory_space<vmem>>)
    %dma_wait3A_289 = arith.constant 0 : i32
    %dma_wait3A_290 = tpu.memref_slice %arg2[%mul3A_284, %dma_wait3A_289] : memref<42000x128xf32, #tpu.memory_space<hbm>> -> memref<128x128xf32, #tpu.memory_space<hbm>>
    %dma_wait3A_291 = arith.constant 0 : i32
    %dma_wait3A_292 = tpu.memref_slice %arg2[%mul3A_284, %dma_wait3A_291] : memref<42000x128xf32, #tpu.memory_space<hbm>> -> memref<128x128xf32, #tpu.memory_space<hbm>>
    tpu.wait_dma2 semaphore(%arg18 : memref<!tpu.dma_semaphore, #tpu.memory_space<semaphore_mem>>) src(%dma_wait3A_292 : memref<128x128xf32, #tpu.memory_space<hbm>>) dst(%arg11 : memref<128x128xf32, #tpu.memory_space<vmem>>)
    %dma_start3A_293 = arith.constant 0 : i32
    %dma_start3A_294 = arith.constant 0 : i32
    %dma_start3A_295 = tpu.memref_slice %arg16[%dma_start3A_293, %dma_start3A_294] : memref<1024x128xf32, #tpu.memory_space<vmem_shared>> -> memref<1024x128xf32, #tpu.memory_space<vmem_shared>>
    tpu.enqueue_indirect_dma source(%arg11 : memref<128x128xf32, #tpu.memory_space<vmem>>) target(%dma_start3A_295 : memref<1024x128xf32, #tpu.memory_space<vmem_shared>>) offsets(%arg7 : memref<128xi32, #tpu.memory_space<vmem>>) semaphore(%arg22 : memref<!tpu.dma_semaphore, #tpu.memory_space<semaphore_mem>>) {add = true}
    %dma_wait3A_296 = arith.constant 0 : i32
    %dma_wait3A_297 = arith.constant 0 : i32
    %dma_wait3A_298 = tpu.memref_slice %arg16[%dma_wait3A_296, %dma_wait3A_297] : memref<1024x128xf32, #tpu.memory_space<vmem_shared>> -> memref<1024x128xf32, #tpu.memory_space<vmem_shared>>
    tpu.wait_indirect_dma semaphore(%arg24 : memref<!tpu.dma_semaphore, #tpu.memory_space<semaphore_mem>>) src(%arg13 : memref<128x128xf32, #tpu.memory_space<vmem>>) dst(%dma_wait3A_298 : memref<1024x128xf32, #tpu.memory_space<vmem_shared>>)
    %lt3A_299 = arith.constant 8 : i32
    %lt3A_300 = arith.cmpi slt, %add3A, %lt3A_299 : i32
    %convert_element_type3A_301 = arith.extui %lt3A_300 : i1 to i32
    %cond3A_302 = arith.constant 0 : i32
    %cond3A_303 = arith.cmpi ne, %convert_element_type3A_301, %cond3A_302 : i32
    scf.if %cond3A_303 {
      %add3A_327 = arith.constant 320 : i32
      %add3A_328 = arith.addi %add3A, %add3A_327 : i32
      %mul3A_329 = arith.constant 128 : i32
      %mul3A_330 = arith.muli %add3A_328, %mul3A_329 : i32
      %add3A_331 = arith.constant 44000 : i32
      %add3A_332 = arith.addi %add3A_331, %mul3A_330 : i32
      %dma_wait3A_333 = tpu.memref_slice %arg3[%add3A_332] : memref<100000xi32, #tpu.memory_space<hbm>> -> memref<128xi32, #tpu.memory_space<hbm>>
      %dma_wait3A_334 = tpu.memref_slice %arg3[%add3A_332] : memref<100000xi32, #tpu.memory_space<hbm>> -> memref<128xi32, #tpu.memory_space<hbm>>
      tpu.wait_dma2 semaphore(%arg19 : memref<!tpu.dma_semaphore, #tpu.memory_space<semaphore_mem>>) src(%dma_wait3A_334 : memref<128xi32, #tpu.memory_space<hbm>>) dst(%arg8 : memref<128xi32, #tpu.memory_space<vmem>>)
      %dma_wait3A_335 = arith.constant 0 : i32
      %dma_wait3A_336 = tpu.memref_slice %arg2[%mul3A_330, %dma_wait3A_335] : memref<42000x128xf32, #tpu.memory_space<hbm>> -> memref<128x128xf32, #tpu.memory_space<hbm>>
      %dma_wait3A_337 = arith.constant 0 : i32
      %dma_wait3A_338 = tpu.memref_slice %arg2[%mul3A_330, %dma_wait3A_337] : memref<42000x128xf32, #tpu.memory_space<hbm>> -> memref<128x128xf32, #tpu.memory_space<hbm>>
      tpu.wait_dma2 semaphore(%arg19 : memref<!tpu.dma_semaphore, #tpu.memory_space<semaphore_mem>>) src(%dma_wait3A_338 : memref<128x128xf32, #tpu.memory_space<hbm>>) dst(%arg12 : memref<128x128xf32, #tpu.memory_space<vmem>>)
      %dma_start3A_339 = arith.constant 0 : i32
      %dma_start3A_340 = arith.constant 0 : i32
      %dma_start3A_341 = tpu.memref_slice %arg16[%dma_start3A_339, %dma_start3A_340] : memref<1024x128xf32, #tpu.memory_space<vmem_shared>> -> memref<1024x128xf32, #tpu.memory_space<vmem_shared>>
      tpu.enqueue_indirect_dma source(%arg12 : memref<128x128xf32, #tpu.memory_space<vmem>>) target(%dma_start3A_341 : memref<1024x128xf32, #tpu.memory_space<vmem_shared>>) offsets(%arg8 : memref<128xi32, #tpu.memory_space<vmem>>) semaphore(%arg23 : memref<!tpu.dma_semaphore, #tpu.memory_space<semaphore_mem>>) {add = true}
    } else {
    }
    %dma_wait3A_304 = arith.constant 0 : i32
    %dma_wait3A_305 = arith.constant 0 : i32
    %dma_wait3A_306 = tpu.memref_slice %arg16[%dma_wait3A_304, %dma_wait3A_305] : memref<1024x128xf32, #tpu.memory_space<vmem_shared>> -> memref<1024x128xf32, #tpu.memory_space<vmem_shared>>
    tpu.wait_indirect_dma semaphore(%arg21 : memref<!tpu.dma_semaphore, #tpu.memory_space<semaphore_mem>>) src(%arg10 : memref<128x128xf32, #tpu.memory_space<vmem>>) dst(%dma_wait3A_306 : memref<1024x128xf32, #tpu.memory_space<vmem_shared>>)
    %dma_wait3A_307 = arith.constant 0 : i32
    %dma_wait3A_308 = arith.constant 0 : i32
    %dma_wait3A_309 = tpu.memref_slice %arg16[%dma_wait3A_307, %dma_wait3A_308] : memref<1024x128xf32, #tpu.memory_space<vmem_shared>> -> memref<1024x128xf32, #tpu.memory_space<vmem_shared>>
    tpu.wait_indirect_dma semaphore(%arg22 : memref<!tpu.dma_semaphore, #tpu.memory_space<semaphore_mem>>) src(%arg11 : memref<128x128xf32, #tpu.memory_space<vmem>>) dst(%dma_wait3A_309 : memref<1024x128xf32, #tpu.memory_space<vmem_shared>>)
    %lt3A_310 = arith.constant 8 : i32
    %lt3A_311 = arith.cmpi slt, %add3A, %lt3A_310 : i32
    %convert_element_type3A_312 = arith.extui %lt3A_311 : i1 to i32
    %cond3A_313 = arith.constant 0 : i32
    %cond3A_314 = arith.cmpi ne, %convert_element_type3A_312, %cond3A_313 : i32
    scf.if %cond3A_314 {
      %dma_wait3A_327 = arith.constant 0 : i32
      %dma_wait3A_328 = arith.constant 0 : i32
      %dma_wait3A_329 = tpu.memref_slice %arg16[%dma_wait3A_327, %dma_wait3A_328] : memref<1024x128xf32, #tpu.memory_space<vmem_shared>> -> memref<1024x128xf32, #tpu.memory_space<vmem_shared>>
      tpu.wait_indirect_dma semaphore(%arg23 : memref<!tpu.dma_semaphore, #tpu.memory_space<semaphore_mem>>) src(%arg12 : memref<128x128xf32, #tpu.memory_space<vmem>>) dst(%dma_wait3A_329 : memref<1024x128xf32, #tpu.memory_space<vmem_shared>>)
    } else {
    }
    %eq3A = arith.constant 31 : i32
    %eq3A_315 = arith.cmpi eq, %add3A, %eq3A : i32
    %convert_element_type3A_316 = arith.extui %eq3A_315 : i1 to i32
    %cond3A_317 = arith.constant 0 : i32
    %cond3A_318 = arith.cmpi ne, %convert_element_type3A_316, %cond3A_317 : i32
    scf.if %cond3A_318 {
      "tpu.region"() ({
        %run_scoped3A = tpu.sem_alloc : memref<!tpu.dma_semaphore, #tpu.memory_space<semaphore_mem>>
        %dma_start3A_327 = arith.constant 85984 : i32
        %dma_start3A_328 = tpu.memref_slice %arg3[%dma_start3A_327] : memref<100000xi32, #tpu.memory_space<hbm>> -> memref<16xi32, #tpu.memory_space<hbm>>
        %dma_start3A_329 = arith.constant 85984 : i32
        %dma_start3A_330 = tpu.memref_slice %arg3[%dma_start3A_329] : memref<100000xi32, #tpu.memory_space<hbm>> -> memref<16xi32, #tpu.memory_space<hbm>>
        tpu.enqueue_dma source(%dma_start3A_330 : memref<16xi32, #tpu.memory_space<hbm>>) target(%arg14 : memref<16xi32, #tpu.memory_space<vmem>>) target_semaphore(%run_scoped3A : memref<!tpu.dma_semaphore, #tpu.memory_space<semaphore_mem>>)
        %dma_wait3A_331 = arith.constant 85984 : i32
        %dma_wait3A_332 = tpu.memref_slice %arg3[%dma_wait3A_331] : memref<100000xi32, #tpu.memory_space<hbm>> -> memref<16xi32, #tpu.memory_space<hbm>>
        %dma_wait3A_333 = arith.constant 85984 : i32
        %dma_wait3A_334 = tpu.memref_slice %arg3[%dma_wait3A_333] : memref<100000xi32, #tpu.memory_space<hbm>> -> memref<16xi32, #tpu.memory_space<hbm>>
        tpu.wait_dma2 semaphore(%run_scoped3A : memref<!tpu.dma_semaphore, #tpu.memory_space<semaphore_mem>>) src(%dma_wait3A_334 : memref<16xi32, #tpu.memory_space<hbm>>) dst(%arg14 : memref<16xi32, #tpu.memory_space<vmem>>)
        tpu.yield
      }) : () -> ()
      "tpu.region"() ({
        %run_scoped3A = tpu.sem_alloc : memref<!tpu.dma_semaphore, #tpu.memory_space<semaphore_mem>>
        %dma_start3A_327 = arith.constant 41984 : i32
        %dma_start3A_328 = arith.constant 0 : i32
        %dma_start3A_329 = tpu.memref_slice %arg2[%dma_start3A_327, %dma_start3A_328] : memref<42000x128xf32, #tpu.memory_space<hbm>> -> memref<16x128xf32, #tpu.memory_space<hbm>>
        %dma_start3A_330 = arith.constant 41984 : i32
        %dma_start3A_331 = arith.constant 0 : i32
        %dma_start3A_332 = tpu.memref_slice %arg2[%dma_start3A_330, %dma_start3A_331] : memref<42000x128xf32, #tpu.memory_space<hbm>> -> memref<16x128xf32, #tpu.memory_space<hbm>>
        tpu.enqueue_dma source(%dma_start3A_332 : memref<16x128xf32, #tpu.memory_space<hbm>>) target(%arg15 : memref<16x128xf32, #tpu.memory_space<vmem>>) target_semaphore(%run_scoped3A : memref<!tpu.dma_semaphore, #tpu.memory_space<semaphore_mem>>)
        %dma_wait3A_333 = arith.constant 41984 : i32
        %dma_wait3A_334 = arith.constant 0 : i32
        %dma_wait3A_335 = tpu.memref_slice %arg2[%dma_wait3A_333, %dma_wait3A_334] : memref<42000x128xf32, #tpu.memory_space<hbm>> -> memref<16x128xf32, #tpu.memory_space<hbm>>
        %dma_wait3A_336 = arith.constant 41984 : i32
        %dma_wait3A_337 = arith.constant 0 : i32
        %dma_wait3A_338 = tpu.memref_slice %arg2[%dma_wait3A_336, %dma_wait3A_337] : memref<42000x128xf32, #tpu.memory_space<hbm>> -> memref<16x128xf32, #tpu.memory_space<hbm>>
        tpu.wait_dma2 semaphore(%run_scoped3A : memref<!tpu.dma_semaphore, #tpu.memory_space<semaphore_mem>>) src(%dma_wait3A_338 : memref<16x128xf32, #tpu.memory_space<hbm>>) dst(%arg15 : memref<16x128xf32, #tpu.memory_space<vmem>>)
        tpu.yield
      }) : () -> ()
      "tpu.region"() ({
        %run_scoped3A = tpu.sem_alloc : memref<!tpu.dma_semaphore, #tpu.memory_space<semaphore_mem>>
        %dma_start3A_327 = arith.constant 0 : i32
        %dma_start3A_328 = arith.constant 0 : i32
        %dma_start3A_329 = tpu.memref_slice %arg16[%dma_start3A_327, %dma_start3A_328] : memref<1024x128xf32, #tpu.memory_space<vmem_shared>> -> memref<1024x128xf32, #tpu.memory_space<vmem_shared>>
        tpu.enqueue_indirect_dma source(%arg15 : memref<16x128xf32, #tpu.memory_space<vmem>>) target(%dma_start3A_329 : memref<1024x128xf32, #tpu.memory_space<vmem_shared>>) offsets(%arg14 : memref<16xi32, #tpu.memory_space<vmem>>) semaphore(%run_scoped3A : memref<!tpu.dma_semaphore, #tpu.memory_space<semaphore_mem>>) {add = true}
        %dma_wait3A_330 = arith.constant 0 : i32
        %dma_wait3A_331 = arith.constant 0 : i32
        %dma_wait3A_332 = tpu.memref_slice %arg16[%dma_wait3A_330, %dma_wait3A_331] : memref<1024x128xf32, #tpu.memory_space<vmem_shared>> -> memref<1024x128xf32, #tpu.memory_space<vmem_shared>>
        tpu.wait_indirect_dma semaphore(%run_scoped3A : memref<!tpu.dma_semaphore, #tpu.memory_space<semaphore_mem>>) src(%arg15 : memref<16x128xf32, #tpu.memory_space<vmem>>) dst(%dma_wait3A_332 : memref<1024x128xf32, #tpu.memory_space<vmem_shared>>)
        tpu.yield
      }) : () -> ()
    } else {
    }
    %barrier3A_319 = arith.constant 0 : index
    tpu.barrier barrier_id(%barrier3A_319)
    %mul3A_320 = arith.constant 1024 : i32
    %mul3A_321 = arith.muli %arg0, %mul3A_320 : i32
    %mul3A_322 = arith.constant 64 : i32
    %mul3A_323 = arith.muli %arg1, %mul3A_322 : i32
    %add3A_324 = arith.addi %mul3A_321, %mul3A_323 : i32
    %mul3A_325 = arith.constant 64 : i32
    %mul3A_326 = arith.muli %arg1, %mul3A_325 : i32
    "tpu.region"() ({
      %run_scoped3A = tpu.sem_alloc : memref<!tpu.dma_semaphore, #tpu.memory_space<semaphore_mem>>
      %dma_start3A_327 = arith.constant 0 : i32
      %dma_start3A_328 = tpu.memref_slice %arg5[%add3A_324, %dma_start3A_327] : memref<2048x128xf32, #tpu.memory_space<hbm>> -> memref<64x128xf32, #tpu.memory_space<hbm>>
      %dma_start3A_329 = arith.constant 0 : i32
      %dma_start3A_330 = tpu.memref_slice %arg16[%mul3A_326, %dma_start3A_329] : memref<1024x128xf32, #tpu.memory_space<vmem_shared>> -> memref<64x128xf32, #tpu.memory_space<vmem_shared>>
      tpu.enqueue_dma source(%dma_start3A_330 : memref<64x128xf32, #tpu.memory_space<vmem_shared>>) target(%dma_start3A_328 : memref<64x128xf32, #tpu.memory_space<hbm>>) target_semaphore(%run_scoped3A : memref<!tpu.dma_semaphore, #tpu.memory_space<semaphore_mem>>)
      %dma_wait3A_331 = arith.constant 0 : i32
      %dma_wait3A_332 = tpu.memref_slice %arg5[%add3A_324, %dma_wait3A_331] : memref<2048x128xf32, #tpu.memory_space<hbm>> -> memref<64x128xf32, #tpu.memory_space<hbm>>
      %dma_wait3A_333 = arith.constant 0 : i32
      %dma_wait3A_334 = tpu.memref_slice %arg16[%mul3A_326, %dma_wait3A_333] : memref<1024x128xf32, #tpu.memory_space<vmem_shared>> -> memref<64x128xf32, #tpu.memory_space<vmem_shared>>
      tpu.wait_dma2 semaphore(%run_scoped3A : memref<!tpu.dma_semaphore, #tpu.memory_space<semaphore_mem>>) src(%dma_wait3A_334 : memref<64x128xf32, #tpu.memory_space<vmem_shared>>) dst(%dma_wait3A_332 : memref<64x128xf32, #tpu.memory_space<hbm>>)
      tpu.yield
    }) : () -> ()
    return
  }
}

module attributes {stable_mosaic.version = 14 : i64} {
  func.func @_mlp_body(%arg0: i32, %arg1: memref<2000x128xf32, #tpu.memory_space<vmem>>, %arg2: memref<128x128xf32, #tpu.memory_space<vmem>>, %arg3: memref<1x128xf32, #tpu.memory_space<vmem>>, %arg4: memref<128x128xf32, #tpu.memory_space<vmem>>, %arg5: memref<1x128xf32, #tpu.memory_space<vmem>>, %arg6: memref<2000x128xf32, #tpu.memory_space<vmem>>) attributes {dimension_semantics = [#tpu.dimension_semantics<arbitrary>], iteration_bounds = array<i64: 22>, scalar_prefetch = 0 : i64, scratch_operands = 0 : i64, tpu.core_type = #tpu.core_type<tc>, window_params = [{transform_indices = @transform_0, window_bounds = array<i64: 2000, 128>}, {pipeline_mode = #tpu.pipeline_mode<synchronous>, transform_indices = @transform_1, window_bounds = array<i64: 128, 128>}, {pipeline_mode = #tpu.pipeline_mode<synchronous>, transform_indices = @transform_2, window_bounds = array<i64: 1, 128>}, {pipeline_mode = #tpu.pipeline_mode<synchronous>, transform_indices = @transform_3, window_bounds = array<i64: 128, 128>}, {pipeline_mode = #tpu.pipeline_mode<synchronous>, transform_indices = @transform_4, window_bounds = array<i64: 1, 128>}, {transform_indices = @transform_5, window_bounds = array<i64: 2000, 128>}]} {
    %get3A = arith.constant 0 : index
    %get3A_0 = arith.constant 0 : index
    %get3A_1 = vector.load %arg1[%get3A, %get3A_0] : memref<2000x128xf32, #tpu.memory_space<vmem>>, vector<2000x128xf32>
    %get3A_2 = arith.constant 0 : index
    %get3A_3 = arith.constant 0 : index
    %get3A_4 = vector.load %arg2[%get3A_2, %get3A_3] : memref<128x128xf32, #tpu.memory_space<vmem>>, vector<128x128xf32>
    %dot_general3A = arith.constant dense<0.000000e+00> : vector<2000x128xf32>
    %dot_general3A_5 = tpu.matmul %get3A_1, %get3A_4, %dot_general3A {dimension_numbers = #tpu.dot_dimension_numbers<[1], [0], [0], [1], [0, 0, 1, 1], [], []>, transpose_lhs_hint = false} : vector<2000x128xf32>, vector<128x128xf32>, vector<2000x128xf32> -> vector<2000x128xf32>
    %get3A_6 = arith.constant 0 : index
    %get3A_7 = arith.constant 0 : index
    %get3A_8 = vector.load %arg3[%get3A_6, %get3A_7] : memref<1x128xf32, #tpu.memory_space<vmem>>, vector<1x128xf32>
    %add3A = vector.broadcast %get3A_8 : vector<1x128xf32> to vector<2000x128xf32>
    %add3A_9 = arith.addf %dot_general3A_5, %add3A : vector<2000x128xf32>
    %max3A = arith.constant 0.000000e+00 : f32
    %max3A_10 = vector.broadcast %max3A : f32 to vector<2000x128xf32>
    %max3A_11 = arith.maximumf %add3A_9, %max3A_10 : vector<2000x128xf32>
    %get3A_12 = arith.constant 0 : index
    %get3A_13 = arith.constant 0 : index
    %get3A_14 = vector.load %arg4[%get3A_12, %get3A_13] : memref<128x128xf32, #tpu.memory_space<vmem>>, vector<128x128xf32>
    %dot_general3A_15 = arith.constant dense<0.000000e+00> : vector<2000x128xf32>
    %dot_general3A_16 = tpu.matmul %max3A_11, %get3A_14, %dot_general3A_15 {dimension_numbers = #tpu.dot_dimension_numbers<[1], [0], [0], [1], [0, 0, 1, 1], [], []>, transpose_lhs_hint = false} : vector<2000x128xf32>, vector<128x128xf32>, vector<2000x128xf32> -> vector<2000x128xf32>
    %get3A_17 = arith.constant 0 : index
    %get3A_18 = arith.constant 0 : index
    %get3A_19 = vector.load %arg5[%get3A_17, %get3A_18] : memref<1x128xf32, #tpu.memory_space<vmem>>, vector<1x128xf32>
    %add3A_20 = vector.broadcast %get3A_19 : vector<1x128xf32> to vector<2000x128xf32>
    %add3A_21 = arith.addf %dot_general3A_16, %add3A_20 : vector<2000x128xf32>
    %max3A_22 = arith.constant 0.000000e+00 : f32
    %max3A_23 = vector.broadcast %max3A_22 : f32 to vector<2000x128xf32>
    %max3A_24 = arith.maximumf %add3A_21, %max3A_23 : vector<2000x128xf32>
    %swap3A = arith.constant 0 : index
    %swap3A_25 = arith.constant 0 : index
    %swap3A_26 = vector.load %arg6[%swap3A, %swap3A_25] : memref<2000x128xf32, #tpu.memory_space<vmem>>, vector<2000x128xf32>
    tpu.vector_store %arg6[%swap3A, %swap3A_25], %max3A_24 {strides = array<i32>} : memref<2000x128xf32, #tpu.memory_space<vmem>>, vector<2000x128xf32>,
    return
  }
  func.func @transform_0(%arg0: i32) -> (i32, i32) {
    %add3A = arith.constant 0 : i32
    %add3A_0 = arith.addi %arg0, %add3A : i32
    %c0_i32 = arith.constant 0 : i32
    %c0_i32_1 = arith.constant 0 : i32
    return %add3A_0, %c0_i32 : i32, i32
  }
  func.func @transform_1(%arg0: i32) -> (i32, i32) {
    %c0_i32 = arith.constant 0 : i32
    %c0_i32_0 = arith.constant 0 : i32
    %c0_i32_1 = arith.constant 0 : i32
    return %c0_i32, %c0_i32_0 : i32, i32
  }
  func.func @transform_2(%arg0: i32) -> (i32, i32) {
    %c0_i32 = arith.constant 0 : i32
    %c0_i32_0 = arith.constant 0 : i32
    %c0_i32_1 = arith.constant 0 : i32
    return %c0_i32, %c0_i32_0 : i32, i32
  }
  func.func @transform_3(%arg0: i32) -> (i32, i32) {
    %c0_i32 = arith.constant 0 : i32
    %c0_i32_0 = arith.constant 0 : i32
    %c0_i32_1 = arith.constant 0 : i32
    return %c0_i32, %c0_i32_0 : i32, i32
  }
  func.func @transform_4(%arg0: i32) -> (i32, i32) {
    %c0_i32 = arith.constant 0 : i32
    %c0_i32_0 = arith.constant 0 : i32
    %c0_i32_1 = arith.constant 0 : i32
    return %c0_i32, %c0_i32_0 : i32, i32
  }
  func.func @transform_5(%arg0: i32) -> (i32, i32) {
    %c0_i32 = arith.constant 0 : i32
    %c0_i32_0 = arith.constant 0 : i32
    return %arg0, %c0_i32 : i32, i32
  }
}

module attributes {stable_mosaic.version = 14 : i64} {
  func.func @_mlp_body(%arg0: i32, %arg1: memref<2000x128xf32, #tpu.memory_space<vmem>>, %arg2: memref<128x128xf32, #tpu.memory_space<vmem>>, %arg3: memref<1x128xf32, #tpu.memory_space<vmem>>, %arg4: memref<128x128xf32, #tpu.memory_space<vmem>>, %arg5: memref<1x128xf32, #tpu.memory_space<vmem>>, %arg6: memref<2000x128xf32, #tpu.memory_space<vmem>>) attributes {dimension_semantics = [#tpu.dimension_semantics<arbitrary>], iteration_bounds = array<i64: 21>, scalar_prefetch = 0 : i64, scratch_operands = 0 : i64, tpu.core_type = #tpu.core_type<tc>, window_params = [{transform_indices = @transform_0, window_bounds = array<i64: 2000, 128>}, {pipeline_mode = #tpu.pipeline_mode<synchronous>, transform_indices = @transform_1, window_bounds = array<i64: 128, 128>}, {pipeline_mode = #tpu.pipeline_mode<synchronous>, transform_indices = @transform_2, window_bounds = array<i64: 1, 128>}, {pipeline_mode = #tpu.pipeline_mode<synchronous>, transform_indices = @transform_3, window_bounds = array<i64: 128, 128>}, {pipeline_mode = #tpu.pipeline_mode<synchronous>, transform_indices = @transform_4, window_bounds = array<i64: 1, 128>}, {transform_indices = @transform_5, window_bounds = array<i64: 2000, 128>}]} {
    %get3A = arith.constant 0 : index
    %get3A_0 = arith.constant 0 : index
    %get3A_1 = vector.load %arg1[%get3A, %get3A_0] : memref<2000x128xf32, #tpu.memory_space<vmem>>, vector<2000x128xf32>
    %get3A_2 = arith.constant 0 : index
    %get3A_3 = arith.constant 0 : index
    %get3A_4 = vector.load %arg2[%get3A_2, %get3A_3] : memref<128x128xf32, #tpu.memory_space<vmem>>, vector<128x128xf32>
    %dot_general3A = arith.constant dense<0.000000e+00> : vector<2000x128xf32>
    %dot_general3A_5 = tpu.matmul %get3A_1, %get3A_4, %dot_general3A {dimension_numbers = #tpu.dot_dimension_numbers<[1], [0], [0], [1], [0, 0, 1, 1], [], []>, transpose_lhs_hint = false} : vector<2000x128xf32>, vector<128x128xf32>, vector<2000x128xf32> -> vector<2000x128xf32>
    %get3A_6 = arith.constant 0 : index
    %get3A_7 = arith.constant 0 : index
    %get3A_8 = vector.load %arg3[%get3A_6, %get3A_7] : memref<1x128xf32, #tpu.memory_space<vmem>>, vector<1x128xf32>
    %add3A = vector.broadcast %get3A_8 : vector<1x128xf32> to vector<2000x128xf32>
    %add3A_9 = arith.addf %dot_general3A_5, %add3A : vector<2000x128xf32>
    %max3A = arith.constant 0.000000e+00 : f32
    %max3A_10 = vector.broadcast %max3A : f32 to vector<2000x128xf32>
    %max3A_11 = arith.maximumf %add3A_9, %max3A_10 : vector<2000x128xf32>
    %get3A_12 = arith.constant 0 : index
    %get3A_13 = arith.constant 0 : index
    %get3A_14 = vector.load %arg4[%get3A_12, %get3A_13] : memref<128x128xf32, #tpu.memory_space<vmem>>, vector<128x128xf32>
    %dot_general3A_15 = arith.constant dense<0.000000e+00> : vector<2000x128xf32>
    %dot_general3A_16 = tpu.matmul %max3A_11, %get3A_14, %dot_general3A_15 {dimension_numbers = #tpu.dot_dimension_numbers<[1], [0], [0], [1], [0, 0, 1, 1], [], []>, transpose_lhs_hint = false} : vector<2000x128xf32>, vector<128x128xf32>, vector<2000x128xf32> -> vector<2000x128xf32>
    %get3A_17 = arith.constant 0 : index
    %get3A_18 = arith.constant 0 : index
    %get3A_19 = vector.load %arg5[%get3A_17, %get3A_18] : memref<1x128xf32, #tpu.memory_space<vmem>>, vector<1x128xf32>
    %add3A_20 = vector.broadcast %get3A_19 : vector<1x128xf32> to vector<2000x128xf32>
    %add3A_21 = arith.addf %dot_general3A_16, %add3A_20 : vector<2000x128xf32>
    %max3A_22 = arith.constant 0.000000e+00 : f32
    %max3A_23 = vector.broadcast %max3A_22 : f32 to vector<2000x128xf32>
    %max3A_24 = arith.maximumf %add3A_21, %max3A_23 : vector<2000x128xf32>
    %swap3A = arith.constant 0 : index
    %swap3A_25 = arith.constant 0 : index
    %swap3A_26 = vector.load %arg6[%swap3A, %swap3A_25] : memref<2000x128xf32, #tpu.memory_space<vmem>>, vector<2000x128xf32>
    tpu.vector_store %arg6[%swap3A, %swap3A_25], %max3A_24 {strides = array<i32>} : memref<2000x128xf32, #tpu.memory_space<vmem>>, vector<2000x128xf32>,
    return
  }
  func.func @transform_0(%arg0: i32) -> (i32, i32) {
    %add3A = arith.constant 22 : i32
    %add3A_0 = arith.addi %arg0, %add3A : i32
    %c0_i32 = arith.constant 0 : i32
    %c0_i32_1 = arith.constant 0 : i32
    return %add3A_0, %c0_i32 : i32, i32
  }
  func.func @transform_1(%arg0: i32) -> (i32, i32) {
    %c0_i32 = arith.constant 0 : i32
    %c0_i32_0 = arith.constant 0 : i32
    %c0_i32_1 = arith.constant 0 : i32
    return %c0_i32, %c0_i32_0 : i32, i32
  }
  func.func @transform_2(%arg0: i32) -> (i32, i32) {
    %c0_i32 = arith.constant 0 : i32
    %c0_i32_0 = arith.constant 0 : i32
    %c0_i32_1 = arith.constant 0 : i32
    return %c0_i32, %c0_i32_0 : i32, i32
  }
  func.func @transform_3(%arg0: i32) -> (i32, i32) {
    %c0_i32 = arith.constant 0 : i32
    %c0_i32_0 = arith.constant 0 : i32
    %c0_i32_1 = arith.constant 0 : i32
    return %c0_i32, %c0_i32_0 : i32, i32
  }
  func.func @transform_4(%arg0: i32) -> (i32, i32) {
    %c0_i32 = arith.constant 0 : i32
    %c0_i32_0 = arith.constant 0 : i32
    %c0_i32_1 = arith.constant 0 : i32
    return %c0_i32, %c0_i32_0 : i32, i32
  }
  func.func @transform_5(%arg0: i32) -> (i32, i32) {
    %c0_i32 = arith.constant 0 : i32
    %c0_i32_0 = arith.constant 0 : i32
    return %arg0, %c0_i32 : i32, i32
  }
}

module attributes {stable_mosaic.version = 14 : i64} {
  func.func @_tail_body(%arg0: i32, %arg1: memref<1x1x2000xi32, #tpu.memory_space<vmem>>, %arg2: memref<2000x128xf32, #tpu.memory_space<vmem>>, %arg3: memref<128x128xf32, #tpu.memory_space<vmem>>, %arg4: memref<1x128xf32, #tpu.memory_space<vmem>>, %arg5: memref<128x128xf32, #tpu.memory_space<vmem>>, %arg6: memref<1x128xf32, #tpu.memory_space<vmem>>, %arg7: memref<1024x128xf32, #tpu.memory_space<vmem>>, %arg8: memref<1024x128xf32, #tpu.memory_space<vmem>>) attributes {dimension_semantics = [#tpu.dimension_semantics<arbitrary>], iteration_bounds = array<i64: 7>, scalar_prefetch = 0 : i64, scratch_operands = 1 : i64, tpu.core_type = #tpu.core_type<tc>, window_params = [{transform_indices = @transform_0, window_bounds = array<i64: 1, 1, 2000>}, {transform_indices = @transform_1, window_bounds = array<i64: 2000, 128>}, {pipeline_mode = #tpu.pipeline_mode<synchronous>, transform_indices = @transform_2, window_bounds = array<i64: 128, 128>}, {pipeline_mode = #tpu.pipeline_mode<synchronous>, transform_indices = @transform_3, window_bounds = array<i64: 1, 128>}, {pipeline_mode = #tpu.pipeline_mode<synchronous>, transform_indices = @transform_4, window_bounds = array<i64: 128, 128>}, {pipeline_mode = #tpu.pipeline_mode<synchronous>, transform_indices = @transform_5, window_bounds = array<i64: 1, 128>}, {pipeline_mode = #tpu.pipeline_mode<synchronous>, transform_indices = @transform_6, window_bounds = array<i64: 1024, 128>}]} {
    %eq3A = arith.constant 0 : i32
    %eq3A_0 = arith.cmpi eq, %arg0, %eq3A : i32
    %convert_element_type3A = arith.extui %eq3A_0 : i1 to i32
    %cond3A = arith.constant 0 : i32
    %cond3A_1 = arith.cmpi ne, %convert_element_type3A, %cond3A : i32
    scf.if %cond3A_1 {
      %broadcast_in_dim3A_49 = arith.constant 0.000000e+00 : f32
      %broadcast_in_dim3A_50 = vector.broadcast %broadcast_in_dim3A_49 : f32 to vector<1024x128xf32>
      %swap3A_51 = arith.constant 0 : index
      %swap3A_52 = arith.constant 0 : index
      %swap3A_53 = vector.load %arg8[%swap3A_51, %swap3A_52] : memref<1024x128xf32, #tpu.memory_space<vmem>>, vector<1024x128xf32>
      tpu.vector_store %arg8[%swap3A_51, %swap3A_52], %broadcast_in_dim3A_50 {strides = array<i32>} : memref<1024x128xf32, #tpu.memory_space<vmem>>, vector<1024x128xf32>,
    } else {
    }
    %get3A = arith.constant 0 : index
    %get3A_2 = arith.constant 0 : index
    %get3A_3 = vector.load %arg2[%get3A, %get3A_2] : memref<2000x128xf32, #tpu.memory_space<vmem>>, vector<2000x128xf32>
    %get3A_4 = arith.constant 0 : index
    %get3A_5 = arith.constant 0 : index
    %get3A_6 = vector.load %arg3[%get3A_4, %get3A_5] : memref<128x128xf32, #tpu.memory_space<vmem>>, vector<128x128xf32>
    %dot_general3A = arith.constant dense<0.000000e+00> : vector<2000x128xf32>
    %dot_general3A_7 = tpu.matmul %get3A_3, %get3A_6, %dot_general3A {dimension_numbers = #tpu.dot_dimension_numbers<[1], [0], [0], [1], [0, 0, 1, 1], [], []>, transpose_lhs_hint = false} : vector<2000x128xf32>, vector<128x128xf32>, vector<2000x128xf32> -> vector<2000x128xf32>
    %get3A_8 = arith.constant 0 : index
    %get3A_9 = arith.constant 0 : index
    %get3A_10 = vector.load %arg4[%get3A_8, %get3A_9] : memref<1x128xf32, #tpu.memory_space<vmem>>, vector<1x128xf32>
    %add3A = vector.broadcast %get3A_10 : vector<1x128xf32> to vector<2000x128xf32>
    %add3A_11 = arith.addf %dot_general3A_7, %add3A : vector<2000x128xf32>
    %max3A = arith.constant 0.000000e+00 : f32
    %max3A_12 = vector.broadcast %max3A : f32 to vector<2000x128xf32>
    %max3A_13 = arith.maximumf %add3A_11, %max3A_12 : vector<2000x128xf32>
    %get3A_14 = arith.constant 0 : index
    %get3A_15 = arith.constant 0 : index
    %get3A_16 = vector.load %arg5[%get3A_14, %get3A_15] : memref<128x128xf32, #tpu.memory_space<vmem>>, vector<128x128xf32>
    %dot_general3A_17 = arith.constant dense<0.000000e+00> : vector<2000x128xf32>
    %dot_general3A_18 = tpu.matmul %max3A_13, %get3A_16, %dot_general3A_17 {dimension_numbers = #tpu.dot_dimension_numbers<[1], [0], [0], [1], [0, 0, 1, 1], [], []>, transpose_lhs_hint = false} : vector<2000x128xf32>, vector<128x128xf32>, vector<2000x128xf32> -> vector<2000x128xf32>
    %get3A_19 = arith.constant 0 : index
    %get3A_20 = arith.constant 0 : index
    %get3A_21 = vector.load %arg6[%get3A_19, %get3A_20] : memref<1x128xf32, #tpu.memory_space<vmem>>, vector<1x128xf32>
    %add3A_22 = vector.broadcast %get3A_21 : vector<1x128xf32> to vector<2000x128xf32>
    %add3A_23 = arith.addf %dot_general3A_18, %add3A_22 : vector<2000x128xf32>
    %max3A_24 = arith.constant 0.000000e+00 : f32
    %max3A_25 = vector.broadcast %max3A_24 : f32 to vector<2000x128xf32>
    %max3A_26 = arith.maximumf %add3A_23, %max3A_25 : vector<2000x128xf32>
    %get3A_27 = arith.constant 0 : index
    %get3A_28 = arith.constant 0 : index
    %get3A_29 = arith.constant 0 : index
    %get3A_30 = vector.load %arg1[%get3A_27, %get3A_28, %get3A_29] : memref<1x1x2000xi32, #tpu.memory_space<vmem>>, vector<1x1x2000xi32>
    %get3A_31 = vector.shape_cast %get3A_30 : vector<1x1x2000xi32> to vector<2000xi32>
    %iota3A = tpu.iota {dimensions = array<i32: 1>} : vector<2000x1024xi32>
    %broadcast_in_dim3A = vector.shape_cast %get3A_31 : vector<2000xi32> to vector<2000x1xi32>
    %eq3A_32 = vector.broadcast %broadcast_in_dim3A : vector<2000x1xi32> to vector<2000x1024xi32>
    %eq3A_33 = arith.cmpi eq, %iota3A, %eq3A_32 : vector<2000x1024xi32>
    %convert_element_type3A_34 = arith.extui %eq3A_33 : vector<2000x1024xi1> to vector<2000x1024xi32>
    %convert_element_type3A_35 = arith.sitofp %convert_element_type3A_34 : vector<2000x1024xi32> to vector<2000x1024xf32>
    %get3A_36 = arith.constant 0 : index
    %get3A_37 = arith.constant 0 : index
    %get3A_38 = vector.load %arg8[%get3A_36, %get3A_37] : memref<1024x128xf32, #tpu.memory_space<vmem>>, vector<1024x128xf32>
    %dot_general3A_39 = arith.constant dense<0.000000e+00> : vector<1024x128xf32>
    %dot_general3A_40 = tpu.matmul %convert_element_type3A_35, %max3A_26, %dot_general3A_39 {dimension_numbers = #tpu.dot_dimension_numbers<[0], [0], [1], [1], [0, 1, 1, 1], [], []>, transpose_lhs_hint = false} : vector<2000x1024xf32>, vector<2000x128xf32>, vector<1024x128xf32> -> vector<1024x128xf32>
    %add3A_41 = arith.addf %get3A_38, %dot_general3A_40 : vector<1024x128xf32>
    %swap3A = arith.constant 0 : index
    %swap3A_42 = arith.constant 0 : index
    %swap3A_43 = vector.load %arg8[%swap3A, %swap3A_42] : memref<1024x128xf32, #tpu.memory_space<vmem>>, vector<1024x128xf32>
    tpu.vector_store %arg8[%swap3A, %swap3A_42], %add3A_41 {strides = array<i32>} : memref<1024x128xf32, #tpu.memory_space<vmem>>, vector<1024x128xf32>,
    %eq3A_44 = arith.constant 6 : i32
    %eq3A_45 = arith.cmpi eq, %arg0, %eq3A_44 : i32
    %convert_element_type3A_46 = arith.extui %eq3A_45 : i1 to i32
    %cond3A_47 = arith.constant 0 : i32
    %cond3A_48 = arith.cmpi ne, %convert_element_type3A_46, %cond3A_47 : i32
    scf.if %cond3A_48 {
      %get3A_49 = arith.constant 0 : index
      %get3A_50 = arith.constant 0 : index
      %get3A_51 = vector.load %arg8[%get3A_49, %get3A_50] : memref<1024x128xf32, #tpu.memory_space<vmem>>, vector<1024x128xf32>
      %swap3A_52 = arith.constant 0 : index
      %swap3A_53 = arith.constant 0 : index
      %swap3A_54 = vector.load %arg7[%swap3A_52, %swap3A_53] : memref<1024x128xf32, #tpu.memory_space<vmem>>, vector<1024x128xf32>
      tpu.vector_store %arg7[%swap3A_52, %swap3A_53], %get3A_51 {strides = array<i32>} : memref<1024x128xf32, #tpu.memory_space<vmem>>, vector<1024x128xf32>,
    } else {
    }
    return
  }
  func.func @transform_0(%arg0: i32) -> (i32, i32, i32) {
    %add3A = arith.constant 43 : i32
    %add3A_0 = arith.addi %arg0, %add3A : i32
    %c0_i32 = arith.constant 0 : i32
    %c0_i32_1 = arith.constant 0 : i32
    %c0_i32_2 = arith.constant 0 : i32
    return %add3A_0, %c0_i32, %c0_i32_1 : i32, i32, i32
  }
  func.func @transform_1(%arg0: i32) -> (i32, i32) {
    %add3A = arith.constant 43 : i32
    %add3A_0 = arith.addi %arg0, %add3A : i32
    %c0_i32 = arith.constant 0 : i32
    %c0_i32_1 = arith.constant 0 : i32
    return %add3A_0, %c0_i32 : i32, i32
  }
  func.func @transform_2(%arg0: i32) -> (i32, i32) {
    %c0_i32 = arith.constant 0 : i32
    %c0_i32_0 = arith.constant 0 : i32
    %c0_i32_1 = arith.constant 0 : i32
    return %c0_i32, %c0_i32_0 : i32, i32
  }
  func.func @transform_3(%arg0: i32) -> (i32, i32) {
    %c0_i32 = arith.constant 0 : i32
    %c0_i32_0 = arith.constant 0 : i32
    %c0_i32_1 = arith.constant 0 : i32
    return %c0_i32, %c0_i32_0 : i32, i32
  }
  func.func @transform_4(%arg0: i32) -> (i32, i32) {
    %c0_i32 = arith.constant 0 : i32
    %c0_i32_0 = arith.constant 0 : i32
    %c0_i32_1 = arith.constant 0 : i32
    return %c0_i32, %c0_i32_0 : i32, i32
  }
  func.func @transform_5(%arg0: i32) -> (i32, i32) {
    %c0_i32 = arith.constant 0 : i32
    %c0_i32_0 = arith.constant 0 : i32
    %c0_i32_1 = arith.constant 0 : i32
    return %c0_i32, %c0_i32_0 : i32, i32
  }
  func.func @transform_6(%arg0: i32) -> (i32, i32) {
    %c0_i32 = arith.constant 0 : i32
    %c0_i32_0 = arith.constant 0 : i32
    %c0_i32_1 = arith.constant 0 : i32
    return %c0_i32, %c0_i32_0 : i32, i32
  }
}

module attributes {stable_mosaic.version = 14 : i64} {
  func.func @_out_body(%arg0: memref<2048x128xf32, #tpu.memory_space<vmem>>, %arg1: memref<2048x128xf32, #tpu.memory_space<vmem>>, %arg2: memref<1024x128xf32, #tpu.memory_space<vmem>>, %arg3: memref<128x128xf32, #tpu.memory_space<vmem>>, %arg4: memref<1x128xf32, #tpu.memory_space<vmem>>, %arg5: memref<1024x128xf32, #tpu.memory_space<vmem>>) attributes {dimension_semantics = [], scalar_prefetch = 0 : i64, scratch_operands = 0 : i64, tpu.core_type = #tpu.core_type<tc>} {
    %get3A = arith.constant 0 : index
    %get3A_0 = arith.constant 0 : index
    %get3A_1 = vector.load %arg0[%get3A, %get3A_0] : memref<2048x128xf32, #tpu.memory_space<vmem>>, vector<1024x128xf32>
    %get3A_2 = arith.constant 1024 : index
    %get3A_3 = arith.constant 0 : index
    %get3A_4 = vector.load %arg0[%get3A_2, %get3A_3] : memref<2048x128xf32, #tpu.memory_space<vmem>>, vector<1024x128xf32>
    %add3A = arith.addf %get3A_1, %get3A_4 : vector<1024x128xf32>
    %get3A_5 = arith.constant 0 : index
    %get3A_6 = arith.constant 0 : index
    %get3A_7 = vector.load %arg1[%get3A_5, %get3A_6] : memref<2048x128xf32, #tpu.memory_space<vmem>>, vector<1024x128xf32>
    %add3A_8 = arith.addf %add3A, %get3A_7 : vector<1024x128xf32>
    %get3A_9 = arith.constant 1024 : index
    %get3A_10 = arith.constant 0 : index
    %get3A_11 = vector.load %arg1[%get3A_9, %get3A_10] : memref<2048x128xf32, #tpu.memory_space<vmem>>, vector<1024x128xf32>
    %add3A_12 = arith.addf %add3A_8, %get3A_11 : vector<1024x128xf32>
    %get3A_13 = arith.constant 0 : index
    %get3A_14 = arith.constant 0 : index
    %get3A_15 = vector.load %arg2[%get3A_13, %get3A_14] : memref<1024x128xf32, #tpu.memory_space<vmem>>, vector<1024x128xf32>
    %add3A_16 = arith.addf %add3A_12, %get3A_15 : vector<1024x128xf32>
    %get3A_17 = arith.constant 0 : index
    %get3A_18 = arith.constant 0 : index
    %get3A_19 = vector.load %arg3[%get3A_17, %get3A_18] : memref<128x128xf32, #tpu.memory_space<vmem>>, vector<128x128xf32>
    %dot_general3A = arith.constant dense<0.000000e+00> : vector<1024x128xf32>
    %dot_general3A_20 = tpu.matmul %add3A_16, %get3A_19, %dot_general3A {dimension_numbers = #tpu.dot_dimension_numbers<[1], [0], [0], [1], [0, 0, 1, 1], [], []>, transpose_lhs_hint = false} : vector<1024x128xf32>, vector<128x128xf32>, vector<1024x128xf32> -> vector<1024x128xf32>
    %get3A_21 = arith.constant 0 : index
    %get3A_22 = arith.constant 0 : index
    %get3A_23 = vector.load %arg4[%get3A_21, %get3A_22] : memref<1x128xf32, #tpu.memory_space<vmem>>, vector<1x128xf32>
    %add3A_24 = vector.broadcast %get3A_23 : vector<1x128xf32> to vector<1024x128xf32>
    %add3A_25 = arith.addf %dot_general3A_20, %add3A_24 : vector<1024x128xf32>
    %swap3A = arith.constant 0 : index
    %swap3A_26 = arith.constant 0 : index
    %swap3A_27 = vector.load %arg5[%swap3A, %swap3A_26] : memref<1024x128xf32, #tpu.memory_space<vmem>>, vector<1024x128xf32>
    tpu.vector_store %arg5[%swap3A, %swap3A_26], %add3A_25 {strides = array<i32>} : memref<1024x128xf32, #tpu.memory_space<vmem>>, vector<1024x128xf32>,
    return
  }
}

</mosaic_0001>

<sc_bundles>
// kernel: kernel.11.cloned.1.call-start
scs
__scs_entry_jumppad:
0x0: {  	(pc) =	sbr.rel $0x88, $3  }
0x1: {  	(tag) =	ssettag $0x0;
	lr =	simm.s32 $0x1  }
0x2: {  	[smem:$0x3F99] =	sst lr;
	_ =	strace $0xD0000000  }
0x3: {  	_ = 	snop  }
0x4: {  	_ = 	snop  }
0x5: {  	_ = 	snop  }
0x6: {  	_ = 	snop  }
0x7: {  	_ = 	snop  }
__scs_overlays_trampoline_lowered:
0x8: {  	[smem:$0x3FA8] =	sst s0  }
0x9: {  	[smem:$0x3FA9] =	sst s1  }
0xa: {  	[smem:$0x3FAA] =	sst s2  }
0xb: {  	[smem:$0x3FAB] =	sst s3  }
0xc: {  	[smem:$0x3FAC] =	sst s4  }
0xd: {  	[smem:$0x3FAD] =	sst s5  }
0xe: {  	[smem:$0x3FAE] =	sst s6  }
0xf: {  	[smem:$0x3FAF] =	sst s7  }
0x10: {  	[smem:$0x3FB0] =	sst s8  }
0x11: {  	[smem:$0x3FB1] =	sst s9;
	s0 =	simm.s32 @!p0 $0x0  }
0x12: {  	s1 =	sld [smem:$0x3F97];
	s0 =	simm.s32 @p0 $0x1  }
0x13: {  	[smem:$0x3FB2] =	sst s0;
	s0 =	simm.s32 @!p1 $0x0  }
0x14: {  	s2 =	sld [smem:$0x3F96];
	s0 =	simm.s32 @p1 $0x1  }
0x15: {  	[smem:$0x3FB3] =	sst s0;
	s0 =	simm.s32 @!p2 $0x0  }
0x16: {  	s3 =	sld [smem:$0x3FDB];
	s0 =	simm.s32 @p2 $0x1  }
0x17: {  	s4 =	simm.s32 $0x1BF5;
	[smem:$0x3FB5] =	sst s0  }
0x18: {  	s0 =	sld [smem:$0x3F98];
	_ =	swait.ge [sflag:s4], $0x0  }
0x19: {  	s7 =	sld [smem:$0x3F99]  }
0x1a: {  	s8 =	sadd.s32 $0xFFFFE003, lr  }
0x1b: {  	s9 =	sadd.s32 $0xFFFFFEF7, lr;
	s5 =	simm.s32 $0xFFFFFFFF;
	p2 =	slt.u32 s8, $0xFFFFF086  }
0x1c: {  	p1 =	slt.u32 s9, $0xF7A;
	s5 =	simm.s32 @!p2 $0x0  }
0x1d: {  	s5 =	simm.s32 @p1 $0x1;
	p0 =	seq.s32 s7, s2  }
0x1e: {  	s7 =	smul.u32 @!p0 $0xF7A, s2;
	p2 =	seq.s32 @!p0 s5, $0x0  }
0x1f: {  	s9 =	smul.u32 $0xF7A, s1;
	s8 =	simm.s32 @!p0 $0x1BF5;
	p2 =	por !p2, p0  }
0x20: {  	[sflag:s8] =	ssyncset.s32 @!p0 $0xFFFFF086;
	s6 =	sadd.s32 @!p0 s3, s7;
	s7 =	simm.s32 @!p0 $0x108  }
0x21: {  	s3 =	sadd.s32 s3, s9;
	s6 =	sadd.s32 @!p0 $0x88, s6;
	s7 =	simm.s32 @p2 $0x1082  }
0x22: {  	[simem:s7], [sflag:s8] =	dma.local @!p0 [hbm:s6], $0xF7A  }
0x23: {  	s9 =	sor.u32 $0xD0000000, s2;
	s6 =	simm.s32 $0x108;
	_ =	swait.ge @!p0 [sflag:s8], $0x0  }
0x24: {  	s3 =	sadd.s32 $0x88, s3;
	s6 =	simm.s32 @!p1 $0x1082;
	[sflag:s4] =	ssyncset.s32 $0xFFFFF086  }
0x25: {  	[simem:s6], [sflag:s4] =	dma.local [hbm:s3], $0xF7A  }
0x26: {  	[smem:$0x3F99] =	sst s1;
	(tag) =	ssettag s2;
	_ =	strace s9  }
0x27: {  	s1 =	sld [smem:$0x3FA9]  }
0x28: {  	s2 =	sld [smem:$0x3FAA]  }
0x29: {  	s4 =	sld [smem:$0x3FAC]  }
0x2a: {  	p0 =	seq.s32 s5, $0x0;
	s5 =	sld [smem:$0x3FAD]  }
0x2b: {  	s6 =	sld [smem:$0x3FAE]  }
0x2c: {  	s7 =	sld [smem:$0x3FAF]  }
0x2d: {  	s3 =	simm.s32 $0x108;
	s8 =	sld [smem:$0x3FB0]  }
0x2e: {  	s3 =	simm.s32 @!p0 $0x1082;
	s9 =	sld [smem:$0x3FB1]  }
0x2f: {  	lr =	sadd.s32 s0, s3;
	s0 =	sld [smem:$0x3FA8]  }
0x30: {  	s3 =	sld [smem:$0x3FAB]  }
0x31: {  	[smem:$0x3FB4] =	sst s10  }
0x32: {  	s10 =	sld [smem:$0x3FB2];
	_ =	sdelay $0x3  }
0x33: {  	p0 =	seq.s32 s10, $0x1;
	s10 =	sld [smem:$0x3FB4];
	_ =	sdelay $0x3  }
0x34: {  	[smem:$0x3FB4] =	sst s10  }
0x35: {  	s10 =	sld [smem:$0x3FB3];
	_ =	sdelay $0x3  }
0x36: {  	p1 =	seq.s32 s10, $0x1;
	s10 =	sld [smem:$0x3FB4];
	_ =	sdelay $0x3  }
0x37: {  	[smem:$0x3FB4] =	sst s10  }
0x38: {  	s10 =	sld [smem:$0x3FB5]  }
0x39: {  	_ = 	snop;
	(pc) =	sbr.ind lr, $3  }
0x3a: {  	_ = 	snop  }
0x3b: {  	_ = 	snop  }
0x3c: {  	p2 =	seq.s32 s10, $0x1;
	s10 =	sld [smem:$0x3FB4]  }
0x3d: {  	_ =	shalt  }
0x3e: {  	_ =	shalt  }
0x3f: {  	_ =	shalt  }
0x40: {  	_ =	shalt  }
0x41: {  	_ =	shalt  }
0x42: {  	_ =	shalt  }
0x43: {  	_ =	shalt  }
0x44: {  	_ =	shalt  }
0x45: {  	_ =	shalt  }
0x46: {  	_ =	shalt  }
0x47: {  	_ =	shalt  }
0x48: {  	_ =	shalt  }
0x49: {  	_ =	shalt  }
0x4a: {  	_ =	shalt  }
0x4b: {  	_ =	shalt  }
0x4c: {  	_ =	shalt  }
0x4d: {  	_ =	shalt  }
0x4e: {  	_ =	shalt  }
0x4f: {  	_ =	shalt  }
0x50: {  	_ =	shalt  }
0x51: {  	_ =	shalt  }
0x52: {  	_ =	shalt  }
0x53: {  	_ =	shalt  }
0x54: {  	_ =	shalt  }
0x55: {  	_ =	shalt  }
0x56: {  	_ =	shalt  }
0x57: {  	_ =	shalt  }
0x58: {  	_ =	shalt  }
0x59: {  	_ =	shalt  }
0x5a: {  	_ =	shalt  }
0x5b: {  	_ =	shalt  }
0x5c: {  	_ =	shalt  }
0x5d: {  	_ =	shalt  }
0x5e: {  	_ =	shalt  }
0x5f: {  	_ =	shalt  }
0x60: {  	_ =	shalt  }
0x61: {  	_ =	shalt  }
0x62: {  	_ =	shalt  }
0x63: {  	_ =	shalt  }
0x64: {  	_ =	shalt  }
0x65: {  	_ =	shalt  }
0x66: {  	_ =	shalt  }
0x67: {  	_ =	shalt  }
0x68: {  	_ =	shalt  }
0x69: {  	_ =	shalt  }
0x6a: {  	_ =	shalt  }
0x6b: {  	_ =	shalt  }
0x6c: {  	_ =	shalt  }
0x6d: {  	_ =	shalt  }
0x6e: {  	_ =	shalt  }
0x6f: {  	_ =	shalt  }
0x70: {  	_ =	shalt  }
0x71: {  	_ =	shalt  }
0x72: {  	_ =	shalt  }
0x73: {  	_ =	shalt  }
0x74: {  	_ =	shalt  }
0x75: {  	_ =	shalt  }
0x76: {  	_ =	shalt  }
0x77: {  	_ =	shalt  }
0x78: {  	_ =	shalt  }
0x79: {  	_ =	shalt  }
0x7a: {  	_ =	shalt  }
0x7b: {  	_ =	shalt  }
0x7c: {  	_ =	shalt  }
0x7d: {  	_ =	shalt  }
0x7e: {  	_ =	shalt  }
0x7f: {  	_ =	shalt  }
0x80: {  	_ =	shalt  }
0x81: {  	_ =	shalt  }
0x82: {  	_ =	shalt  }
0x83: {  	_ =	shalt  }
0x84: {  	_ =	shalt  }
0x85: {  	_ =	shalt  }
0x86: {  	_ =	shalt  }
0x87: {  	_ =	shalt  }
.Lfunc_end0:
.L_simem_size_0:
called_computation.1_lowered:
.L_overlay_start_0:
0x88: {  	s2 =	sld [smem:$0x3FD9]  }
0x89: {  	s3 =	sld [smem:$0x3FFE];
	_ =	sdelay $0x1  }
0x8a: {  	s1 =	srdreg.scid  }
0x8b: {  	s0 =	sand.u32 $0x1, s1  }
0x8c: {  	s17 =	sshll.u32 s0, $0xA;
	s2 =	sadd.s32 s3, s2  }
0x8d: {  	s2 =	sadd.s32 s2, s17  }
0x8e: {  	[smem:$0x3FC0] =	sst s2  }
0x8f: {  	_ = 	snop  }
0x90: {  	s18 =	sld [smem:$0x3FC8]  }
0x91: {  	s4 =	sld [smem:$0x3FD0];
	(tm) =	ssettm $0x1  }
0x92: {  	s19 =	sld [smem:$0x3FFB];
	_ =	sdelay $0x3  }
0x93: {  	_ =	strace s19  }
0x94: {  	s2 =	sld [smem:$0x3FFC];
	_ =	sdelay $0x3  }
0x95: {  	_ =	strace s2  }
0x96: {  	s2 =	sld [smem:$0x3FFD];
	_ =	sdelay $0x3  }
0x97: {  	_ =	strace s2  }
0x98: {  	_ =	strace $0x8FFFFFFF  }
0x99: {  	s20 =	sld [smem:$0x3FDB];
	_ =	sdelay $0x1  }
0x9a: {  	s5 =	simm.s32 $_scs_section_size  }
0x9b: {  	s6 =	simm.s32 $_size__tile_overlayer_lowered;
	s7 =	simm.s32 $_tile_overlayer_lowered  }
0x9c: {  	s8 =	simm.s32 $0x1BFF;
	s21 =	sshll.u32 s7, $0x1;
	s5 =	sadd.s32 s5, s20  }
0x9d: {  	s22 =	simm.s32 $0x0;
	s6 =	sshll.u32 s6, $0x1;
	s7 =	sadd.s32 s21, s5  }
0x9e: {  	[timem:s22], [sflag:s8] =	dma.local [hbm:s7], s6  }
0x9f: {  	_ =	swait.ge [sflag:s8], s6  }
0xa0: {  	s6 =	ssub.s32 $0x0, s6;
	[sflag:s8] =	ssyncset.done $0x0  }
0xa1: {  	[sflag:s8] =	ssyncadd.s32 s6;
	_ =	sdelay $0x1  }
0xa2: {  	s23 =	simm.s32 $0x1B8B  }
0xa3: {  	_ =	swait.ge [sflag:s23], $0x1  }
0xa4: {  	[sflag:s23] =	ssyncset.done $0x0  }
0xa5: {  	[sflag:s23] =	ssyncadd.s32 $0xFFFFFFFF  }
0xa6: {  	s6 =	sld [smem:$0x0]  }
0xa7: {  	s7 =	sand.u32 $0xFFFFFFFE, s1  }
0xa8: {  	p0 =	sne.s32 s1, s7  }
0xa9: {  	s7 =	sshll.u32 @p0 s7, $0xE  }
0xaa: {  	s7 =	sadd.s32 @p0 $0x11B8D, s7;
	s8 =	sshll.u32 @p0 s6, $0x11  }
0xab: {  	s7 =	sor.u32 @p0 s8, s7  }
0xac: {  	[sflag:s7] =	ssyncadd.remote.s32 @p0 $0x1;
	_ =	sdelay $0x1  }
0xad: {  	s7 =	simm.s32 @p0 $0x1B8D  }
0xae: {  	_ =	swait.eq @p0 [sflag:s7], $0x1  }
0xaf: {  	[sflag:s7] =	ssyncadd.s32 @p0 $0xFFFFFFFF  }
0xb0: {  	s8 =	sshll.u32 @!p0 s1, $0xE  }
0xb1: {  	s8 =	sor.u32 @!p0 $0x4000, s8;
	s7 =	simm.s32 @!p0 $0x1B8D  }
0xb2: {  	s6 =	sshll.u32 @!p0 s6, $0x11;
	s8 =	sadd.s32 @!p0 $0x11B8D, s8;
	_ =	swait.eq @!p0 [sflag:s7], $0x1  }
0xb3: {  	s6 =	sor.u32 @!p0 s6, s8;
	[sflag:s7] =	ssyncadd.s32 @!p0 $0xFFFFFFFF  }
0xb4: {  	s25 =	simm.s32 $0x1B8E;
	s24 =	sld [smem:$0x3FFE];
	[sflag:s6] =	ssyncadd.remote.s32 @!p0 $0x1  }
0xb5: {  	s26 =	simm.s32 $execute0_lowered;
	[smem:$0x3FD2] =	sst s25  }
0xb6: {  	s7 =	sshll.u32 s26, $0x1;
	_ =	strace $0x80000049;
	[dreg:$0x1] =	wrdreg $0xFFFFFFFF  }
0xb7: {  	s28 =	simm.s32 $_size_execute0_lowered;
	s5 =	sadd.s32 s5, s7;
	[dreg:$0x0] =	wrdreg $0x0  }
0xb8: {  	s7 =	sshll.u32 s28, $0x1;
	[dreg:$0x2] =	wrdreg s5  }
0xb9: {  	[dreg:$0x3] =	wrdreg s7  }
0xba: {  	[dreg:$0x4] =	wrdreg $0xC0  }
0xbb: {  	_ =	task [dreg:s22], $0x5FFFF  }
0xbc: {  	[dreg:$0x1] =	wrdreg $0xFFFFFFFF  }
0xbd: {  	[dreg:$0x0] =	wrdreg $0x60  }
0xbe: {  	[dreg:$0x2] =	wrdreg s24  }
0xbf: {  	[dreg:$0x3] =	wrdreg s18  }
0xc0: {  	[dreg:$0x4] =	wrdreg s4  }
0xc1: {  	[dreg:$0x5] =	wrdreg $0x10A800  }
0xc2: {  	[dreg:$0x6] =	wrdreg $0xA  }
0xc3: {  	_ =	task.clear_ibuf [dreg:s22], $0x7FFFF;
	_ =	strace $0x90000049  }
0xc4: {  	s29 =	simm.s32 $0xA;
	_ =	strace $0x8000004B  }
0xc5: {  	_ =	swait.ge [sflag:s29], $0x1  }
0xc6: {  	[sflag:s29] =	ssyncadd.s32 $0xFFFFFFFF  }
0xc7: {  	_ =	strace $0x9000004B  }
0xc8: {  	_ =	sfence  }
0xc9: {  	s30 =	sld [smem:$0x0];
	_ =	sdelay $0x2  }
0xca: {  	s31 =	sshll.u32 s1, $0xD;
	s1 =	sshrl.u32 s1, $0x2  }
0xcb: {  	s4 =	sand.u32 $0x4000, s31;
	s1 =	sadd.s32 s1, s30  }
0xcc: {  	s0 =	sor.u32 s4, s0;
	s1 =	sshll.u32 s1, $0x11  }
0xcd: {  	s0 =	sor.u32 s1, s0  }
0xce: {  	s0 =	sadd.s32 $0x8F2B, s0  }
0xcf: {  	[sflag:s0] =	ssyncadd.remote.s32 $0x1  }
0xd0: {  	_ =	sfence.sel $0xFFFF  }
0xd1: {  	[dreg:$0x0] =	wrdreg $0xFFFFFFFF;
	(pc) =	sbr.abs _section_cstart, $3  }
0xd2: {  	[dreg:$0x1] =	wrdreg $0xFFFFFFFF  }
0xd3: {  	_ =	task.clear_ibuf [dreg:s22], $0x2FFFF;
	_ =	strace $0x9FFFFFFF  }
0xd4: {  	(tm) =	ssettm $0x7FFFFFFF  }
0xd5: {  	_ =	shalt  }
tec
execute0_lowered:
.L_overlay_start_1:
0x0: {  	(tag) =	ssettag $0x1  }
0x1: {  	s1 =	rddreg [dreg:$0x0]  }
0x2: {  	s3 =	rddreg [dreg:$0x1]  }
0x3: {  	s6 =	rddreg [dreg:$0x2]  }
0x4: {  	s2 =	rddreg [dreg:$0x3]  }
0x5: {  	s21 =	rddreg [dreg:$0x4];
	s0 =	srdreg.scid  }
0x6: {  	s22 =	stileid.u32;
	s5 =	simm.s32 $0x0;
	s4 =	sand.u32 $0x1, s0  }
0x7: {  	s17 =	sshll.u32 s22, $0x1;
	[smem:$0x7FF] =	sst s5;
	s8 =	sshll.u32 s22, $0xD  }
0x8: {  	s9 =	sshll.u32 s22, $0xA;
	s0 =	sor.u32 s4, s17;
	_ =	strace $0x8000004A  }
0x9: {  	s8 =	sadd.s32 s8, s2;
	s6 =	sadd.s32 s6, s9;
	s9 =	sadd.s32 s9, s1  }
0xa: {  	s7 =	sshll.u32 s0, $0xB;
	s10 =	sshll.u32 s0, $0x4;
	[dreg:$0x5] =	wrdreg s8  }
0xb: {  	[dreg:$0x6] =	wrdreg s6;
	s8 =	sadd.s32 s3, s10;
	s3 =	sadd.s32 $0x29FC, s3  }
0xc: {  	s7 =	sadd.s32 s7, s1;
	s1 =	sadd.s32 $0x159C00, s1;
	[dreg:$0x1d] =	wrdreg s3  }
0xd: {  	s18 =	sadd.s32 $0x157C, s8;
	[dreg:$0x1e] =	wrdreg s1  }
0xe: {  	s19 =	sadd.s32 $0xB5C00, s7;
	[dreg:$0x7] =	wrdreg s18  }
0xf: {  	s20 =	sadd.s32 $0x177C, s8;
	[dreg:$0x8] =	wrdreg s19  }
0x10: {  	s23 =	sadd.s32 $0xC5C00, s7;
	[dreg:$0x9] =	wrdreg s20  }
0x11: {  	s24 =	sadd.s32 $0x197C, s8;
	[dreg:$0xa] =	wrdreg s23  }
0x12: {  	s25 =	sadd.s32 $0xD5C00, s7;
	[dreg:$0xb] =	wrdreg s24  }
0x13: {  	s26 =	sadd.s32 $0x1B7C, s8;
	[dreg:$0xc] =	wrdreg s25  }
0x14: {  	s28 =	sadd.s32 $0xE5C00, s7;
	[dreg:$0xd] =	wrdreg s26  }
0x15: {  	s30 =	sadd.s32 $0x1D7C, s8;
	[dreg:$0xe] =	wrdreg s28  }
0x16: {  	s31 =	sadd.s32 $0xF5C00, s7;
	[dreg:$0xf] =	wrdreg s30  }
0x17: {  	s10 =	sadd.s32 $0x1F7C, s8;
	[dreg:$0x10] =	wrdreg s31  }
0x18: {  	s11 =	sadd.s32 $0x105C00, s7;
	[dreg:$0x11] =	wrdreg s10  }
0x19: {  	s12 =	sadd.s32 $0x217C, s8;
	[dreg:$0x12] =	wrdreg s11  }
0x1a: {  	p2 =	por $0x0, $0x0;
	s13 =	sadd.s32 $0x115C00, s7;
	[dreg:$0x13] =	wrdreg s12  }
0x1b: {  	p1 =	sgt.u32 s22, $0x3;
	s14 =	sadd.s32 $0x237C, s8;
	[dreg:$0x14] =	wrdreg s13  }
0x1c: {  	s6 =	simm.s32 $0x200;
	s15 =	sadd.s32 $0x125C00, s7;
	[dreg:$0x15] =	wrdreg s14  }
0x1d: {  	p0 =	sne.s32 s0, $0x1F;
	s16 =	sadd.s32 $0x257C, s8;
	[dreg:$0x16] =	wrdreg s15  }
0x1e: {  	s17 =	sadd.s32 $0x135C00, s7;
	s3 =	simm.s32 $0x8;
	[dreg:$0x17] =	wrdreg s16  }
0x1f: {  	[dreg:$0x18] =	wrdreg s17;
	s18 =	sadd.s32 $0x277C, s8;
	s20 =	sadd.s32 $0x145C00, s7  }
0x20: {  	s19 =	ssub.s32 $0x2, s4;
	s23 =	sadd.s32 $0x297C, s8;
	s25 =	sadd.s32 $0x155C00, s7  }
0x21: {  	s4 =	sshll.u32 s4, $0xE;
	s28 =	sshll.u32 s22, $0x6;
	s11 =	sshrl.u32 s19, $0x1  }
0x22: {  	s7 =	simm.s32 $0x80;
	s8 =	simm.s32 $0x1;
	s24 =	ssub.s32 s19, s11  }
0x23: {  	s15 =	simm.s32 $0x100;
	s16 =	simm.s32 $0x8200;
	s31 =	smax.u32 s24, $0x1  }
0x24: {  	s12 =	simm.s32 $0xC200;
	[dreg:$0x19] =	wrdreg s18;
	s29 =	sadd.s32 $0xFFFFFFFF, s31  }
0x25: {  	s17 =	simm.s32 $0x5;
	[dreg:$0x1a] =	wrdreg s20;
	p3 =	sne.s32 s29, $0x0  }
.Ltmp0:
0x26: {  	s14 =	simm.s32 $0x4;
	[dreg:$0x1b] =	wrdreg s23;
	(pc) =	sbr.rel @!p3 .LBB2_5-.Ltmp0, $4  }
0x27: {  	s13 =	simm.s32 $0x6;
	s10 =	simm.s32 $0x7;
	[dreg:$0x1c] =	wrdreg s25  }
0x28: {  	s26 =	sadd.s32 s4, s9;
	s20 =	sor.u32 $0x1C09, s28;
	s4 =	simm.s32 $0x9  }
0x29: {  	s9 =	simm.s32 $0x4200;
	s18 =	simm.s32 $0x3;
	s30 =	sadd.s32 $0x159E00, s26  }
0x2a: {  	s19 =	simm.s32 $0x2;
	s11 =	simm.s32 $0x180;
	[dreg:$0x1f] =	wrdreg s30  }
0x2b: {  	s0 =	rddreg [dreg:$0x5]  }
0x2c: {  	s1 =	rddreg [dreg:$0x6];
	s0 =	sshrl.u32 s0, $0x3  }
0x2d: {  	[smem:$0x7FD] =	sst s0  }
0x2e: {  	[spmem:s0], [sflag:s20] =	dma.local [hbm:s1], $0x400  }
0x2f: {  	_ =	swait.ge [sflag:s4], $0x400  }
0x30: {  	[sflag:s4] =	ssyncset.done $0x0  }
0x31: {  	s23 =	rddreg [dreg:$0x7];
	[sflag:s4] =	ssyncadd.s32 $0xFFFFFC00  }
0x32: {  	[tilespmem:s5], [sflag:$0x1] =	stream.linear.gather [hbm4b:s23+s5], $0x80, $0x38;
	[tilespmem:$0x12A80] =	vst v63  }
0x33: {  	s24 =	rddreg [dreg:$0x8]  }
0x34: {  	[tilespmem:s6], [sflag:$0x1] =	stream.linear.gather [hbm4b:s24+s5], $0x4000, $0x38;
	[tilespmem:$0x12A80] =	vst v63  }
0x35: {  	[bflag:$0x0] =	sbarrier.arrive $0xFFFF  }
0x36: {  	s25 =	rddreg [dreg:$0x9]  }
0x37: {  	[tilespmem:s7], [sflag:$0x2] =	stream.linear.gather [hbm4b:s25+s5], $0x80, $0x38;
	[tilespmem:$0x12A80] =	vst v63  }
0x38: {  	s26 =	rddreg [dreg:$0xa]  }
0x39: {  	[tilespmem:s9], [sflag:$0x2] =	stream.linear.gather [hbm4b:s26+s5], $0x4000, $0x38;
	[tilespmem:$0x12A80] =	vst v63  }
0x3a: {  	_ =	swait.ge [sflag:s8], $0x80  }
0x3b: {  	[sflag:s8] =	ssyncset.done $0x0  }
0x3c: {  	[sflag:s8] =	ssyncadd.s32 $0xFFFFFF80  }
0x3d: {  	_ =	swait.ge [sflag:s8], $0x4000  }
0x3e: {  	[sflag:s8] =	ssyncset.done $0x0  }
0x3f: {  	[sflag:s8] =	ssyncadd.s32 $0xFFFFC000  }
0x40: {  	[spmem:s2] =	stream.indirect.scatter.add.f32 [tilespmem:s6], [sflag:$0x5], $0x80, s5, s7, $0xb8;
	[tilespmem:$0x12A80] =	vst v63  }
0x41: {  	s30 =	rddreg [dreg:$0xb]  }
0x42: {  	[tilespmem:s15], [sflag:$0x3] =	stream.linear.gather [hbm4b:s30+s5], $0x80, $0x38;
	[tilespmem:$0x12A80] =	vst v63  }
0x43: {  	s31 =	rddreg [dreg:$0xc]  }
0x44: {  	[tilespmem:s16], [sflag:$0x3] =	stream.linear.gather [hbm4b:s31+s5], $0x4000, $0x38;
	[tilespmem:$0x12A80] =	vst v63  }
0x45: {  	_ =	swait.ge [sflag:s19], $0x80  }
0x46: {  	[sflag:s19] =	ssyncset.done $0x0  }
0x47: {  	[sflag:s19] =	ssyncadd.s32 $0xFFFFFF80  }
0x48: {  	_ =	swait.ge [sflag:s19], $0x4000  }
0x49: {  	[sflag:s19] =	ssyncset.done $0x0  }
0x4a: {  	[sflag:s19] =	ssyncadd.s32 $0xFFFFC000  }
0x4b: {  	[spmem:s2] =	stream.indirect.scatter.add.f32 [tilespmem:s9], [sflag:$0x6], $0x80, s7, s7, $0xb8;
	[tilespmem:$0x12A80] =	vst v63  }
0x4c: {  	s21 =	rddreg [dreg:$0xd]  }
0x4d: {  	[tilespmem:s11], [sflag:$0x4] =	stream.linear.gather [hbm4b:s21+s5], $0x80, $0x38;
	[tilespmem:$0x12A80] =	vst v63  }
0x4e: {  	s22 =	rddreg [dreg:$0xe]  }
0x4f: {  	[tilespmem:s12], [sflag:$0x4] =	stream.linear.gather [hbm4b:s22+s5], $0x4000, $0x38;
	[tilespmem:$0x12A80] =	vst v63  }
0x50: {  	_ =	swait.ge [sflag:s18], $0x80  }
0x51: {  	[sflag:s18] =	ssyncset.done $0x0  }
0x52: {  	[sflag:s18] =	ssyncadd.s32 $0xFFFFFF80  }
0x53: {  	_ =	swait.ge [sflag:s18], $0x4000  }
0x54: {  	[sflag:s18] =	ssyncset.done $0x0  }
0x55: {  	[sflag:s18] =	ssyncadd.s32 $0xFFFFC000  }
0x56: {  	[spmem:s2] =	stream.indirect.scatter.add.f32 [tilespmem:s16], [sflag:$0x7], $0x80, s15, s7, $0xb8;
	[tilespmem:$0x12A80] =	vst v63  }
0x57: {  	_ =	swait.ge [sflag:s17], $0x4000  }
0x58: {  	[sflag:s17] =	ssyncset.done $0x0  }
0x59: {  	s23 =	rddreg [dreg:$0xf];
	[sflag:s17] =	ssyncadd.s32 $0xFFFFC000  }
0x5a: {  	[tilespmem:s5], [sflag:$0x1] =	stream.linear.gather [hbm4b:s23+s5], $0x80, $0x38;
	[tilespmem:$0x12A80] =	vst v63  }
0x5b: {  	s24 =	rddreg [dreg:$0x10]  }
0x5c: {  	[tilespmem:s6], [sflag:$0x1] =	stream.linear.gather [hbm4b:s24+s5], $0x4000, $0x38;
	[tilespmem:$0x12A80] =	vst v63  }
0x5d: {  	_ =	swait.ge [sflag:s14], $0x80  }
0x5e: {  	[sflag:s14] =	ssyncset.done $0x0  }
0x5f: {  	[sflag:s14] =	ssyncadd.s32 $0xFFFFFF80  }
0x60: {  	_ =	swait.ge [sflag:s14], $0x4000  }
0x61: {  	[sflag:s14] =	ssyncset.done $0x0  }
0x62: {  	[sflag:s14] =	ssyncadd.s32 $0xFFFFC000  }
0x63: {  	[spmem:s2] =	stream.indirect.scatter.add.f32 [tilespmem:s12], [sflag:$0x8], $0x80, s11, s7, $0xb8;
	[tilespmem:$0x12A80] =	vst v63  }
0x64: {  	_ =	swait.ge [sflag:s13], $0x4000  }
0x65: {  	[sflag:s13] =	ssyncset.done $0x0  }
0x66: {  	s25 =	rddreg [dreg:$0x11];
	[sflag:s13] =	ssyncadd.s32 $0xFFFFC000  }
0x67: {  	[tilespmem:s7], [sflag:$0x2] =	stream.linear.gather [hbm4b:s25+s5], $0x80, $0x38;
	[tilespmem:$0x12A80] =	vst v63  }
0x68: {  	s26 =	rddreg [dreg:$0x12]  }
0x69: {  	[tilespmem:s9], [sflag:$0x2] =	stream.linear.gather [hbm4b:s26+s5], $0x4000, $0x38;
	[tilespmem:$0x12A80] =	vst v63  }
0x6a: {  	_ =	swait.ge [sflag:s8], $0x80  }
0x6b: {  	[sflag:s8] =	ssyncset.done $0x0  }
0x6c: {  	[sflag:s8] =	ssyncadd.s32 $0xFFFFFF80  }
0x6d: {  	_ =	swait.ge [sflag:s8], $0x4000  }
0x6e: {  	[sflag:s8] =	ssyncset.done $0x0  }
0x6f: {  	[sflag:s8] =	ssyncadd.s32 $0xFFFFC000  }
0x70: {  	[spmem:s2] =	stream.indirect.scatter.add.f32 [tilespmem:s6], [sflag:$0x5], $0x80, s5, s7, $0xb8;
	[tilespmem:$0x12A80] =	vst v63  }
0x71: {  	_ =	swait.ge [sflag:s10], $0x4000  }
0x72: {  	[sflag:s10] =	ssyncset.done $0x0  }
0x73: {  	s30 =	rddreg [dreg:$0x13];
	[sflag:s10] =	ssyncadd.s32 $0xFFFFC000  }
0x74: {  	[tilespmem:s15], [sflag:$0x3] =	stream.linear.gather [hbm4b:s30+s5], $0x80, $0x38;
	[tilespmem:$0x12A80] =	vst v63  }
0x75: {  	s31 =	rddreg [dreg:$0x14]  }
0x76: {  	[tilespmem:s16], [sflag:$0x3] =	stream.linear.gather [hbm4b:s31+s5], $0x4000, $0x38;
	[tilespmem:$0x12A80] =	vst v63  }
0x77: {  	_ =	swait.ge [sflag:s19], $0x80  }
0x78: {  	[sflag:s19] =	ssyncset.done $0x0  }
0x79: {  	[sflag:s19] =	ssyncadd.s32 $0xFFFFFF80  }
0x7a: {  	_ =	swait.ge [sflag:s19], $0x4000  }
0x7b: {  	[sflag:s19] =	ssyncset.done $0x0  }
0x7c: {  	[sflag:s19] =	ssyncadd.s32 $0xFFFFC000  }
0x7d: {  	[spmem:s2] =	stream.indirect.scatter.add.f32 [tilespmem:s9], [sflag:$0x6], $0x80, s7, s7, $0xb8;
	[tilespmem:$0x12A80] =	vst v63  }
0x7e: {  	_ =	swait.ge [sflag:s3], $0x4000  }
0x7f: {  	[sflag:s3] =	ssyncset.done $0x0  }
0x80: {  	s21 =	rddreg [dreg:$0x15];
	[sflag:s3] =	ssyncadd.s32 $0xFFFFC000  }
0x81: {  	[tilespmem:s11], [sflag:$0x4] =	stream.linear.gather [hbm4b:s21+s5], $0x80, $0x38;
	[tilespmem:$0x12A80] =	vst v63  }
0x82: {  	s22 =	rddreg [dreg:$0x16]  }
0x83: {  	[tilespmem:s12], [sflag:$0x4] =	stream.linear.gather [hbm4b:s22+s5], $0x4000, $0x38;
	[tilespmem:$0x12A80] =	vst v63  }
0x84: {  	_ =	swait.ge [sflag:s18], $0x80  }
0x85: {  	[sflag:s18] =	ssyncset.done $0x0  }
0x86: {  	[sflag:s18] =	ssyncadd.s32 $0xFFFFFF80  }
0x87: {  	_ =	swait.ge [sflag:s18], $0x4000  }
0x88: {  	[sflag:s18] =	ssyncset.done $0x0  }
0x89: {  	[sflag:s18] =	ssyncadd.s32 $0xFFFFC000  }
0x8a: {  	[spmem:s2] =	stream.indirect.scatter.add.f32 [tilespmem:s16], [sflag:$0x7], $0x80, s15, s7, $0xb8;
	[tilespmem:$0x12A80] =	vst v63  }
0x8b: {  	_ =	swait.ge [sflag:s17], $0x4000  }
0x8c: {  	[sflag:s17] =	ssyncset.done $0x0  }
0x8d: {  	s23 =	rddreg [dreg:$0x17];
	[sflag:s17] =	ssyncadd.s32 $0xFFFFC000  }
0x8e: {  	[tilespmem:s5], [sflag:$0x1] =	stream.linear.gather [hbm4b:s23+s5], $0x80, $0x38;
	[tilespmem:$0x12A80] =	vst v63  }
0x8f: {  	s24 =	rddreg [dreg:$0x18]  }
0x90: {  	[tilespmem:s6], [sflag:$0x1] =	stream.linear.gather [hbm4b:s24+s5], $0x4000, $0x38;
	[tilespmem:$0x12A80] =	vst v63  }
0x91: {  	_ =	swait.ge [sflag:s14], $0x80  }
0x92: {  	[sflag:s14] =	ssyncset.done $0x0  }
0x93: {  	[sflag:s14] =	ssyncadd.s32 $0xFFFFFF80  }
0x94: {  	_ =	swait.ge [sflag:s14], $0x4000  }
0x95: {  	[sflag:s14] =	ssyncset.done $0x0  }
0x96: {  	[sflag:s14] =	ssyncadd.s32 $0xFFFFC000  }
0x97: {  	[spmem:s2] =	stream.indirect.scatter.add.f32 [tilespmem:s12], [sflag:$0x8], $0x80, s11, s7, $0xb8;
	[tilespmem:$0x12A80] =	vst v63  }
0x98: {  	_ =	swait.ge [sflag:s13], $0x4000  }
0x99: {  	[sflag:s13] =	ssyncset.done $0x0  }
0x9a: {  	s25 =	rddreg [dreg:$0x19];
	[sflag:s13] =	ssyncadd.s32 $0xFFFFC000  }
0x9b: {  	[tilespmem:s7], [sflag:$0x2] =	stream.linear.gather [hbm4b:s25+s5], $0x80, $0x38;
	[tilespmem:$0x12A80] =	vst v63  }
0x9c: {  	s26 =	rddreg [dreg:$0x1a]  }
0x9d: {  	[tilespmem:s9], [sflag:$0x2] =	stream.linear.gather [hbm4b:s26+s5], $0x4000, $0x38;
	[tilespmem:$0x12A80] =	vst v63  }
0x9e: {  	_ =	swait.ge [sflag:s8], $0x80  }
0x9f: {  	[sflag:s8] =	ssyncset.done $0x0  }
0xa0: {  	[sflag:s8] =	ssyncadd.s32 $0xFFFFFF80  }
0xa1: {  	_ =	swait.ge [sflag:s8], $0x4000  }
0xa2: {  	[sflag:s8] =	ssyncset.done $0x0  }
0xa3: {  	[sflag:s8] =	ssyncadd.s32 $0xFFFFC000  }
0xa4: {  	[spmem:s2] =	stream.indirect.scatter.add.f32 [tilespmem:s6], [sflag:$0x5], $0x80, s5, s7, $0xb8;
	[tilespmem:$0x12A80] =	vst v63  }
0xa5: {  	_ =	swait.ge [sflag:s10], $0x4000  }
0xa6: {  	[sflag:s10] =	ssyncset.done $0x0  }
0xa7: {  	s21 =	simm.s32 @p1 $0x2;
	[sflag:s10] =	ssyncadd.s32 $0xFFFFC000  }
0xa8: {  	_ =	swait.ge @p1 [sflag:s21], $0x80  }
0xa9: {  	[sflag:s21] =	ssyncset.done @p1 $0x0  }
0xaa: {  	[sflag:s21] =	ssyncadd.s32 @p1 $0xFFFFFF80  }
0xab: {  	_ =	swait.ge @p1 [sflag:s21], $0x4000  }
0xac: {  	[sflag:s21] =	ssyncset.done @p1 $0x0  }
0xad: {  	s1 =	simm.s32 @p1 $0x4200;
	s3 =	simm.s32 @p1 $0x80;
	[sflag:s21] =	ssyncadd.s32 @p1 $0xFFFFC000  }
0xae: {  	[spmem:s2] =	stream.indirect.scatter.add.f32 @p1 [tilespmem:s1], [sflag:$0x6], $0x80, s3, s3, $0xb8;
	[tilespmem:$0x12A80] =	vst v63  }
0xaf: {  	s22 =	simm.s32 @!p1 $0x100;
	s0 =	rddreg [dreg:$0x1b];
	s3 =	simm.s32 @!p1 $0x0  }
0xb0: {  	[tilespmem:s22], [sflag:$0x3] =	stream.linear.gather @!p1 [hbm4b:s0+s3], $0x80, $0x38;
	[tilespmem:$0x12A80] =	vst v63  }
0xb1: {  	s28 =	simm.s32 @!p1 $0x2;
	s23 =	simm.s32 @!p1 $0x8200;
	s1 =	rddreg [dreg:$0x1c]  }
0xb2: {  	[tilespmem:s23], [sflag:$0x3] =	stream.linear.gather @!p1 [hbm4b:s1+s3], $0x4000, $0x38;
	[tilespmem:$0x12A80] =	vst v63  }
0xb3: {  	_ =	swait.ge @!p1 [sflag:s28], $0x80  }
0xb4: {  	[sflag:s28] =	ssyncset.done @!p1 $0x0  }
0xb5: {  	[sflag:s28] =	ssyncadd.s32 @!p1 $0xFFFFFF80  }
0xb6: {  	_ =	swait.ge @!p1 [sflag:s28], $0x4000  }
0xb7: {  	s0 =	simm.s32 @!p1 $0x4200;
	[sflag:s28] =	ssyncset.done @!p1 $0x0  }
0xb8: {  	s1 =	simm.s32 @!p1 $0x8;
	s3 =	simm.s32 @!p1 $0x80;
	[sflag:s28] =	ssyncadd.s32 @!p1 $0xFFFFC000  }
0xb9: {  	[spmem:s2] =	stream.indirect.scatter.add.f32 @!p1 [tilespmem:s0], [sflag:$0x6], $0x80, s3, s3, $0xb8;
	[tilespmem:$0x12A80] =	vst v63  }
0xba: {  	_ =	swait.ge @!p1 [sflag:s1], $0x4000  }
0xbb: {  	[sflag:s1] =	ssyncset.done @!p1 $0x0  }
0xbc: {  	s0 =	simm.s32 @!p1 $0x3;
	[sflag:s1] =	ssyncadd.s32 @!p1 $0xFFFFC000  }
0xbd: {  	_ =	swait.ge @!p1 [sflag:s0], $0x80  }
0xbe: {  	[sflag:s0] =	ssyncset.done @!p1 $0x0  }
0xbf: {  	[sflag:s0] =	ssyncadd.s32 @!p1 $0xFFFFFF80  }
0xc0: {  	_ =	swait.ge @!p1 [sflag:s0], $0x4000  }
0xc1: {  	s1 =	simm.s32 @!p1 $0x5;
	[sflag:s0] =	ssyncset.done @!p1 $0x0  }
0xc2: {  	s1 =	simm.s32 @p1 $0x8;
	[sflag:s0] =	ssyncadd.s32 @!p1 $0xFFFFC000  }
0xc3: {  	[spmem:s2] =	stream.indirect.scatter.add.f32 @!p1 [tilespmem:s23], [sflag:$0x7], $0x80, s22, s3, $0xb8;
	[tilespmem:$0x12A80] =	vst v63  }
0xc4: {  	_ =	swait.ge [sflag:s1], $0x4000  }
0xc5: {  	s22 =	simm.s32 @!p1 $0x6;
	[sflag:s1] =	ssyncset.done $0x0  }
0xc6: {  	s22 =	simm.s32 @p1 $0x5;
	[sflag:s1] =	ssyncadd.s32 $0xFFFFC000  }
0xc7: {  	_ =	swait.ge [sflag:s22], $0x4000  }
0xc8: {  	s23 =	simm.s32 @!p1 $0x7;
	[sflag:s22] =	ssyncset.done $0x0  }
0xc9: {  	s23 =	simm.s32 @p1 $0x6;
	[sflag:s22] =	ssyncadd.s32 $0xFFFFC000  }
0xca: {  	_ =	swait.ge [sflag:s23], $0x4000  }
0xcb: {  	s30 =	simm.s32 @!p0 $0x10200;
	s31 =	simm.s32 @!p0 $0x0;
	[sflag:s23] =	ssyncset.done $0x0  }
0xcc: {  	s24 =	simm.s32 @!p0 $0x9;
	s25 =	rddreg [dreg:$0x1d];
	[sflag:s23] =	ssyncadd.s32 $0xFFFFC000  }
0xcd: {  	[tilespmem:s30], [sflag:$0x9] =	stream.linear.gather @!p0 [hbm4b:s25+s31], $0x10, $0x38;
	[tilespmem:$0x12A80] =	vst v63  }
0xce: {  	_ =	swait.ge @!p0 [sflag:s24], $0x10  }
0xcf: {  	[sflag:s24] =	ssyncset.done @!p0 $0x0  }
0xd0: {  	s25 =	simm.s32 @!p0 $0x10280;
	s26 =	rddreg [dreg:$0x1e];
	[sflag:s24] =	ssyncadd.s32 @!p0 $0xFFFFFFF0  }
0xd1: {  	[tilespmem:s25], [sflag:$0x9] =	stream.linear.gather @!p0 [hbm4b:s26+s31], $0x800, $0x38;
	[tilespmem:$0x12A80] =	vst v63  }
0xd2: {  	_ =	swait.ge @!p0 [sflag:s24], $0x800  }
0xd3: {  	[sflag:s24] =	ssyncset.done @!p0 $0x0  }
0xd4: {  	s26 =	simm.s32 @!p0 $0x10;
	[sflag:s24] =	ssyncadd.s32 @!p0 $0xFFFFF800  }
0xd5: {  	[spmem:s2] =	stream.indirect.scatter.add.f32 @!p0 [tilespmem:s25], [sflag:$0x9], $0x80, s30, s26, $0xb8;
	[tilespmem:$0x12A80] =	vst v63  }
0xd6: {  	_ =	swait.ge @!p0 [sflag:s24], $0x800  }
0xd7: {  	[sflag:s24] =	ssyncset.done @!p0 $0x0  }
0xd8: {  	s26 =	sadd.s32 $0xFFFFFFFF, s29;
	[sflag:s24] =	ssyncadd.s32 @!p0 $0xFFFFF800  }
0xd9: {  	p3 =	sne.s32 s26, $0x0;
	[bflag:$0x0] =	sbarrier.arrive $0xFFFF  }
.Ltmp1:
0xda: {  	s31 =	sld [smem:$0x7FD];
	(pc) =	sbr.rel @!p3 .LBB2_2-.Ltmp1, $4  }
0xdb: {  	_ = 	snop  }
0xdc: {  	s30 =	rddreg [dreg:$0x1f]  }
0xdd: {  	[hbm:s30], [sflag:s20] =	dma.local [spmem:s31], $0x400  }
0xde: {  	p2 =	por $0x1, $0x1;
	s3 =	simm.s32 $0x8;
	_ =	swait.ge [sflag:s4], $0x400  }
.LBB2_3:
0xdf: {  	s30 =	rddreg [dreg:$0x5];
	[sflag:s4] =	ssyncset.done $0x0  }
0xe0: {  	s31 =	rddreg [dreg:$0x6];
	[sflag:s4] =	ssyncadd.s32 $0xFFFFFC00;
	s30 =	sshrl.u32 s30, $0x3  }
0xe1: {  	[spmem:s30], [sflag:s20] =	dma.local [hbm:s31], $0x400  }
0xe2: {  	_ =	swait.ge [sflag:s4], $0x400  }
0xe3: {  	[sflag:s4] =	ssyncset.done $0x0  }
0xe4: {  	s31 =	rddreg [dreg:$0x7];
	[sflag:s4] =	ssyncadd.s32 $0xFFFFFC00  }
0xe5: {  	[tilespmem:s5], [sflag:$0x1] =	stream.linear.gather [hbm4b:s31+s5], $0x80, $0x38;
	[tilespmem:$0x12A80] =	vst v63  }
0xe6: {  	s29 =	rddreg [dreg:$0x8]  }
0xe7: {  	[tilespmem:s6], [sflag:$0x1] =	stream.linear.gather [hbm4b:s29+s5], $0x4000, $0x38;
	[tilespmem:$0x12A80] =	vst v63  }
0xe8: {  	[bflag:$0x0] =	sbarrier.arrive $0xFFFF  }
0xe9: {  	s25 =	smov.u32 s20;
	s20 =	rddreg [dreg:$0x9]  }
0xea: {  	[tilespmem:s7], [sflag:$0x2] =	stream.linear.gather [hbm4b:s20+s5], $0x80, $0x38;
	[tilespmem:$0x12A80] =	vst v63  }
0xeb: {  	s29 =	rddreg [dreg:$0xa]  }
0xec: {  	[tilespmem:s9], [sflag:$0x2] =	stream.linear.gather [hbm4b:s29+s5], $0x4000, $0x38;
	[tilespmem:$0x12A80] =	vst v63  }
0xed: {  	_ =	swait.ge [sflag:s8], $0x80  }
0xee: {  	[sflag:s8] =	ssyncset.done $0x0  }
0xef: {  	[sflag:s8] =	ssyncadd.s32 $0xFFFFFF80  }
0xf0: {  	_ =	swait.ge [sflag:s8], $0x4000  }
0xf1: {  	[sflag:s8] =	ssyncset.done $0x0  }
0xf2: {  	[sflag:s8] =	ssyncadd.s32 $0xFFFFC000  }
0xf3: {  	[spmem:s2] =	stream.indirect.scatter.add.f32 [tilespmem:s6], [sflag:$0x5], $0x80, s5, s7, $0xb8;
	[tilespmem:$0x12A80] =	vst v63  }
0xf4: {  	s20 =	rddreg [dreg:$0xb]  }
0xf5: {  	[tilespmem:s15], [sflag:$0x3] =	stream.linear.gather [hbm4b:s20+s5], $0x80, $0x38;
	[tilespmem:$0x12A80] =	vst v63  }
0xf6: {  	s29 =	rddreg [dreg:$0xc]  }
0xf7: {  	[tilespmem:s16], [sflag:$0x3] =	stream.linear.gather [hbm4b:s29+s5], $0x4000, $0x38;
	[tilespmem:$0x12A80] =	vst v63  }
0xf8: {  	_ =	swait.ge [sflag:s19], $0x80  }
0xf9: {  	[sflag:s19] =	ssyncset.done $0x0  }
0xfa: {  	[sflag:s19] =	ssyncadd.s32 $0xFFFFFF80  }
0xfb: {  	_ =	swait.ge [sflag:s19], $0x4000  }
0xfc: {  	[sflag:s19] =	ssyncset.done $0x0  }
0xfd: {  	[sflag:s19] =	ssyncadd.s32 $0xFFFFC000  }
0xfe: {  	[spmem:s2] =	stream.indirect.scatter.add.f32 [tilespmem:s9], [sflag:$0x6], $0x80, s7, s7, $0xb8;
	[tilespmem:$0x12A80] =	vst v63  }
0xff: {  	s20 =	rddreg [dreg:$0xd]  }
0x100: {  	[tilespmem:s11], [sflag:$0x4] =	stream.linear.gather [hbm4b:s20+s5], $0x80, $0x38;
	[tilespmem:$0x12A80] =	vst v63  }
0x101: {  	s29 =	rddreg [dreg:$0xe]  }
0x102: {  	[tilespmem:s12], [sflag:$0x4] =	stream.linear.gather [hbm4b:s29+s5], $0x4000, $0x38;
	[tilespmem:$0x12A80] =	vst v63  }
0x103: {  	_ =	swait.ge [sflag:s18], $0x80  }
0x104: {  	[sflag:s18] =	ssyncset.done $0x0  }
0x105: {  	[sflag:s18] =	ssyncadd.s32 $0xFFFFFF80  }
0x106: {  	_ =	swait.ge [sflag:s18], $0x4000  }
0x107: {  	[sflag:s18] =	ssyncset.done $0x0  }
0x108: {  	[sflag:s18] =	ssyncadd.s32 $0xFFFFC000  }
0x109: {  	[spmem:s2] =	stream.indirect.scatter.add.f32 [tilespmem:s16], [sflag:$0x7], $0x80, s15, s7, $0xb8;
	[tilespmem:$0x12A80] =	vst v63  }
0x10a: {  	_ =	swait.ge [sflag:s17], $0x4000  }
0x10b: {  	[sflag:s17] =	ssyncset.done $0x0  }
0x10c: {  	s20 =	rddreg [dreg:$0xf];
	[sflag:s17] =	ssyncadd.s32 $0xFFFFC000  }
0x10d: {  	[tilespmem:s5], [sflag:$0x1] =	stream.linear.gather [hbm4b:s20+s5], $0x80, $0x38;
	[tilespmem:$0x12A80] =	vst v63  }
0x10e: {  	s29 =	rddreg [dreg:$0x10]  }
0x10f: {  	[tilespmem:s6], [sflag:$0x1] =	stream.linear.gather [hbm4b:s29+s5], $0x4000, $0x38;
	[tilespmem:$0x12A80] =	vst v63  }
0x110: {  	_ =	swait.ge [sflag:s14], $0x80  }
0x111: {  	[sflag:s14] =	ssyncset.done $0x0  }
0x112: {  	[sflag:s14] =	ssyncadd.s32 $0xFFFFFF80  }
0x113: {  	_ =	swait.ge [sflag:s14], $0x4000  }
0x114: {  	[sflag:s14] =	ssyncset.done $0x0  }
0x115: {  	[sflag:s14] =	ssyncadd.s32 $0xFFFFC000  }
0x116: {  	[spmem:s2] =	stream.indirect.scatter.add.f32 [tilespmem:s12], [sflag:$0x8], $0x80, s11, s7, $0xb8;
	[tilespmem:$0x12A80] =	vst v63  }
0x117: {  	_ =	swait.ge [sflag:s13], $0x4000  }
0x118: {  	[sflag:s13] =	ssyncset.done $0x0  }
0x119: {  	s20 =	rddreg [dreg:$0x11];
	[sflag:s13] =	ssyncadd.s32 $0xFFFFC000  }
0x11a: {  	[tilespmem:s7], [sflag:$0x2] =	stream.linear.gather [hbm4b:s20+s5], $0x80, $0x38;
	[tilespmem:$0x12A80] =	vst v63  }
0x11b: {  	s29 =	rddreg [dreg:$0x12]  }
0x11c: {  	[tilespmem:s9], [sflag:$0x2] =	stream.linear.gather [hbm4b:s29+s5], $0x4000, $0x38;
	[tilespmem:$0x12A80] =	vst v63  }
0x11d: {  	_ =	swait.ge [sflag:s8], $0x80  }
0x11e: {  	[sflag:s8] =	ssyncset.done $0x0  }
0x11f: {  	[sflag:s8] =	ssyncadd.s32 $0xFFFFFF80  }
0x120: {  	_ =	swait.ge [sflag:s8], $0x4000  }
0x121: {  	[sflag:s8] =	ssyncset.done $0x0  }
0x122: {  	[sflag:s8] =	ssyncadd.s32 $0xFFFFC000  }
0x123: {  	[spmem:s2] =	stream.indirect.scatter.add.f32 [tilespmem:s6], [sflag:$0x5], $0x80, s5, s7, $0xb8;
	[tilespmem:$0x12A80] =	vst v63  }
0x124: {  	_ =	swait.ge [sflag:s10], $0x4000  }
0x125: {  	[sflag:s10] =	ssyncset.done $0x0  }
0x126: {  	s20 =	rddreg [dreg:$0x13];
	[sflag:s10] =	ssyncadd.s32 $0xFFFFC000  }
0x127: {  	[tilespmem:s15], [sflag:$0x3] =	stream.linear.gather [hbm4b:s20+s5], $0x80, $0x38;
	[tilespmem:$0x12A80] =	vst v63  }
0x128: {  	s29 =	rddreg [dreg:$0x14]  }
0x129: {  	[tilespmem:s16], [sflag:$0x3] =	stream.linear.gather [hbm4b:s29+s5], $0x4000, $0x38;
	[tilespmem:$0x12A80] =	vst v63  }
0x12a: {  	_ =	swait.ge [sflag:s19], $0x80  }
0x12b: {  	[sflag:s19] =	ssyncset.done $0x0  }
0x12c: {  	[sflag:s19] =	ssyncadd.s32 $0xFFFFFF80  }
0x12d: {  	_ =	swait.ge [sflag:s19], $0x4000  }
0x12e: {  	[sflag:s19] =	ssyncset.done $0x0  }
0x12f: {  	[sflag:s19] =	ssyncadd.s32 $0xFFFFC000  }
0x130: {  	[spmem:s2] =	stream.indirect.scatter.add.f32 [tilespmem:s9], [sflag:$0x6], $0x80, s7, s7, $0xb8;
	[tilespmem:$0x12A80] =	vst v63  }
0x131: {  	_ =	swait.ge [sflag:s3], $0x4000  }
0x132: {  	[sflag:s3] =	ssyncset.done $0x0  }
0x133: {  	s20 =	rddreg [dreg:$0x15];
	[sflag:s3] =	ssyncadd.s32 $0xFFFFC000  }
0x134: {  	[tilespmem:s11], [sflag:$0x4] =	stream.linear.gather [hbm4b:s20+s5], $0x80, $0x38;
	[tilespmem:$0x12A80] =	vst v63  }
0x135: {  	s29 =	rddreg [dreg:$0x16]  }
0x136: {  	[tilespmem:s12], [sflag:$0x4] =	stream.linear.gather [hbm4b:s29+s5], $0x4000, $0x38;
	[tilespmem:$0x12A80] =	vst v63  }
0x137: {  	_ =	swait.ge [sflag:s18], $0x80  }
0x138: {  	[sflag:s18] =	ssyncset.done $0x0  }
0x139: {  	[sflag:s18] =	ssyncadd.s32 $0xFFFFFF80  }
0x13a: {  	_ =	swait.ge [sflag:s18], $0x4000  }
0x13b: {  	[sflag:s18] =	ssyncset.done $0x0  }
0x13c: {  	[sflag:s18] =	ssyncadd.s32 $0xFFFFC000  }
0x13d: {  	[spmem:s2] =	stream.indirect.scatter.add.f32 [tilespmem:s16], [sflag:$0x7], $0x80, s15, s7, $0xb8;
	[tilespmem:$0x12A80] =	vst v63  }
0x13e: {  	_ =	swait.ge [sflag:s17], $0x4000  }
0x13f: {  	[sflag:s17] =	ssyncset.done $0x0  }
0x140: {  	s29 =	rddreg [dreg:$0x17];
	[sflag:s17] =	ssyncadd.s32 $0xFFFFC000  }
0x141: {  	[tilespmem:s5], [sflag:$0x1] =	stream.linear.gather [hbm4b:s29+s5], $0x80, $0x38;
	[tilespmem:$0x12A80] =	vst v63  }
0x142: {  	s15 =	rddreg [dreg:$0x18]  }
0x143: {  	[tilespmem:s6], [sflag:$0x1] =	stream.linear.gather [hbm4b:s15+s5], $0x4000, $0x38;
	[tilespmem:$0x12A80] =	vst v63  }
0x144: {  	_ =	swait.ge [sflag:s14], $0x80  }
0x145: {  	[sflag:s14] =	ssyncset.done $0x0  }
0x146: {  	[sflag:s14] =	ssyncadd.s32 $0xFFFFFF80  }
0x147: {  	_ =	swait.ge [sflag:s14], $0x4000  }
0x148: {  	[sflag:s14] =	ssyncset.done $0x0  }
0x149: {  	[sflag:s14] =	ssyncadd.s32 $0xFFFFC000  }
0x14a: {  	[spmem:s2] =	stream.indirect.scatter.add.f32 [tilespmem:s12], [sflag:$0x8], $0x80, s11, s7, $0xb8;
	[tilespmem:$0x12A80] =	vst v63  }
0x14b: {  	_ =	swait.ge [sflag:s13], $0x4000  }
0x14c: {  	[sflag:s13] =	ssyncset.done $0x0  }
0x14d: {  	s16 =	rddreg [dreg:$0x19];
	[sflag:s13] =	ssyncadd.s32 $0xFFFFC000  }
0x14e: {  	[tilespmem:s7], [sflag:$0x2] =	stream.linear.gather [hbm4b:s16+s5], $0x80, $0x38;
	[tilespmem:$0x12A80] =	vst v63  }
0x14f: {  	s29 =	rddreg [dreg:$0x1a]  }
0x150: {  	[tilespmem:s9], [sflag:$0x2] =	stream.linear.gather [hbm4b:s29+s5], $0x4000, $0x38;
	[tilespmem:$0x12A80] =	vst v63  }
0x151: {  	_ =	swait.ge [sflag:s8], $0x80  }
0x152: {  	[sflag:s8] =	ssyncset.done $0x0  }
0x153: {  	[sflag:s8] =	ssyncadd.s32 $0xFFFFFF80  }
0x154: {  	_ =	swait.ge [sflag:s8], $0x4000  }
0x155: {  	[sflag:s8] =	ssyncset.done $0x0  }
0x156: {  	[sflag:s8] =	ssyncadd.s32 $0xFFFFC000  }
0x157: {  	[spmem:s2] =	stream.indirect.scatter.add.f32 [tilespmem:s6], [sflag:$0x5], $0x80, s5, s7, $0xb8;
	[tilespmem:$0x12A80] =	vst v63  }
0x158: {  	_ =	swait.ge [sflag:s10], $0x4000  }
0x159: {  	[sflag:s10] =	ssyncset.done $0x0  }
0x15a: {  	[sflag:s10] =	ssyncadd.s32 $0xFFFFC000  }
0x15b: {  	_ =	swait.ge @p1 [sflag:s21], $0x80  }
0x15c: {  	[sflag:s21] =	ssyncset.done @p1 $0x0  }
0x15d: {  	[sflag:s21] =	ssyncadd.s32 @p1 $0xFFFFFF80  }
0x15e: {  	_ =	swait.ge @p1 [sflag:s21], $0x4000  }
0x15f: {  	[sflag:s21] =	ssyncset.done @p1 $0x0  }
0x160: {  	s31 =	simm.s32 @p1 $0x4200;
	s11 =	simm.s32 @p1 $0x80;
	[sflag:s21] =	ssyncadd.s32 @p1 $0xFFFFC000  }
0x161: {  	[spmem:s2] =	stream.indirect.scatter.add.f32 @p1 [tilespmem:s31], [sflag:$0x6], $0x80, s11, s11, $0xb8;
	[tilespmem:$0x12A80] =	vst v63  }
0x162: {  	s15 =	simm.s32 @!p1 $0x100;
	s12 =	simm.s32 @!p1 $0x0;
	s20 =	rddreg [dreg:$0x1b]  }
0x163: {  	[tilespmem:s15], [sflag:$0x3] =	stream.linear.gather @!p1 [hbm4b:s20+s12], $0x80, $0x38;
	[tilespmem:$0x12A80] =	vst v63  }
0x164: {  	s31 =	rddreg [dreg:$0x1c];
	s20 =	simm.s32 @!p1 $0x8200  }
0x165: {  	[tilespmem:s20], [sflag:$0x3] =	stream.linear.gather @!p1 [hbm4b:s31+s12], $0x4000, $0x38;
	[tilespmem:$0x12A80] =	vst v63  }
0x166: {  	_ =	swait.ge @!p1 [sflag:s28], $0x80  }
0x167: {  	[sflag:s28] =	ssyncset.done @!p1 $0x0  }
0x168: {  	[sflag:s28] =	ssyncadd.s32 @!p1 $0xFFFFFF80  }
0x169: {  	_ =	swait.ge @!p1 [sflag:s28], $0x4000  }
0x16a: {  	s16 =	simm.s32 @!p1 $0x4200;
	[sflag:s28] =	ssyncset.done @!p1 $0x0  }
0x16b: {  	s29 =	simm.s32 @!p1 $0x8;
	s31 =	simm.s32 @!p1 $0x80;
	[sflag:s28] =	ssyncadd.s32 @!p1 $0xFFFFC000  }
0x16c: {  	[spmem:s2] =	stream.indirect.scatter.add.f32 @!p1 [tilespmem:s16], [sflag:$0x6], $0x80, s31, s31, $0xb8;
	[tilespmem:$0x12A80] =	vst v63  }
0x16d: {  	_ =	swait.ge @!p1 [sflag:s29], $0x4000  }
0x16e: {  	[sflag:s29] =	ssyncset.done @!p1 $0x0  }
0x16f: {  	[sflag:s29] =	ssyncadd.s32 @!p1 $0xFFFFC000  }
0x170: {  	_ =	swait.ge @!p1 [sflag:s0], $0x80  }
0x171: {  	[sflag:s0] =	ssyncset.done @!p1 $0x0  }
0x172: {  	[sflag:s0] =	ssyncadd.s32 @!p1 $0xFFFFFF80  }
0x173: {  	_ =	swait.ge @!p1 [sflag:s0], $0x4000  }
0x174: {  	[sflag:s0] =	ssyncset.done @!p1 $0x0  }
0x175: {  	[sflag:s0] =	ssyncadd.s32 @!p1 $0xFFFFC000  }
0x176: {  	[spmem:s2] =	stream.indirect.scatter.add.f32 @!p1 [tilespmem:s20], [sflag:$0x7], $0x80, s15, s31, $0xb8;
	[tilespmem:$0x12A80] =	vst v63  }
0x177: {  	_ =	swait.ge [sflag:s1], $0x4000  }
0x178: {  	[sflag:s1] =	ssyncset.done $0x0  }
0x179: {  	[sflag:s1] =	ssyncadd.s32 $0xFFFFC000  }
0x17a: {  	_ =	swait.ge [sflag:s22], $0x4000  }
0x17b: {  	[sflag:s22] =	ssyncset.done $0x0  }
0x17c: {  	[sflag:s22] =	ssyncadd.s32 $0xFFFFC000  }
0x17d: {  	_ =	swait.ge [sflag:s23], $0x4000  }
0x17e: {  	s29 =	simm.s32 @!p0 $0x10200;
	[sflag:s23] =	ssyncset.done $0x0  }
0x17f: {  	s31 =	simm.s32 @!p0 $0x0;
	s20 =	rddreg [dreg:$0x1d];
	[sflag:s23] =	ssyncadd.s32 $0xFFFFC000  }
0x180: {  	[tilespmem:s29], [sflag:$0x9] =	stream.linear.gather @!p0 [hbm4b:s20+s31], $0x10, $0x38;
	[tilespmem:$0x12A80] =	vst v63  }
0x181: {  	_ =	swait.ge @!p0 [sflag:s24], $0x10  }
0x182: {  	[sflag:s24] =	ssyncset.done @!p0 $0x0  }
0x183: {  	s9 =	simm.s32 @!p0 $0x10280;
	s20 =	rddreg [dreg:$0x1e];
	[sflag:s24] =	ssyncadd.s32 @!p0 $0xFFFFFFF0  }
0x184: {  	[tilespmem:s9], [sflag:$0x9] =	stream.linear.gather @!p0 [hbm4b:s20+s31], $0x800, $0x38;
	[tilespmem:$0x12A80] =	vst v63  }
0x185: {  	_ =	swait.ge @!p0 [sflag:s24], $0x800  }
0x186: {  	[sflag:s24] =	ssyncset.done @!p0 $0x0  }
0x187: {  	s20 =	simm.s32 @!p0 $0x10;
	[sflag:s24] =	ssyncadd.s32 @!p0 $0xFFFFF800  }
0x188: {  	[spmem:s2] =	stream.indirect.scatter.add.f32 @!p0 [tilespmem:s9], [sflag:$0x9], $0x80, s29, s20, $0xb8;
	[tilespmem:$0x12A80] =	vst v63  }
0x189: {  	s26 =	sadd.s32 $0xFFFFFFFF, s26;
	_ =	swait.ge @!p0 [sflag:s24], $0x800  }
0x18a: {  	p3 =	sne.s32 s26, $0x0;
	[sflag:s24] =	ssyncset.done @!p0 $0x0  }
.Ltmp2:
0x18b: {  	[sflag:s24] =	ssyncadd.s32 @!p0 $0xFFFFF800;
	(pc) =	sbr.rel @p3 .LBB2_3-.Ltmp2, $4  }
0x18c: {  	s11 =	simm.s32 $0x180;
	s12 =	simm.s32 $0xC200;
	[bflag:$0x0] =	sbarrier.arrive $0xFFFF  }
0x18d: {  	s16 =	simm.s32 $0x8200;
	s15 =	simm.s32 $0x100;
	s31 =	rddreg [dreg:$0x1f]  }
0x18e: {  	[hbm:s31], [sflag:s25] =	dma.local [spmem:s30], $0x400  }
0x18f: {  	s9 =	simm.s32 $0x4200;
	s20 =	smov.u32 s25;
	_ =	swait.ge [sflag:s4], $0x400  }
0x190: {  	s21 =	rddreg [dreg:$0x4];
	s22 =	stileid.u32;
	s3 =	simm.s32 $0x8  }
.LBB2_5:
0x191: {  	s0 =	rddreg [dreg:$0x5];
	[sflag:s4] =	ssyncset.done @p2 $0x0  }
0x192: {  	s1 =	rddreg [dreg:$0x6];
	[sflag:s4] =	ssyncadd.s32 @p2 $0xFFFFFC00;
	s0 =	sshrl.u32 s0, $0x3  }
0x193: {  	[spmem:s0], [sflag:s20] =	dma.local [hbm:s1], $0x400  }
0x194: {  	_ =	swait.ge [sflag:s4], $0x400  }
0x195: {  	[sflag:s4] =	ssyncset.done $0x0  }
0x196: {  	s25 =	rddreg [dreg:$0x7];
	[sflag:s4] =	ssyncadd.s32 $0xFFFFFC00  }
0x197: {  	[tilespmem:s5], [sflag:$0x1] =	stream.linear.gather [hbm4b:s25+s5], $0x80, $0x38;
	[tilespmem:$0x12A80] =	vst v63  }
0x198: {  	s26 =	rddreg [dreg:$0x8]  }
0x199: {  	[tilespmem:s6], [sflag:$0x1] =	stream.linear.gather [hbm4b:s26+s5], $0x4000, $0x38;
	[tilespmem:$0x12A80] =	vst v63  }
0x19a: {  	[bflag:$0x0] =	sbarrier.arrive $0xFFFF  }
0x19b: {  	s28 =	rddreg [dreg:$0x9]  }
0x19c: {  	[tilespmem:s7], [sflag:$0x2] =	stream.linear.gather [hbm4b:s28+s5], $0x80, $0x38;
	[tilespmem:$0x12A80] =	vst v63  }
0x19d: {  	s29 =	rddreg [dreg:$0xa]  }
0x19e: {  	[tilespmem:s9], [sflag:$0x2] =	stream.linear.gather [hbm4b:s29+s5], $0x4000, $0x38;
	[tilespmem:$0x12A80] =	vst v63  }
0x19f: {  	_ =	swait.ge [sflag:s8], $0x80  }
0x1a0: {  	[sflag:s8] =	ssyncset.done $0x0  }
0x1a1: {  	[sflag:s8] =	ssyncadd.s32 $0xFFFFFF80  }
0x1a2: {  	_ =	swait.ge [sflag:s8], $0x4000  }
0x1a3: {  	[sflag:s8] =	ssyncset.done $0x0  }
0x1a4: {  	[sflag:s8] =	ssyncadd.s32 $0xFFFFC000  }
0x1a5: {  	[spmem:s2] =	stream.indirect.scatter.add.f32 [tilespmem:s6], [sflag:$0x5], $0x80, s5, s7, $0xb8;
	[tilespmem:$0x12A80] =	vst v63  }
0x1a6: {  	s30 =	rddreg [dreg:$0xb]  }
0x1a7: {  	[tilespmem:s15], [sflag:$0x3] =	stream.linear.gather [hbm4b:s30+s5], $0x80, $0x38;
	[tilespmem:$0x12A80] =	vst v63  }
0x1a8: {  	s31 =	rddreg [dreg:$0xc]  }
0x1a9: {  	[tilespmem:s16], [sflag:$0x3] =	stream.linear.gather [hbm4b:s31+s5], $0x4000, $0x38;
	[tilespmem:$0x12A80] =	vst v63  }
0x1aa: {  	_ =	swait.ge [sflag:s19], $0x80  }
0x1ab: {  	[sflag:s19] =	ssyncset.done $0x0  }
0x1ac: {  	[sflag:s19] =	ssyncadd.s32 $0xFFFFFF80  }
0x1ad: {  	_ =	swait.ge [sflag:s19], $0x4000  }
0x1ae: {  	[sflag:s19] =	ssyncset.done $0x0  }
0x1af: {  	[sflag:s19] =	ssyncadd.s32 $0xFFFFC000  }
0x1b0: {  	[spmem:s2] =	stream.indirect.scatter.add.f32 [tilespmem:s9], [sflag:$0x6], $0x80, s7, s7, $0xb8;
	[tilespmem:$0x12A80] =	vst v63  }
0x1b1: {  	s23 =	smov.u32 s20;
	s20 =	rddreg [dreg:$0xd]  }
0x1b2: {  	[tilespmem:s11], [sflag:$0x4] =	stream.linear.gather [hbm4b:s20+s5], $0x80, $0x38;
	[tilespmem:$0x12A80] =	vst v63  }
0x1b3: {  	s24 =	rddreg [dreg:$0xe]  }
0x1b4: {  	[tilespmem:s12], [sflag:$0x4] =	stream.linear.gather [hbm4b:s24+s5], $0x4000, $0x38;
	[tilespmem:$0x12A80] =	vst v63  }
0x1b5: {  	_ =	swait.ge [sflag:s18], $0x80  }
0x1b6: {  	[sflag:s18] =	ssyncset.done $0x0  }
0x1b7: {  	[sflag:s18] =	ssyncadd.s32 $0xFFFFFF80  }
0x1b8: {  	_ =	swait.ge [sflag:s18], $0x4000  }
0x1b9: {  	[sflag:s18] =	ssyncset.done $0x0  }
0x1ba: {  	[sflag:s18] =	ssyncadd.s32 $0xFFFFC000  }
0x1bb: {  	[spmem:s2] =	stream.indirect.scatter.add.f32 [tilespmem:s16], [sflag:$0x7], $0x80, s15, s7, $0xb8;
	[tilespmem:$0x12A80] =	vst v63  }
0x1bc: {  	_ =	swait.ge [sflag:s17], $0x4000  }
0x1bd: {  	[sflag:s17] =	ssyncset.done $0x0  }
0x1be: {  	s25 =	rddreg [dreg:$0xf];
	[sflag:s17] =	ssyncadd.s32 $0xFFFFC000  }
0x1bf: {  	[tilespmem:s5], [sflag:$0x1] =	stream.linear.gather [hbm4b:s25+s5], $0x80, $0x38;
	[tilespmem:$0x12A80] =	vst v63  }
0x1c0: {  	s26 =	rddreg [dreg:$0x10]  }
0x1c1: {  	[tilespmem:s6], [sflag:$0x1] =	stream.linear.gather [hbm4b:s26+s5], $0x4000, $0x38;
	[tilespmem:$0x12A80] =	vst v63  }
0x1c2: {  	_ =	swait.ge [sflag:s14], $0x80  }
0x1c3: {  	[sflag:s14] =	ssyncset.done $0x0  }
0x1c4: {  	[sflag:s14] =	ssyncadd.s32 $0xFFFFFF80  }
0x1c5: {  	_ =	swait.ge [sflag:s14], $0x4000  }
0x1c6: {  	[sflag:s14] =	ssyncset.done $0x0  }
0x1c7: {  	[sflag:s14] =	ssyncadd.s32 $0xFFFFC000  }
0x1c8: {  	[spmem:s2] =	stream.indirect.scatter.add.f32 [tilespmem:s12], [sflag:$0x8], $0x80, s11, s7, $0xb8;
	[tilespmem:$0x12A80] =	vst v63  }
0x1c9: {  	_ =	swait.ge [sflag:s13], $0x4000  }
0x1ca: {  	[sflag:s13] =	ssyncset.done $0x0  }
0x1cb: {  	s28 =	rddreg [dreg:$0x11];
	[sflag:s13] =	ssyncadd.s32 $0xFFFFC000  }
0x1cc: {  	[tilespmem:s7], [sflag:$0x2] =	stream.linear.gather [hbm4b:s28+s5], $0x80, $0x38;
	[tilespmem:$0x12A80] =	vst v63  }
0x1cd: {  	s29 =	rddreg [dreg:$0x12]  }
0x1ce: {  	[tilespmem:s9], [sflag:$0x2] =	stream.linear.gather [hbm4b:s29+s5], $0x4000, $0x38;
	[tilespmem:$0x12A80] =	vst v63  }
0x1cf: {  	_ =	swait.ge [sflag:s8], $0x80  }
0x1d0: {  	[sflag:s8] =	ssyncset.done $0x0  }
0x1d1: {  	[sflag:s8] =	ssyncadd.s32 $0xFFFFFF80  }
0x1d2: {  	_ =	swait.ge [sflag:s8], $0x4000  }
0x1d3: {  	[sflag:s8] =	ssyncset.done $0x0  }
0x1d4: {  	[sflag:s8] =	ssyncadd.s32 $0xFFFFC000  }
0x1d5: {  	[spmem:s2] =	stream.indirect.scatter.add.f32 [tilespmem:s6], [sflag:$0x5], $0x80, s5, s7, $0xb8;
	[tilespmem:$0x12A80] =	vst v63  }
0x1d6: {  	_ =	swait.ge [sflag:s10], $0x4000  }
0x1d7: {  	[sflag:s10] =	ssyncset.done $0x0  }
0x1d8: {  	s30 =	rddreg [dreg:$0x13];
	[sflag:s10] =	ssyncadd.s32 $0xFFFFC000  }
0x1d9: {  	[tilespmem:s15], [sflag:$0x3] =	stream.linear.gather [hbm4b:s30+s5], $0x80, $0x38;
	[tilespmem:$0x12A80] =	vst v63  }
0x1da: {  	s31 =	rddreg [dreg:$0x14]  }
0x1db: {  	[tilespmem:s16], [sflag:$0x3] =	stream.linear.gather [hbm4b:s31+s5], $0x4000, $0x38;
	[tilespmem:$0x12A80] =	vst v63  }
0x1dc: {  	_ =	swait.ge [sflag:s19], $0x80  }
0x1dd: {  	[sflag:s19] =	ssyncset.done $0x0  }
0x1de: {  	[sflag:s19] =	ssyncadd.s32 $0xFFFFFF80  }
0x1df: {  	_ =	swait.ge [sflag:s19], $0x4000  }
0x1e0: {  	[sflag:s19] =	ssyncset.done $0x0  }
0x1e1: {  	[sflag:s19] =	ssyncadd.s32 $0xFFFFC000  }
0x1e2: {  	[spmem:s2] =	stream.indirect.scatter.add.f32 [tilespmem:s9], [sflag:$0x6], $0x80, s7, s7, $0xb8;
	[tilespmem:$0x12A80] =	vst v63  }
0x1e3: {  	_ =	swait.ge [sflag:s3], $0x4000  }
0x1e4: {  	[sflag:s3] =	ssyncset.done $0x0  }
0x1e5: {  	s24 =	rddreg [dreg:$0x15];
	[sflag:s3] =	ssyncadd.s32 $0xFFFFC000  }
0x1e6: {  	[tilespmem:s11], [sflag:$0x4] =	stream.linear.gather [hbm4b:s24+s5], $0x80, $0x38;
	[tilespmem:$0x12A80] =	vst v63  }
0x1e7: {  	s25 =	rddreg [dreg:$0x16]  }
0x1e8: {  	[tilespmem:s12], [sflag:$0x4] =	stream.linear.gather [hbm4b:s25+s5], $0x4000, $0x38;
	[tilespmem:$0x12A80] =	vst v63  }
0x1e9: {  	_ =	swait.ge [sflag:s18], $0x80  }
0x1ea: {  	[sflag:s18] =	ssyncset.done $0x0  }
0x1eb: {  	[sflag:s18] =	ssyncadd.s32 $0xFFFFFF80  }
0x1ec: {  	_ =	swait.ge [sflag:s18], $0x4000  }
0x1ed: {  	[sflag:s18] =	ssyncset.done $0x0  }
0x1ee: {  	[sflag:s18] =	ssyncadd.s32 $0xFFFFC000  }
0x1ef: {  	[spmem:s2] =	stream.indirect.scatter.add.f32 [tilespmem:s16], [sflag:$0x7], $0x80, s15, s7, $0xb8;
	[tilespmem:$0x12A80] =	vst v63  }
0x1f0: {  	_ =	swait.ge [sflag:s17], $0x4000  }
0x1f1: {  	[sflag:s17] =	ssyncset.done $0x0  }
0x1f2: {  	s26 =	rddreg [dreg:$0x17];
	[sflag:s17] =	ssyncadd.s32 $0xFFFFC000  }
0x1f3: {  	[tilespmem:s5], [sflag:$0x1] =	stream.linear.gather [hbm4b:s26+s5], $0x80, $0x38;
	[tilespmem:$0x12A80] =	vst v63  }
0x1f4: {  	s28 =	rddreg [dreg:$0x18]  }
0x1f5: {  	[tilespmem:s6], [sflag:$0x1] =	stream.linear.gather [hbm4b:s28+s5], $0x4000, $0x38;
	[tilespmem:$0x12A80] =	vst v63  }
0x1f6: {  	_ =	swait.ge [sflag:s14], $0x80  }
0x1f7: {  	[sflag:s14] =	ssyncset.done $0x0  }
0x1f8: {  	[sflag:s14] =	ssyncadd.s32 $0xFFFFFF80  }
0x1f9: {  	_ =	swait.ge [sflag:s14], $0x4000  }
0x1fa: {  	[sflag:s14] =	ssyncset.done $0x0  }
0x1fb: {  	[sflag:s14] =	ssyncadd.s32 $0xFFFFC000  }
0x1fc: {  	[spmem:s2] =	stream.indirect.scatter.add.f32 [tilespmem:s12], [sflag:$0x8], $0x80, s11, s7, $0xb8;
	[tilespmem:$0x12A80] =	vst v63  }
0x1fd: {  	_ =	swait.ge [sflag:s13], $0x4000  }
0x1fe: {  	[sflag:s13] =	ssyncset.done $0x0  }
0x1ff: {  	s29 =	rddreg [dreg:$0x19];
	[sflag:s13] =	ssyncadd.s32 $0xFFFFC000  }
0x200: {  	[tilespmem:s7], [sflag:$0x2] =	stream.linear.gather [hbm4b:s29+s5], $0x80, $0x38;
	[tilespmem:$0x12A80] =	vst v63  }
0x201: {  	s30 =	rddreg [dreg:$0x1a]  }
0x202: {  	[tilespmem:s9], [sflag:$0x2] =	stream.linear.gather [hbm4b:s30+s5], $0x4000, $0x38;
	[tilespmem:$0x12A80] =	vst v63  }
0x203: {  	_ =	swait.ge [sflag:s8], $0x80  }
0x204: {  	[sflag:s8] =	ssyncset.done $0x0  }
0x205: {  	[sflag:s8] =	ssyncadd.s32 $0xFFFFFF80  }
0x206: {  	_ =	swait.ge [sflag:s8], $0x4000  }
0x207: {  	[sflag:s8] =	ssyncset.done $0x0  }
0x208: {  	[sflag:s8] =	ssyncadd.s32 $0xFFFFC000  }
0x209: {  	[spmem:s2] =	stream.indirect.scatter.add.f32 [tilespmem:s6], [sflag:$0x5], $0x80, s5, s7, $0xb8;
	[tilespmem:$0x12A80] =	vst v63  }
0x20a: {  	_ =	swait.ge [sflag:s10], $0x4000  }
0x20b: {  	[sflag:s10] =	ssyncset.done $0x0  }
0x20c: {  	s1 =	simm.s32 @p1 $0x2;
	[sflag:s10] =	ssyncadd.s32 $0xFFFFC000  }
0x20d: {  	_ =	swait.ge @p1 [sflag:s1], $0x80  }
0x20e: {  	[sflag:s1] =	ssyncset.done @p1 $0x0  }
0x20f: {  	[sflag:s1] =	ssyncadd.s32 @p1 $0xFFFFFF80  }
0x210: {  	_ =	swait.ge @p1 [sflag:s1], $0x4000  }
0x211: {  	[sflag:s1] =	ssyncset.done @p1 $0x0  }
0x212: {  	s5 =	simm.s32 @p1 $0x4200;
	s6 =	simm.s32 @p1 $0x80;
	[sflag:s1] =	ssyncadd.s32 @p1 $0xFFFFC000  }
0x213: {  	[spmem:s2] =	stream.indirect.scatter.add.f32 @p1 [tilespmem:s5], [sflag:$0x6], $0x80, s6, s6, $0xb8;
	[tilespmem:$0x12A80] =	vst v63  }
0x214: {  	s7 =	rddreg [dreg:$0x1b];
	s1 =	simm.s32 @!p1 $0x0;
	s5 =	simm.s32 @!p1 $0x100  }
0x215: {  	[tilespmem:s5], [sflag:$0x3] =	stream.linear.gather @!p1 [hbm4b:s7+s1], $0x80, $0x38;
	[tilespmem:$0x12A80] =	vst v63  }
0x216: {  	s8 =	simm.s32 @!p1 $0x2;
	s6 =	rddreg [dreg:$0x1c];
	s7 =	simm.s32 @!p1 $0x8200  }
0x217: {  	[tilespmem:s7], [sflag:$0x3] =	stream.linear.gather @!p1 [hbm4b:s6+s1], $0x4000, $0x38;
	[tilespmem:$0x12A80] =	vst v63  }
0x218: {  	_ =	swait.ge @!p1 [sflag:s8], $0x80  }
0x219: {  	[sflag:s8] =	ssyncset.done @!p1 $0x0  }
0x21a: {  	[sflag:s8] =	ssyncadd.s32 @!p1 $0xFFFFFF80  }
0x21b: {  	_ =	swait.ge @!p1 [sflag:s8], $0x4000  }
0x21c: {  	s9 =	simm.s32 @!p1 $0x4200;
	[sflag:s8] =	ssyncset.done @!p1 $0x0  }
0x21d: {  	s1 =	simm.s32 @!p1 $0x8;
	s6 =	simm.s32 @!p1 $0x80;
	[sflag:s8] =	ssyncadd.s32 @!p1 $0xFFFFC000  }
0x21e: {  	[spmem:s2] =	stream.indirect.scatter.add.f32 @!p1 [tilespmem:s9], [sflag:$0x6], $0x80, s6, s6, $0xb8;
	[tilespmem:$0x12A80] =	vst v63  }
0x21f: {  	_ =	swait.ge @!p1 [sflag:s1], $0x4000  }
0x220: {  	[sflag:s1] =	ssyncset.done @!p1 $0x0  }
0x221: {  	s8 =	simm.s32 @!p1 $0x3;
	[sflag:s1] =	ssyncadd.s32 @!p1 $0xFFFFC000  }
0x222: {  	_ =	swait.ge @!p1 [sflag:s8], $0x80  }
0x223: {  	[sflag:s8] =	ssyncset.done @!p1 $0x0  }
0x224: {  	[sflag:s8] =	ssyncadd.s32 @!p1 $0xFFFFFF80  }
0x225: {  	_ =	swait.ge @!p1 [sflag:s8], $0x4000  }
0x226: {  	s1 =	simm.s32 @!p1 $0x5;
	[sflag:s8] =	ssyncset.done @!p1 $0x0  }
0x227: {  	s1 =	simm.s32 @p1 $0x8;
	[sflag:s8] =	ssyncadd.s32 @!p1 $0xFFFFC000  }
0x228: {  	[spmem:s2] =	stream.indirect.scatter.add.f32 @!p1 [tilespmem:s7], [sflag:$0x7], $0x80, s5, s6, $0xb8;
	[tilespmem:$0x12A80] =	vst v63  }
0x229: {  	_ =	swait.ge [sflag:s1], $0x4000  }
0x22a: {  	s5 =	simm.s32 @!p1 $0x6;
	[sflag:s1] =	ssyncset.done $0x0  }
0x22b: {  	s5 =	simm.s32 @p1 $0x5;
	[sflag:s1] =	ssyncadd.s32 $0xFFFFC000  }
0x22c: {  	_ =	swait.ge [sflag:s5], $0x4000  }
0x22d: {  	s1 =	simm.s32 @!p1 $0x7;
	[sflag:s5] =	ssyncset.done $0x0  }
0x22e: {  	s1 =	simm.s32 @p1 $0x6;
	[sflag:s5] =	ssyncadd.s32 $0xFFFFC000  }
0x22f: {  	_ =	swait.ge [sflag:s1], $0x4000  }
0x230: {  	s6 =	simm.s32 @!p0 $0x10200;
	s7 =	simm.s32 @!p0 $0x9;
	[sflag:s1] =	ssyncset.done $0x0  }
0x231: {  	s5 =	rddreg [dreg:$0x1d];
	[sflag:s1] =	ssyncadd.s32 $0xFFFFC000;
	s1 =	simm.s32 @!p0 $0x0  }
0x232: {  	[tilespmem:s6], [sflag:$0x9] =	stream.linear.gather @!p0 [hbm4b:s5+s1], $0x10, $0x38;
	[tilespmem:$0x12A80] =	vst v63  }
0x233: {  	_ =	swait.ge @!p0 [sflag:s7], $0x10  }
0x234: {  	[sflag:s7] =	ssyncset.done @!p0 $0x0  }
0x235: {  	s8 =	simm.s32 @!p0 $0x10280;
	s5 =	rddreg [dreg:$0x1e];
	[sflag:s7] =	ssyncadd.s32 @!p0 $0xFFFFFFF0  }
0x236: {  	[tilespmem:s8], [sflag:$0x9] =	stream.linear.gather @!p0 [hbm4b:s5+s1], $0x800, $0x38;
	[tilespmem:$0x12A80] =	vst v63  }
0x237: {  	_ =	swait.ge @!p0 [sflag:s7], $0x800  }
0x238: {  	[sflag:s7] =	ssyncset.done @!p0 $0x0  }
0x239: {  	s1 =	simm.s32 @!p0 $0x10;
	[sflag:s7] =	ssyncadd.s32 @!p0 $0xFFFFF800  }
0x23a: {  	[spmem:s2] =	stream.indirect.scatter.add.f32 @!p0 [tilespmem:s8], [sflag:$0x9], $0x80, s6, s1, $0xb8;
	[tilespmem:$0x12A80] =	vst v63  }
0x23b: {  	_ =	swait.ge @!p0 [sflag:s7], $0x800  }
0x23c: {  	[sflag:s7] =	ssyncset.done @!p0 $0x0  }
0x23d: {  	[sflag:s7] =	ssyncadd.s32 @!p0 $0xFFFFF800  }
0x23e: {  	[bflag:$0x0] =	sbarrier.arrive $0xFFFF  }
0x23f: {  	s31 =	rddreg [dreg:$0x1f]  }
0x240: {  	[hbm:s31], [sflag:s23] =	dma.local [spmem:s0], $0x400  }
0x241: {  	_ =	swait.ge [sflag:s4], $0x400  }
0x242: {  	[sflag:s4] =	ssyncset.done $0x0  }
0x243: {  	[sflag:s4] =	ssyncadd.s32 $0xFFFFFC00  }
0x244: {  	_ =	sfence.sel $0x180000  }
0x245: {  	[bflag:$0x0] =	sbarrier.arrive $0xFFFF  }
0x246: {  	p0 =	sne.s32 s22, $0x0;
	_ =	strace $0x9000004A  }
0x247: {  	s0 =	sadd.s32 @!p0 $0x100000, s21;
	[bflag:$0x2] =	sbarrier.arrive $0xFFFF  }
0x248: {  	[sflag:s0] =	ssyncadd.tile.s32 @!p0 $0x1;
	_ =	shalt  }
.LBB2_2:
.Ltmp3:
0x249: {  	(pc) =	sbr.rel .LBB2_5-.Ltmp3, $2  }
0x24a: {  	_ =	sdelay $0x2  }
0x24b: {  	s21 =	rddreg [dreg:$0x4];
	s22 =	stileid.u32;
	s3 =	simm.s32 $0x8  }
.Lfunc_end2:
_tile_overlayer_lowered:
.L_overlay_start_2:
0x24c: {  	(tag) =	ssettag $0x2  }
0x24d: {  	s0 =	rddreg [dreg:$0x0];
	s2 =	stileid.u32  }
0x24e: {  	s1 =	rddreg [dreg:$0x1];
	p0 =	sne.s32 s2, $0x0  }
0x24f: {  	s3 =	rddreg [dreg:$0x2];
	[bflag:$0x3] =	sbarrier.arrive $0xFFFF;
	s2 =	simm.s32 @!p0 $0x1C09  }
0x250: {  	[timem:s3], [sflag:s2] =	dma.local @!p0 [hbm:s0], s1  }
0x251: {  	s0 =	simm.s32 @!p0 $0x9  }
0x252: {  	_ =	swait.ge @!p0 [sflag:s0], s1  }
0x253: {  	s1 =	ssub.s32 @!p0 $0x0, s1;
	[sflag:s0] =	ssyncset.done @!p0 $0x0  }
0x254: {  	[sflag:s0] =	ssyncadd.s32 @!p0 s1  }
0x255: {  	[bflag:$0x3] =	sbarrier.arrive $0xFFFF  }
0x256: {  	_ =	shalt  }

// kernel: kernel.8.cloned.1.call-start
scs
__scs_entry_jumppad:
0x0: {  	(pc) =	sbr.rel $0x88, $3  }
0x1: {  	(tag) =	ssettag $0x0;
	lr =	simm.s32 $0x1  }
0x2: {  	[smem:$0x3F99] =	sst lr;
	_ =	strace $0xD0000000  }
0x3: {  	_ = 	snop  }
0x4: {  	_ = 	snop  }
0x5: {  	_ = 	snop  }
0x6: {  	_ = 	snop  }
0x7: {  	_ = 	snop  }
__scs_overlays_trampoline_lowered:
0x8: {  	[smem:$0x3FA8] =	sst s0  }
0x9: {  	[smem:$0x3FA9] =	sst s1  }
0xa: {  	[smem:$0x3FAA] =	sst s2  }
0xb: {  	[smem:$0x3FAB] =	sst s3  }
0xc: {  	[smem:$0x3FAC] =	sst s4  }
0xd: {  	[smem:$0x3FAD] =	sst s5  }
0xe: {  	[smem:$0x3FAE] =	sst s6  }
0xf: {  	[smem:$0x3FAF] =	sst s7  }
0x10: {  	[smem:$0x3FB0] =	sst s8  }
0x11: {  	[smem:$0x3FB1] =	sst s9;
	s0 =	simm.s32 @!p0 $0x0  }
0x12: {  	s1 =	sld [smem:$0x3F97];
	s0 =	simm.s32 @p0 $0x1  }
0x13: {  	[smem:$0x3FB2] =	sst s0;
	s0 =	simm.s32 @!p1 $0x0  }
0x14: {  	s2 =	sld [smem:$0x3F96];
	s0 =	simm.s32 @p1 $0x1  }
0x15: {  	[smem:$0x3FB3] =	sst s0;
	s0 =	simm.s32 @!p2 $0x0  }
0x16: {  	s3 =	sld [smem:$0x3FDB];
	s0 =	simm.s32 @p2 $0x1  }
0x17: {  	s4 =	simm.s32 $0x1BF5;
	[smem:$0x3FB5] =	sst s0  }
0x18: {  	s0 =	sld [smem:$0x3F98];
	_ =	swait.ge [sflag:s4], $0x0  }
0x19: {  	s7 =	sld [smem:$0x3F99]  }
0x1a: {  	s8 =	sadd.s32 $0xFFFFE003, lr  }
0x1b: {  	s9 =	sadd.s32 $0xFFFFFEF7, lr;
	s5 =	simm.s32 $0xFFFFFFFF;
	p2 =	slt.u32 s8, $0xFFFFF086  }
0x1c: {  	p1 =	slt.u32 s9, $0xF7A;
	s5 =	simm.s32 @!p2 $0x0  }
0x1d: {  	s5 =	simm.s32 @p1 $0x1;
	p0 =	seq.s32 s7, s2  }
0x1e: {  	s7 =	smul.u32 @!p0 $0xF7A, s2;
	p2 =	seq.s32 @!p0 s5, $0x0  }
0x1f: {  	s9 =	smul.u32 $0xF7A, s1;
	s8 =	simm.s32 @!p0 $0x1BF5;
	p2 =	por !p2, p0  }
0x20: {  	[sflag:s8] =	ssyncset.s32 @!p0 $0xFFFFF086;
	s6 =	sadd.s32 @!p0 s3, s7;
	s7 =	simm.s32 @!p0 $0x108  }
0x21: {  	s3 =	sadd.s32 s3, s9;
	s6 =	sadd.s32 @!p0 $0x88, s6;
	s7 =	simm.s32 @p2 $0x1082  }
0x22: {  	[simem:s7], [sflag:s8] =	dma.local @!p0 [hbm:s6], $0xF7A  }
0x23: {  	s9 =	sor.u32 $0xD0000000, s2;
	s6 =	simm.s32 $0x108;
	_ =	swait.ge @!p0 [sflag:s8], $0x0  }
0x24: {  	s3 =	sadd.s32 $0x88, s3;
	s6 =	simm.s32 @!p1 $0x1082;
	[sflag:s4] =	ssyncset.s32 $0xFFFFF086  }
0x25: {  	[simem:s6], [sflag:s4] =	dma.local [hbm:s3], $0xF7A  }
0x26: {  	[smem:$0x3F99] =	sst s1;
	(tag) =	ssettag s2;
	_ =	strace s9  }
0x27: {  	s1 =	sld [smem:$0x3FA9]  }
0x28: {  	s2 =	sld [smem:$0x3FAA]  }
0x29: {  	s4 =	sld [smem:$0x3FAC]  }
0x2a: {  	p0 =	seq.s32 s5, $0x0;
	s5 =	sld [smem:$0x3FAD]  }
0x2b: {  	s6 =	sld [smem:$0x3FAE]  }
0x2c: {  	s7 =	sld [smem:$0x3FAF]  }
0x2d: {  	s3 =	simm.s32 $0x108;
	s8 =	sld [smem:$0x3FB0]  }
0x2e: {  	s3 =	simm.s32 @!p0 $0x1082;
	s9 =	sld [smem:$0x3FB1]  }
0x2f: {  	lr =	sadd.s32 s0, s3;
	s0 =	sld [smem:$0x3FA8]  }
0x30: {  	s3 =	sld [smem:$0x3FAB]  }
0x31: {  	[smem:$0x3FB4] =	sst s10  }
0x32: {  	s10 =	sld [smem:$0x3FB2];
	_ =	sdelay $0x3  }
0x33: {  	p0 =	seq.s32 s10, $0x1;
	s10 =	sld [smem:$0x3FB4];
	_ =	sdelay $0x3  }
0x34: {  	[smem:$0x3FB4] =	sst s10  }
0x35: {  	s10 =	sld [smem:$0x3FB3];
	_ =	sdelay $0x3  }
0x36: {  	p1 =	seq.s32 s10, $0x1;
	s10 =	sld [smem:$0x3FB4];
	_ =	sdelay $0x3  }
0x37: {  	[smem:$0x3FB4] =	sst s10  }
0x38: {  	s10 =	sld [smem:$0x3FB5]  }
0x39: {  	_ = 	snop;
	(pc) =	sbr.ind lr, $3  }
0x3a: {  	_ = 	snop  }
0x3b: {  	_ = 	snop  }
0x3c: {  	p2 =	seq.s32 s10, $0x1;
	s10 =	sld [smem:$0x3FB4]  }
0x3d: {  	_ =	shalt  }
0x3e: {  	_ =	shalt  }
0x3f: {  	_ =	shalt  }
0x40: {  	_ =	shalt  }
0x41: {  	_ =	shalt  }
0x42: {  	_ =	shalt  }
0x43: {  	_ =	shalt  }
0x44: {  	_ =	shalt  }
0x45: {  	_ =	shalt  }
0x46: {  	_ =	shalt  }
0x47: {  	_ =	shalt  }
0x48: {  	_ =	shalt  }
0x49: {  	_ =	shalt  }
0x4a: {  	_ =	shalt  }
0x4b: {  	_ =	shalt  }
0x4c: {  	_ =	shalt  }
0x4d: {  	_ =	shalt  }
0x4e: {  	_ =	shalt  }
0x4f: {  	_ =	shalt  }
0x50: {  	_ =	shalt  }
0x51: {  	_ =	shalt  }
0x52: {  	_ =	shalt  }
0x53: {  	_ =	shalt  }
0x54: {  	_ =	shalt  }
0x55: {  	_ =	shalt  }
0x56: {  	_ =	shalt  }
0x57: {  	_ =	shalt  }
0x58: {  	_ =	shalt  }
0x59: {  	_ =	shalt  }
0x5a: {  	_ =	shalt  }
0x5b: {  	_ =	shalt  }
0x5c: {  	_ =	shalt  }
0x5d: {  	_ =	shalt  }
0x5e: {  	_ =	shalt  }
0x5f: {  	_ =	shalt  }
0x60: {  	_ =	shalt  }
0x61: {  	_ =	shalt  }
0x62: {  	_ =	shalt  }
0x63: {  	_ =	shalt  }
0x64: {  	_ =	shalt  }
0x65: {  	_ =	shalt  }
0x66: {  	_ =	shalt  }
0x67: {  	_ =	shalt  }
0x68: {  	_ =	shalt  }
0x69: {  	_ =	shalt  }
0x6a: {  	_ =	shalt  }
0x6b: {  	_ =	shalt  }
0x6c: {  	_ =	shalt  }
0x6d: {  	_ =	shalt  }
0x6e: {  	_ =	shalt  }
0x6f: {  	_ =	shalt  }
0x70: {  	_ =	shalt  }
0x71: {  	_ =	shalt  }
0x72: {  	_ =	shalt  }
0x73: {  	_ =	shalt  }
0x74: {  	_ =	shalt  }
0x75: {  	_ =	shalt  }
0x76: {  	_ =	shalt  }
0x77: {  	_ =	shalt  }
0x78: {  	_ =	shalt  }
0x79: {  	_ =	shalt  }
0x7a: {  	_ =	shalt  }
0x7b: {  	_ =	shalt  }
0x7c: {  	_ =	shalt  }
0x7d: {  	_ =	shalt  }
0x7e: {  	_ =	shalt  }
0x7f: {  	_ =	shalt  }
0x80: {  	_ =	shalt  }
0x81: {  	_ =	shalt  }
0x82: {  	_ =	shalt  }
0x83: {  	_ =	shalt  }
0x84: {  	_ =	shalt  }
0x85: {  	_ =	shalt  }
0x86: {  	_ =	shalt  }
0x87: {  	_ =	shalt  }
.Lfunc_end0:
.L_simem_size_0:
called_computation_lowered:
.L_overlay_start_0:
0x88: {  	s2 =	sld [smem:$0x3FD9]  }
0x89: {  	s3 =	sld [smem:$0x3FFE];
	_ =	sdelay $0x1  }
0x8a: {  	s1 =	srdreg.scid  }
0x8b: {  	s0 =	sand.u32 $0x1, s1  }
0x8c: {  	s17 =	sshll.u32 s0, $0xA;
	s2 =	sadd.s32 s3, s2  }
0x8d: {  	s2 =	sadd.s32 s2, s17  }
0x8e: {  	[smem:$0x3FC0] =	sst s2  }
0x8f: {  	_ = 	snop  }
0x90: {  	s2 =	sld [smem:$0x3FC8]  }
0x91: {  	s18 =	sld [smem:$0x3FD0];
	(tm) =	ssettm $0x1  }
0x92: {  	s4 =	sld [smem:$0x3FFB];
	_ =	sdelay $0x3  }
0x93: {  	_ =	strace s4  }
0x94: {  	s4 =	sld [smem:$0x3FFC];
	_ =	sdelay $0x3  }
0x95: {  	_ =	strace s4  }
0x96: {  	s4 =	sld [smem:$0x3FFD];
	_ =	sdelay $0x3  }
0x97: {  	_ =	strace s4  }
0x98: {  	_ =	strace $0x8FFFFFFF  }
0x99: {  	s19 =	sld [smem:$0x3FDB];
	_ =	sdelay $0x1  }
0x9a: {  	s5 =	simm.s32 $_scs_section_size  }
0x9b: {  	s6 =	simm.s32 $_size__tile_overlayer_lowered;
	s7 =	simm.s32 $_tile_overlayer_lowered  }
0x9c: {  	s22 =	simm.s32 $0x1BFF;
	s21 =	sshll.u32 s7, $0x1;
	s4 =	sadd.s32 s5, s19  }
0x9d: {  	s8 =	simm.s32 $0x0;
	s20 =	sshll.u32 s6, $0x1;
	s6 =	sadd.s32 s21, s4  }
0x9e: {  	[timem:s8], [sflag:s22] =	dma.local [hbm:s6], s20  }
0x9f: {  	_ =	swait.ge [sflag:s22], s20  }
0xa0: {  	s5 =	ssub.s32 $0x0, s20;
	[sflag:s22] =	ssyncset.done $0x0  }
0xa1: {  	[sflag:s22] =	ssyncadd.s32 s5;
	_ =	sdelay $0x1  }
0xa2: {  	s23 =	simm.s32 $0x1B8B  }
0xa3: {  	_ =	swait.ge [sflag:s23], $0x1  }
0xa4: {  	[sflag:s23] =	ssyncset.done $0x0  }
0xa5: {  	s25 =	simm.s32 $0x1B8E;
	s24 =	sld [smem:$0x3FFE];
	[sflag:s23] =	ssyncadd.s32 $0xFFFFFFFF  }
0xa6: {  	s26 =	simm.s32 $execute0_lowered;
	[smem:$0x3FD2] =	sst s25  }
0xa7: {  	s6 =	sshll.u32 s26, $0x1;
	_ =	strace $0x80000046;
	[dreg:$0x1] =	wrdreg $0xFFFFFFFF  }
0xa8: {  	s28 =	simm.s32 $_size_execute0_lowered;
	s4 =	sadd.s32 s4, s6;
	[dreg:$0x0] =	wrdreg $0x0  }
0xa9: {  	s6 =	sshll.u32 s28, $0x1;
	[dreg:$0x2] =	wrdreg s4  }
0xaa: {  	[dreg:$0x3] =	wrdreg s6  }
0xab: {  	[dreg:$0x4] =	wrdreg $0xC0  }
0xac: {  	_ =	task [dreg:s8], $0x5FFFF  }
0xad: {  	[dreg:$0x1] =	wrdreg $0xFFFFFFFF  }
0xae: {  	[dreg:$0x0] =	wrdreg $0x60  }
0xaf: {  	[dreg:$0x2] =	wrdreg s24  }
0xb0: {  	[dreg:$0x3] =	wrdreg s2  }
0xb1: {  	[dreg:$0x4] =	wrdreg s18  }
0xb2: {  	[dreg:$0x5] =	wrdreg $0x132800  }
0xb3: {  	[dreg:$0x6] =	wrdreg $0x9  }
0xb4: {  	_ =	task.clear_ibuf [dreg:s8], $0x7FFFF;
	_ =	strace $0x90000046  }
0xb5: {  	s29 =	simm.s32 $0x9;
	_ =	strace $0x80000048  }
0xb6: {  	_ =	swait.ge [sflag:s29], $0x1  }
0xb7: {  	[sflag:s29] =	ssyncadd.s32 $0xFFFFFFFF  }
0xb8: {  	_ =	strace $0x90000048  }
0xb9: {  	_ =	sfence  }
0xba: {  	s30 =	sld [smem:$0x0];
	_ =	sdelay $0x2  }
0xbb: {  	s31 =	sshll.u32 s1, $0xD;
	s1 =	sshrl.u32 s1, $0x2  }
0xbc: {  	s3 =	sand.u32 $0x4000, s31;
	s1 =	sadd.s32 s1, s30  }
0xbd: {  	s0 =	sor.u32 s3, s0;
	s1 =	sshll.u32 s1, $0x11  }
0xbe: {  	s0 =	sor.u32 s1, s0  }
0xbf: {  	s0 =	sadd.s32 $0x8F2B, s0  }
0xc0: {  	[sflag:s0] =	ssyncadd.remote.s32 $0x1  }
0xc1: {  	_ =	sfence.sel $0xFFFF  }
0xc2: {  	[dreg:$0x0] =	wrdreg $0xFFFFFFFF;
	(pc) =	sbr.abs _section_cstart, $3  }
0xc3: {  	[dreg:$0x1] =	wrdreg $0xFFFFFFFF  }
0xc4: {  	_ =	task.clear_ibuf [dreg:s8], $0x2FFFF;
	_ =	strace $0x9FFFFFFF  }
0xc5: {  	(tm) =	ssettm $0x7FFFFFFF  }
tec
execute0_lowered:
.L_overlay_start_1:
0x0: {  	(tag) =	ssettag $0x1  }
0x1: {  	s5 =	rddreg [dreg:$0x0]  }
0x2: {  	s1 =	rddreg [dreg:$0x1]  }
0x3: {  	s8 =	rddreg [dreg:$0x2]  }
0x4: {  	s2 =	rddreg [dreg:$0x3]  }
0x5: {  	s20 =	rddreg [dreg:$0x4];
	s3 =	simm.s32 $0x0;
	s21 =	stileid.u32  }
0x6: {  	s0 =	srdreg.scid;
	p2 =	por $0x0, $0x0;
	[smem:$0x7FF] =	sst s3  }
0x7: {  	s4 =	sadd.s32 $0x1E00, s5;
	s7 =	sshll.u32 s21, $0xA;
	s9 =	sshll.u32 s21, $0xD  }
0x8: {  	s6 =	sand.u32 $0x1, s0;
	s10 =	sshll.u32 s21, $0x1;
	_ =	strace $0x80000047  }
0x9: {  	s9 =	sadd.s32 s9, s2;
	s0 =	sor.u32 s6, s10;
	s8 =	sadd.s32 s8, s7  }
0xa: {  	s7 =	sadd.s32 s7, s5;
	s5 =	sadd.s32 $0xAD600, s5;
	[dreg:$0x5] =	wrdreg s9  }
0xb: {  	[dreg:$0x6] =	wrdreg s8;
	s11 =	sshll.u32 s0, $0x4;
	s8 =	sshll.u32 s0, $0x7  }
0xc: {  	s10 =	sshll.u32 s0, $0xB;
	[dreg:$0x1c] =	wrdreg s5;
	p0 =	sgt.u32 s0, $0x16  }
0xd: {  	s5 =	simm.s32 $0x9;
	s9 =	sadd.s32 s1, s11;
	s11 =	sor.u32 $0x1000, s8  }
0xe: {  	s12 =	sadd.s32 s4, s10;
	s17 =	sor.u32 $0x2000, s8;
	s19 =	sor.u32 $0x3000, s8  }
0xf: {  	s28 =	sor.u32 $0x4000, s8;
	s31 =	sor.u32 $0x5000, s8;
	s29 =	rddreg [dreg:$0x5]  }
0x10: {  	p1 =	sne.s32 @p0 s0, $0x1F;
	[dreg:$0x7] =	wrdreg s9;
	s13 =	sshrl.u32 s11, $0x3  }
0x11: {  	[dreg:$0x8] =	wrdreg s12;
	s15 =	sshll.u32 s11, $0x4;
	s18 =	sshrl.u32 s17, $0x3  }
0x12: {  	s10 =	sshll.u32 s17, $0x4;
	s23 =	sshrl.u32 s19, $0x3;
	s25 =	sshll.u32 s19, $0x4  }
0x13: {  	s30 =	sshrl.u32 s28, $0x3;
	s17 =	sor.u32 $0x6000, s8;
	s19 =	sor.u32 $0x7000, s8  }
0x14: {  	p1 =	por p1, !p0;
	s14 =	sadd.s32 s1, s13;
	s16 =	sadd.s32 s4, s15  }
0x15: {  	s9 =	sadd.s32 s1, s18;
	s22 =	sadd.s32 s4, s10;
	s24 =	sadd.s32 s1, s23  }
0x16: {  	s26 =	sadd.s32 s4, s25;
	s10 =	sshll.u32 s28, $0x4;
	[dreg:$0x9] =	wrdreg s14  }
0x17: {  	s13 =	sshrl.u32 s31, $0x3;
	s15 =	sshll.u32 s31, $0x4;
	[dreg:$0xa] =	wrdreg s16  }
0x18: {  	s18 =	sshrl.u32 s17, $0x3;
	s23 =	sshrl.u32 s19, $0x3;
	[dreg:$0xb] =	wrdreg s9  }
0x19: {  	s25 =	sshll.u32 s19, $0x4;
	s28 =	sor.u32 $0x8000, s8;
	[dreg:$0xc] =	wrdreg s22  }
0x1a: {  	s31 =	sor.u32 $0x9000, s8;
	s8 =	sor.u32 $0xA000, s8;
	[dreg:$0xd] =	wrdreg s24  }
0x1b: {  	[dreg:$0xe] =	wrdreg s26;
	s9 =	sadd.s32 s1, s30;
	s12 =	sadd.s32 s4, s10  }
0x1c: {  	s14 =	sadd.s32 s1, s13;
	s16 =	sadd.s32 s4, s15;
	s10 =	sshll.u32 s17, $0x4  }
0x1d: {  	s24 =	sadd.s32 s1, s23;
	s26 =	sadd.s32 s4, s25;
	[dreg:$0xf] =	wrdreg s9  }
0x1e: {  	s30 =	sshrl.u32 s28, $0x3;
	s13 =	sshrl.u32 s31, $0x3;
	[dreg:$0x10] =	wrdreg s12  }
0x1f: {  	s15 =	sshll.u32 s31, $0x4;
	s17 =	ssub.s32 $0x2, s6;
	[dreg:$0x11] =	wrdreg s14  }
0x20: {  	s23 =	sshll.u32 s8, $0x4;
	s6 =	sshll.u32 s6, $0xE;
	[dreg:$0x12] =	wrdreg s16  }
0x21: {  	s9 =	sadd.s32 s1, s18;
	s22 =	sadd.s32 s4, s10;
	[dreg:$0x15] =	wrdreg s24  }
0x22: {  	[dreg:$0x16] =	wrdreg s26;
	s10 =	sshll.u32 s28, $0x4;
	s14 =	sadd.s32 s1, s13  }
0x23: {  	s16 =	sadd.s32 s4, s15;
	s18 =	sadd.s32 $0x1570, s1;
	s19 =	sshrl.u32 s17, $0x1  }
0x24: {  	s24 =	sadd.s32 s4, s23;
	s25 =	sadd.s32 s6, s7;
	s26 =	sshll.u32 s21, $0x6  }
0x25: {  	s6 =	simm.s32 $0x200;
	s7 =	simm.s32 $0x80;
	[dreg:$0x13] =	wrdreg s9  }
0x26: {  	s15 =	simm.s32 $0xC200;
	s13 =	simm.s32 $0x6;
	[dreg:$0x14] =	wrdreg s22  }
0x27: {  	s23 =	simm.s32 $0x8;
	s9 =	sadd.s32 s1, s30;
	[dreg:$0x19] =	wrdreg s14  }
0x28: {  	s12 =	sadd.s32 s4, s10;
	[dreg:$0x1a] =	wrdreg s16;
	s30 =	ssub.s32 s17, s19  }
0x29: {  	[dreg:$0x1b] =	wrdreg s18;
	s22 =	sshrl.u32 s8, $0x3;
	s31 =	smax.u32 s30, $0x1  }
0x2a: {  	[dreg:$0x1e] =	wrdreg s24;
	s28 =	sadd.s32 $0xADC00, s25;
	s25 =	sadd.s32 $0xFFFFFFFF, s31  }
0x2b: {  	s11 =	sor.u32 $0x1C09, s26;
	s8 =	simm.s32 $0x1;
	p3 =	sne.s32 s25, $0x0  }
.Ltmp0:
0x2c: {  	s16 =	simm.s32 $0x100;
	s19 =	simm.s32 $0x2;
	(pc) =	sbr.rel @!p3 .LBB2_5-.Ltmp0, $4  }
0x2d: {  	s18 =	simm.s32 $0x3;
	s17 =	simm.s32 $0x5;
	[dreg:$0x17] =	wrdreg s9  }
0x2e: {  	s14 =	simm.s32 $0x4;
	s10 =	simm.s32 $0x7;
	[dreg:$0x18] =	wrdreg s12  }
0x2f: {  	s1 =	sadd.s32 s1, s22;
	[dreg:$0x1f] =	wrdreg s28;
	s9 =	simm.s32 $0x4200  }
0x30: {  	s22 =	simm.s32 $0x8200;
	s12 =	simm.s32 $0x180;
	[dreg:$0x1d] =	wrdreg s1  }
0x31: {  	s0 =	rddreg [dreg:$0x6];
	s29 =	sshrl.u32 s29, $0x3  }
0x32: {  	[spmem:s29], [sflag:s11] =	dma.local [hbm:s0], $0x400  }
0x33: {  	_ =	swait.ge [sflag:s5], $0x400  }
0x34: {  	[sflag:s5] =	ssyncset.done $0x0  }
0x35: {  	s20 =	rddreg [dreg:$0x7];
	[sflag:s5] =	ssyncadd.s32 $0xFFFFFC00  }
0x36: {  	[tilespmem:s3], [sflag:$0x1] =	stream.linear.gather [hbm4b:s20+s3], $0x80, $0x38;
	[tilespmem:$0x15280] =	vst v63  }
0x37: {  	s1 =	rddreg [dreg:$0x8]  }
0x38: {  	[tilespmem:s6], [sflag:$0x1] =	stream.linear.gather [hbm4b:s1+s3], $0x4000, $0x38;
	[tilespmem:$0x15280] =	vst v63  }
0x39: {  	[bflag:$0x0] =	sbarrier.arrive $0xFFFF  }
0x3a: {  	s21 =	rddreg [dreg:$0x9]  }
0x3b: {  	[tilespmem:s7], [sflag:$0x2] =	stream.linear.gather [hbm4b:s21+s3], $0x80, $0x38;
	[tilespmem:$0x15280] =	vst v63  }
0x3c: {  	s24 =	rddreg [dreg:$0xa]  }
0x3d: {  	[tilespmem:s9], [sflag:$0x2] =	stream.linear.gather [hbm4b:s24+s3], $0x4000, $0x38;
	[tilespmem:$0x15280] =	vst v63  }
0x3e: {  	_ =	swait.ge [sflag:s8], $0x80  }
0x3f: {  	[sflag:s8] =	ssyncset.done $0x0  }
0x40: {  	[sflag:s8] =	ssyncadd.s32 $0xFFFFFF80  }
0x41: {  	_ =	swait.ge [sflag:s8], $0x4000  }
0x42: {  	[sflag:s8] =	ssyncset.done $0x0  }
0x43: {  	[sflag:s8] =	ssyncadd.s32 $0xFFFFC000  }
0x44: {  	[spmem:s2] =	stream.indirect.scatter.add.f32 [tilespmem:s6], [sflag:$0x5], $0x80, s3, s7, $0xb8;
	[tilespmem:$0x15280] =	vst v63  }
0x45: {  	s26 =	rddreg [dreg:$0xb]  }
0x46: {  	[tilespmem:s16], [sflag:$0x3] =	stream.linear.gather [hbm4b:s26+s3], $0x80, $0x38;
	[tilespmem:$0x15280] =	vst v63  }
0x47: {  	s31 =	rddreg [dreg:$0xc]  }
0x48: {  	[tilespmem:s22], [sflag:$0x3] =	stream.linear.gather [hbm4b:s31+s3], $0x4000, $0x38;
	[tilespmem:$0x15280] =	vst v63  }
0x49: {  	_ =	swait.ge [sflag:s19], $0x80  }
0x4a: {  	[sflag:s19] =	ssyncset.done $0x0  }
0x4b: {  	[sflag:s19] =	ssyncadd.s32 $0xFFFFFF80  }
0x4c: {  	_ =	swait.ge [sflag:s19], $0x4000  }
0x4d: {  	[sflag:s19] =	ssyncset.done $0x0  }
0x4e: {  	[sflag:s19] =	ssyncadd.s32 $0xFFFFC000  }
0x4f: {  	[spmem:s2] =	stream.indirect.scatter.add.f32 [tilespmem:s9], [sflag:$0x6], $0x80, s7, s7, $0xb8;
	[tilespmem:$0x15280] =	vst v63  }
0x50: {  	s4 =	rddreg [dreg:$0xd]  }
0x51: {  	[tilespmem:s12], [sflag:$0x4] =	stream.linear.gather [hbm4b:s4+s3], $0x80, $0x38;
	[tilespmem:$0x15280] =	vst v63  }
0x52: {  	s20 =	rddreg [dreg:$0xe]  }
0x53: {  	[tilespmem:s15], [sflag:$0x4] =	stream.linear.gather [hbm4b:s20+s3], $0x4000, $0x38;
	[tilespmem:$0x15280] =	vst v63  }
0x54: {  	_ =	swait.ge [sflag:s18], $0x80  }
0x55: {  	[sflag:s18] =	ssyncset.done $0x0  }
0x56: {  	[sflag:s18] =	ssyncadd.s32 $0xFFFFFF80  }
0x57: {  	_ =	swait.ge [sflag:s18], $0x4000  }
0x58: {  	[sflag:s18] =	ssyncset.done $0x0  }
0x59: {  	[sflag:s18] =	ssyncadd.s32 $0xFFFFC000  }
0x5a: {  	[spmem:s2] =	stream.indirect.scatter.add.f32 [tilespmem:s22], [sflag:$0x7], $0x80, s16, s7, $0xb8;
	[tilespmem:$0x15280] =	vst v63  }
0x5b: {  	_ =	swait.ge [sflag:s17], $0x4000  }
0x5c: {  	[sflag:s17] =	ssyncset.done $0x0  }
0x5d: {  	s21 =	rddreg [dreg:$0xf];
	[sflag:s17] =	ssyncadd.s32 $0xFFFFC000  }
0x5e: {  	[tilespmem:s3], [sflag:$0x1] =	stream.linear.gather [hbm4b:s21+s3], $0x80, $0x38;
	[tilespmem:$0x15280] =	vst v63  }
0x5f: {  	s24 =	rddreg [dreg:$0x10]  }
0x60: {  	[tilespmem:s6], [sflag:$0x1] =	stream.linear.gather [hbm4b:s24+s3], $0x4000, $0x38;
	[tilespmem:$0x15280] =	vst v63  }
0x61: {  	_ =	swait.ge [sflag:s14], $0x80  }
0x62: {  	[sflag:s14] =	ssyncset.done $0x0  }
0x63: {  	[sflag:s14] =	ssyncadd.s32 $0xFFFFFF80  }
0x64: {  	_ =	swait.ge [sflag:s14], $0x4000  }
0x65: {  	[sflag:s14] =	ssyncset.done $0x0  }
0x66: {  	[sflag:s14] =	ssyncadd.s32 $0xFFFFC000  }
0x67: {  	[spmem:s2] =	stream.indirect.scatter.add.f32 [tilespmem:s15], [sflag:$0x8], $0x80, s12, s7, $0xb8;
	[tilespmem:$0x15280] =	vst v63  }
0x68: {  	_ =	swait.ge [sflag:s13], $0x4000  }
0x69: {  	[sflag:s13] =	ssyncset.done $0x0  }
0x6a: {  	s26 =	rddreg [dreg:$0x11];
	[sflag:s13] =	ssyncadd.s32 $0xFFFFC000  }
0x6b: {  	[tilespmem:s7], [sflag:$0x2] =	stream.linear.gather [hbm4b:s26+s3], $0x80, $0x38;
	[tilespmem:$0x15280] =	vst v63  }
0x6c: {  	s31 =	rddreg [dreg:$0x12]  }
0x6d: {  	[tilespmem:s9], [sflag:$0x2] =	stream.linear.gather [hbm4b:s31+s3], $0x4000, $0x38;
	[tilespmem:$0x15280] =	vst v63  }
0x6e: {  	_ =	swait.ge [sflag:s8], $0x80  }
0x6f: {  	[sflag:s8] =	ssyncset.done $0x0  }
0x70: {  	[sflag:s8] =	ssyncadd.s32 $0xFFFFFF80  }
0x71: {  	_ =	swait.ge [sflag:s8], $0x4000  }
0x72: {  	[sflag:s8] =	ssyncset.done $0x0  }
0x73: {  	[sflag:s8] =	ssyncadd.s32 $0xFFFFC000  }
0x74: {  	[spmem:s2] =	stream.indirect.scatter.add.f32 [tilespmem:s6], [sflag:$0x5], $0x80, s3, s7, $0xb8;
	[tilespmem:$0x15280] =	vst v63  }
0x75: {  	_ =	swait.ge [sflag:s10], $0x4000  }
0x76: {  	[sflag:s10] =	ssyncset.done $0x0  }
0x77: {  	s1 =	rddreg [dreg:$0x13];
	[sflag:s10] =	ssyncadd.s32 $0xFFFFC000  }
0x78: {  	[tilespmem:s16], [sflag:$0x3] =	stream.linear.gather [hbm4b:s1+s3], $0x80, $0x38;
	[tilespmem:$0x15280] =	vst v63  }
0x79: {  	s4 =	rddreg [dreg:$0x14]  }
0x7a: {  	[tilespmem:s22], [sflag:$0x3] =	stream.linear.gather [hbm4b:s4+s3], $0x4000, $0x38;
	[tilespmem:$0x15280] =	vst v63  }
0x7b: {  	_ =	swait.ge [sflag:s19], $0x80  }
0x7c: {  	[sflag:s19] =	ssyncset.done $0x0  }
0x7d: {  	[sflag:s19] =	ssyncadd.s32 $0xFFFFFF80  }
0x7e: {  	_ =	swait.ge [sflag:s19], $0x4000  }
0x7f: {  	[sflag:s19] =	ssyncset.done $0x0  }
0x80: {  	[sflag:s19] =	ssyncadd.s32 $0xFFFFC000  }
0x81: {  	[spmem:s2] =	stream.indirect.scatter.add.f32 [tilespmem:s9], [sflag:$0x6], $0x80, s7, s7, $0xb8;
	[tilespmem:$0x15280] =	vst v63  }
0x82: {  	_ =	swait.ge [sflag:s23], $0x4000  }
0x83: {  	[sflag:s23] =	ssyncset.done $0x0  }
0x84: {  	s20 =	rddreg [dreg:$0x15];
	[sflag:s23] =	ssyncadd.s32 $0xFFFFC000  }
0x85: {  	[tilespmem:s12], [sflag:$0x4] =	stream.linear.gather [hbm4b:s20+s3], $0x80, $0x38;
	[tilespmem:$0x15280] =	vst v63  }
0x86: {  	s21 =	rddreg [dreg:$0x16]  }
0x87: {  	[tilespmem:s15], [sflag:$0x4] =	stream.linear.gather [hbm4b:s21+s3], $0x4000, $0x38;
	[tilespmem:$0x15280] =	vst v63  }
0x88: {  	_ =	swait.ge [sflag:s18], $0x80  }
0x89: {  	[sflag:s18] =	ssyncset.done $0x0  }
0x8a: {  	[sflag:s18] =	ssyncadd.s32 $0xFFFFFF80  }
0x8b: {  	_ =	swait.ge [sflag:s18], $0x4000  }
0x8c: {  	[sflag:s18] =	ssyncset.done $0x0  }
0x8d: {  	[sflag:s18] =	ssyncadd.s32 $0xFFFFC000  }
0x8e: {  	[spmem:s2] =	stream.indirect.scatter.add.f32 [tilespmem:s22], [sflag:$0x7], $0x80, s16, s7, $0xb8;
	[tilespmem:$0x15280] =	vst v63  }
0x8f: {  	_ =	swait.ge [sflag:s17], $0x4000  }
0x90: {  	[sflag:s17] =	ssyncset.done $0x0  }
0x91: {  	s23 =	rddreg [dreg:$0x17];
	[sflag:s17] =	ssyncadd.s32 $0xFFFFC000  }
0x92: {  	[tilespmem:s3], [sflag:$0x1] =	stream.linear.gather [hbm4b:s23+s3], $0x80, $0x38;
	[tilespmem:$0x15280] =	vst v63  }
0x93: {  	s24 =	rddreg [dreg:$0x18]  }
0x94: {  	[tilespmem:s6], [sflag:$0x1] =	stream.linear.gather [hbm4b:s24+s3], $0x4000, $0x38;
	[tilespmem:$0x15280] =	vst v63  }
0x95: {  	_ =	swait.ge [sflag:s14], $0x80  }
0x96: {  	[sflag:s14] =	ssyncset.done $0x0  }
0x97: {  	[sflag:s14] =	ssyncadd.s32 $0xFFFFFF80  }
0x98: {  	_ =	swait.ge [sflag:s14], $0x4000  }
0x99: {  	[sflag:s14] =	ssyncset.done $0x0  }
0x9a: {  	[sflag:s14] =	ssyncadd.s32 $0xFFFFC000  }
0x9b: {  	[spmem:s2] =	stream.indirect.scatter.add.f32 [tilespmem:s15], [sflag:$0x8], $0x80, s12, s7, $0xb8;
	[tilespmem:$0x15280] =	vst v63  }
0x9c: {  	_ =	swait.ge [sflag:s13], $0x4000  }
0x9d: {  	[sflag:s13] =	ssyncset.done $0x0  }
0x9e: {  	s26 =	rddreg [dreg:$0x19];
	[sflag:s13] =	ssyncadd.s32 $0xFFFFC000  }
0x9f: {  	[tilespmem:s7], [sflag:$0x2] =	stream.linear.gather [hbm4b:s26+s3], $0x80, $0x38;
	[tilespmem:$0x15280] =	vst v63  }
0xa0: {  	s31 =	rddreg [dreg:$0x1a]  }
0xa1: {  	[tilespmem:s9], [sflag:$0x2] =	stream.linear.gather [hbm4b:s31+s3], $0x4000, $0x38;
	[tilespmem:$0x15280] =	vst v63  }
0xa2: {  	_ =	swait.ge [sflag:s8], $0x80  }
0xa3: {  	[sflag:s8] =	ssyncset.done $0x0  }
0xa4: {  	[sflag:s8] =	ssyncadd.s32 $0xFFFFFF80  }
0xa5: {  	_ =	swait.ge [sflag:s8], $0x4000  }
0xa6: {  	[sflag:s8] =	ssyncset.done $0x0  }
0xa7: {  	[sflag:s8] =	ssyncadd.s32 $0xFFFFC000  }
0xa8: {  	[spmem:s2] =	stream.indirect.scatter.add.f32 [tilespmem:s6], [sflag:$0x5], $0x80, s3, s7, $0xb8;
	[tilespmem:$0x15280] =	vst v63  }
0xa9: {  	_ =	swait.ge [sflag:s10], $0x4000  }
0xaa: {  	[sflag:s10] =	ssyncset.done $0x0  }
0xab: {  	s21 =	simm.s32 @p0 $0x2;
	[sflag:s10] =	ssyncadd.s32 $0xFFFFC000  }
0xac: {  	_ =	swait.ge @p0 [sflag:s21], $0x80  }
0xad: {  	[sflag:s21] =	ssyncset.done @p0 $0x0  }
0xae: {  	[sflag:s21] =	ssyncadd.s32 @p0 $0xFFFFFF80  }
0xaf: {  	_ =	swait.ge @p0 [sflag:s21], $0x4000  }
0xb0: {  	s0 =	simm.s32 @p0 $0x8;
	[sflag:s21] =	ssyncset.done @p0 $0x0  }
0xb1: {  	s1 =	simm.s32 @p0 $0x80;
	s4 =	simm.s32 @p0 $0x4200;
	[sflag:s21] =	ssyncadd.s32 @p0 $0xFFFFC000  }
0xb2: {  	[spmem:s2] =	stream.indirect.scatter.add.f32 @p0 [tilespmem:s4], [sflag:$0x6], $0x80, s1, s1, $0xb8;
	[tilespmem:$0x15280] =	vst v63  }
0xb3: {  	_ =	swait.ge @p0 [sflag:s0], $0x4000  }
0xb4: {  	[sflag:s0] =	ssyncset.done @p0 $0x0  }
0xb5: {  	[sflag:s0] =	ssyncadd.s32 @p0 $0xFFFFC000;
	s0 =	simm.s32 @p0 $0x5  }
0xb6: {  	_ =	swait.ge @p0 [sflag:s0], $0x4000  }
0xb7: {  	[sflag:s0] =	ssyncset.done @p0 $0x0  }
0xb8: {  	s1 =	simm.s32 @p0 $0x6;
	[sflag:s0] =	ssyncadd.s32 @p0 $0xFFFFC000  }
0xb9: {  	_ =	swait.ge @p0 [sflag:s1], $0x4000  }
0xba: {  	s28 =	simm.s32 @!p1 $0x9;
	s4 =	simm.s32 @!p1 $0x10200;
	[sflag:s1] =	ssyncset.done @p0 $0x0  }
0xbb: {  	s0 =	rddreg [dreg:$0x1b];
	[sflag:s1] =	ssyncadd.s32 @p0 $0xFFFFC000;
	s1 =	simm.s32 @!p1 $0x0  }
0xbc: {  	[tilespmem:s4], [sflag:$0x9] =	stream.linear.gather @!p1 [hbm4b:s0+s1], $0x60, $0x38;
	[tilespmem:$0x15280] =	vst v63  }
0xbd: {  	_ =	swait.ge @!p1 [sflag:s28], $0x60  }
0xbe: {  	[sflag:s28] =	ssyncset.done @!p1 $0x0  }
0xbf: {  	s12 =	simm.s32 @!p1 $0x10280;
	s0 =	rddreg [dreg:$0x1c];
	[sflag:s28] =	ssyncadd.s32 @!p1 $0xFFFFFFA0  }
0xc0: {  	[tilespmem:s12], [sflag:$0x9] =	stream.linear.gather @!p1 [hbm4b:s0+s1], $0x3000, $0x38;
	[tilespmem:$0x15280] =	vst v63  }
0xc1: {  	_ =	swait.ge @!p1 [sflag:s28], $0x3000  }
0xc2: {  	[sflag:s28] =	ssyncset.done @!p1 $0x0  }
0xc3: {  	s0 =	simm.s32 @!p1 $0x60;
	[sflag:s28] =	ssyncadd.s32 @!p1 $0xFFFFD000  }
0xc4: {  	[spmem:s2] =	stream.indirect.scatter.add.f32 @!p1 [tilespmem:s12], [sflag:$0x9], $0x80, s4, s0, $0xb8;
	[tilespmem:$0x15280] =	vst v63  }
0xc5: {  	_ =	swait.ge @!p1 [sflag:s28], $0x3000  }
0xc6: {  	s4 =	simm.s32 @!p0 $0x100;
	[sflag:s28] =	ssyncset.done @!p1 $0x0  }
0xc7: {  	s12 =	simm.s32 @!p0 $0x0;
	s0 =	rddreg [dreg:$0x1d];
	[sflag:s28] =	ssyncadd.s32 @!p1 $0xFFFFD000  }
0xc8: {  	[tilespmem:s4], [sflag:$0x3] =	stream.linear.gather @!p0 [hbm4b:s0+s12], $0x80, $0x38;
	[tilespmem:$0x15280] =	vst v63  }
0xc9: {  	s15 =	simm.s32 @!p0 $0x8200;
	s1 =	rddreg [dreg:$0x1e];
	s0 =	simm.s32 @!p0 $0x2  }
0xca: {  	[tilespmem:s15], [sflag:$0x3] =	stream.linear.gather @!p0 [hbm4b:s1+s12], $0x4000, $0x38;
	[tilespmem:$0x15280] =	vst v63  }
0xcb: {  	_ =	swait.ge @!p0 [sflag:s0], $0x80  }
0xcc: {  	[sflag:s0] =	ssyncset.done @!p0 $0x0  }
0xcd: {  	[sflag:s0] =	ssyncadd.s32 @!p0 $0xFFFFFF80  }
0xce: {  	_ =	swait.ge @!p0 [sflag:s0], $0x4000  }
0xcf: {  	s16 =	simm.s32 @!p0 $0x4200;
	[sflag:s0] =	ssyncset.done @!p0 $0x0  }
0xd0: {  	s12 =	simm.s32 @!p0 $0x8;
	s1 =	simm.s32 @!p0 $0x80;
	[sflag:s0] =	ssyncadd.s32 @!p0 $0xFFFFC000  }
0xd1: {  	[spmem:s2] =	stream.indirect.scatter.add.f32 @!p0 [tilespmem:s16], [sflag:$0x6], $0x80, s1, s1, $0xb8;
	[tilespmem:$0x15280] =	vst v63  }
0xd2: {  	_ =	swait.ge @!p0 [sflag:s12], $0x4000  }
0xd3: {  	[sflag:s12] =	ssyncset.done @!p0 $0x0  }
0xd4: {  	s30 =	simm.s32 @!p0 $0x3;
	[sflag:s12] =	ssyncadd.s32 @!p0 $0xFFFFC000  }
0xd5: {  	_ =	swait.ge @!p0 [sflag:s30], $0x80  }
0xd6: {  	[sflag:s30] =	ssyncset.done @!p0 $0x0  }
0xd7: {  	[sflag:s30] =	ssyncadd.s32 @!p0 $0xFFFFFF80  }
0xd8: {  	_ =	swait.ge @!p0 [sflag:s30], $0x4000  }
0xd9: {  	[sflag:s30] =	ssyncset.done @!p0 $0x0  }
0xda: {  	s12 =	simm.s32 @!p0 $0x5;
	[sflag:s30] =	ssyncadd.s32 @!p0 $0xFFFFC000  }
0xdb: {  	[spmem:s2] =	stream.indirect.scatter.add.f32 @!p0 [tilespmem:s15], [sflag:$0x7], $0x80, s4, s1, $0xb8;
	[tilespmem:$0x15280] =	vst v63  }
0xdc: {  	_ =	swait.ge @!p0 [sflag:s12], $0x4000  }
0xdd: {  	[sflag:s12] =	ssyncset.done @!p0 $0x0  }
0xde: {  	s1 =	simm.s32 @!p0 $0x6;
	[sflag:s12] =	ssyncadd.s32 @!p0 $0xFFFFC000  }
0xdf: {  	_ =	swait.ge @!p0 [sflag:s1], $0x4000  }
0xe0: {  	[sflag:s1] =	ssyncset.done @!p0 $0x0  }
0xe1: {  	s23 =	simm.s32 @!p0 $0x7;
	[sflag:s1] =	ssyncadd.s32 @!p0 $0xFFFFC000  }
0xe2: {  	_ =	swait.ge @!p0 [sflag:s23], $0x4000  }
0xe3: {  	[sflag:s23] =	ssyncset.done @!p0 $0x0  }
0xe4: {  	[sflag:s23] =	ssyncadd.s32 @!p0 $0xFFFFC000  }
0xe5: {  	[bflag:$0x0] =	sbarrier.arrive $0xFFFF  }
0xe6: {  	s24 =	rddreg [dreg:$0x1f]  }
0xe7: {  	[hbm:s24], [sflag:s11] =	dma.local [spmem:s29], $0x400  }
0xe8: {  	s24 =	sadd.s32 $0xFFFFFFFF, s25  }
0xe9: {  	p3 =	sne.s32 s24, $0x0  }
.Ltmp1:
0xea: {  	_ = 	snop;
	(pc) =	sbr.rel @!p3 .LBB2_2-.Ltmp1, $4  }
0xeb: {  	_ = 	snop  }
0xec: {  	p2 =	por $0x1, $0x1;
	s22 =	simm.s32 $0x100;
	s26 =	simm.s32 $0x8  }
0xed: {  	s16 =	simm.s32 $0xC200;
	s15 =	simm.s32 $0x180;
	_ =	swait.ge [sflag:s5], $0x400  }
0xee: {  	s25 =	simm.s32 $0x8200;
	s29 =	rddreg [dreg:$0x5];
	[sflag:s5] =	ssyncset.done $0x0  }
.LBB2_3:
0xef: {  	s4 =	rddreg [dreg:$0x6];
	[sflag:s5] =	ssyncadd.s32 $0xFFFFFC00;
	s29 =	sshrl.u32 s29, $0x3  }
0xf0: {  	[spmem:s29], [sflag:s11] =	dma.local [hbm:s4], $0x400  }
0xf1: {  	_ =	swait.ge [sflag:s5], $0x400  }
0xf2: {  	[sflag:s5] =	ssyncset.done $0x0  }
0xf3: {  	s20 =	rddreg [dreg:$0x7];
	[sflag:s5] =	ssyncadd.s32 $0xFFFFFC00  }
0xf4: {  	[tilespmem:s3], [sflag:$0x1] =	stream.linear.gather [hbm4b:s20+s3], $0x80, $0x38;
	[tilespmem:$0x15280] =	vst v63  }
0xf5: {  	s31 =	rddreg [dreg:$0x8]  }
0xf6: {  	[tilespmem:s6], [sflag:$0x1] =	stream.linear.gather [hbm4b:s31+s3], $0x4000, $0x38;
	[tilespmem:$0x15280] =	vst v63  }
0xf7: {  	[bflag:$0x0] =	sbarrier.arrive $0xFFFF  }
0xf8: {  	s20 =	rddreg [dreg:$0x9]  }
0xf9: {  	[tilespmem:s7], [sflag:$0x2] =	stream.linear.gather [hbm4b:s20+s3], $0x80, $0x38;
	[tilespmem:$0x15280] =	vst v63  }
0xfa: {  	s31 =	rddreg [dreg:$0xa]  }
0xfb: {  	[tilespmem:s9], [sflag:$0x2] =	stream.linear.gather [hbm4b:s31+s3], $0x4000, $0x38;
	[tilespmem:$0x15280] =	vst v63  }
0xfc: {  	_ =	swait.ge [sflag:s8], $0x80  }
0xfd: {  	[sflag:s8] =	ssyncset.done $0x0  }
0xfe: {  	[sflag:s8] =	ssyncadd.s32 $0xFFFFFF80  }
0xff: {  	_ =	swait.ge [sflag:s8], $0x4000  }
0x100: {  	[sflag:s8] =	ssyncset.done $0x0  }
0x101: {  	[sflag:s8] =	ssyncadd.s32 $0xFFFFC000  }
0x102: {  	[spmem:s2] =	stream.indirect.scatter.add.f32 [tilespmem:s6], [sflag:$0x5], $0x80, s3, s7, $0xb8;
	[tilespmem:$0x15280] =	vst v63  }
0x103: {  	s20 =	rddreg [dreg:$0xb]  }
0x104: {  	[tilespmem:s22], [sflag:$0x3] =	stream.linear.gather [hbm4b:s20+s3], $0x80, $0x38;
	[tilespmem:$0x15280] =	vst v63  }
0x105: {  	s31 =	rddreg [dreg:$0xc]  }
0x106: {  	[tilespmem:s25], [sflag:$0x3] =	stream.linear.gather [hbm4b:s31+s3], $0x4000, $0x38;
	[tilespmem:$0x15280] =	vst v63  }
0x107: {  	_ =	swait.ge [sflag:s19], $0x80  }
0x108: {  	[sflag:s19] =	ssyncset.done $0x0  }
0x109: {  	[sflag:s19] =	ssyncadd.s32 $0xFFFFFF80  }
0x10a: {  	_ =	swait.ge [sflag:s19], $0x4000  }
0x10b: {  	[sflag:s19] =	ssyncset.done $0x0  }
0x10c: {  	[sflag:s19] =	ssyncadd.s32 $0xFFFFC000  }
0x10d: {  	[spmem:s2] =	stream.indirect.scatter.add.f32 [tilespmem:s9], [sflag:$0x6], $0x80, s7, s7, $0xb8;
	[tilespmem:$0x15280] =	vst v63  }
0x10e: {  	s20 =	rddreg [dreg:$0xd]  }
0x10f: {  	[tilespmem:s15], [sflag:$0x4] =	stream.linear.gather [hbm4b:s20+s3], $0x80, $0x38;
	[tilespmem:$0x15280] =	vst v63  }
0x110: {  	s31 =	rddreg [dreg:$0xe]  }
0x111: {  	[tilespmem:s16], [sflag:$0x4] =	stream.linear.gather [hbm4b:s31+s3], $0x4000, $0x38;
	[tilespmem:$0x15280] =	vst v63  }
0x112: {  	_ =	swait.ge [sflag:s18], $0x80  }
0x113: {  	[sflag:s18] =	ssyncset.done $0x0  }
0x114: {  	[sflag:s18] =	ssyncadd.s32 $0xFFFFFF80  }
0x115: {  	_ =	swait.ge [sflag:s18], $0x4000  }
0x116: {  	[sflag:s18] =	ssyncset.done $0x0  }
0x117: {  	[sflag:s18] =	ssyncadd.s32 $0xFFFFC000  }
0x118: {  	[spmem:s2] =	stream.indirect.scatter.add.f32 [tilespmem:s25], [sflag:$0x7], $0x80, s22, s7, $0xb8;
	[tilespmem:$0x15280] =	vst v63  }
0x119: {  	_ =	swait.ge [sflag:s17], $0x4000  }
0x11a: {  	[sflag:s17] =	ssyncset.done $0x0  }
0x11b: {  	s20 =	rddreg [dreg:$0xf];
	[sflag:s17] =	ssyncadd.s32 $0xFFFFC000  }
0x11c: {  	[tilespmem:s3], [sflag:$0x1] =	stream.linear.gather [hbm4b:s20+s3], $0x80, $0x38;
	[tilespmem:$0x15280] =	vst v63  }
0x11d: {  	s31 =	rddreg [dreg:$0x10]  }
0x11e: {  	[tilespmem:s6], [sflag:$0x1] =	stream.linear.gather [hbm4b:s31+s3], $0x4000, $0x38;
	[tilespmem:$0x15280] =	vst v63  }
0x11f: {  	_ =	swait.ge [sflag:s14], $0x80  }
0x120: {  	[sflag:s14] =	ssyncset.done $0x0  }
0x121: {  	[sflag:s14] =	ssyncadd.s32 $0xFFFFFF80  }
0x122: {  	_ =	swait.ge [sflag:s14], $0x4000  }
0x123: {  	[sflag:s14] =	ssyncset.done $0x0  }
0x124: {  	[sflag:s14] =	ssyncadd.s32 $0xFFFFC000  }
0x125: {  	[spmem:s2] =	stream.indirect.scatter.add.f32 [tilespmem:s16], [sflag:$0x8], $0x80, s15, s7, $0xb8;
	[tilespmem:$0x15280] =	vst v63  }
0x126: {  	_ =	swait.ge [sflag:s13], $0x4000  }
0x127: {  	[sflag:s13] =	ssyncset.done $0x0  }
0x128: {  	s20 =	rddreg [dreg:$0x11];
	[sflag:s13] =	ssyncadd.s32 $0xFFFFC000  }
0x129: {  	[tilespmem:s7], [sflag:$0x2] =	stream.linear.gather [hbm4b:s20+s3], $0x80, $0x38;
	[tilespmem:$0x15280] =	vst v63  }
0x12a: {  	s31 =	rddreg [dreg:$0x12]  }
0x12b: {  	[tilespmem:s9], [sflag:$0x2] =	stream.linear.gather [hbm4b:s31+s3], $0x4000, $0x38;
	[tilespmem:$0x15280] =	vst v63  }
0x12c: {  	_ =	swait.ge [sflag:s8], $0x80  }
0x12d: {  	[sflag:s8] =	ssyncset.done $0x0  }
0x12e: {  	[sflag:s8] =	ssyncadd.s32 $0xFFFFFF80  }
0x12f: {  	_ =	swait.ge [sflag:s8], $0x4000  }
0x130: {  	[sflag:s8] =	ssyncset.done $0x0  }
0x131: {  	[sflag:s8] =	ssyncadd.s32 $0xFFFFC000  }
0x132: {  	[spmem:s2] =	stream.indirect.scatter.add.f32 [tilespmem:s6], [sflag:$0x5], $0x80, s3, s7, $0xb8;
	[tilespmem:$0x15280] =	vst v63  }
0x133: {  	_ =	swait.ge [sflag:s10], $0x4000  }
0x134: {  	[sflag:s10] =	ssyncset.done $0x0  }
0x135: {  	s20 =	rddreg [dreg:$0x13];
	[sflag:s10] =	ssyncadd.s32 $0xFFFFC000  }
0x136: {  	[tilespmem:s22], [sflag:$0x3] =	stream.linear.gather [hbm4b:s20+s3], $0x80, $0x38;
	[tilespmem:$0x15280] =	vst v63  }
0x137: {  	s31 =	rddreg [dreg:$0x14]  }
0x138: {  	[tilespmem:s25], [sflag:$0x3] =	stream.linear.gather [hbm4b:s31+s3], $0x4000, $0x38;
	[tilespmem:$0x15280] =	vst v63  }
0x139: {  	_ =	swait.ge [sflag:s19], $0x80  }
0x13a: {  	[sflag:s19] =	ssyncset.done $0x0  }
0x13b: {  	[sflag:s19] =	ssyncadd.s32 $0xFFFFFF80  }
0x13c: {  	_ =	swait.ge [sflag:s19], $0x4000  }
0x13d: {  	[sflag:s19] =	ssyncset.done $0x0  }
0x13e: {  	[sflag:s19] =	ssyncadd.s32 $0xFFFFC000  }
0x13f: {  	[spmem:s2] =	stream.indirect.scatter.add.f32 [tilespmem:s9], [sflag:$0x6], $0x80, s7, s7, $0xb8;
	[tilespmem:$0x15280] =	vst v63  }
0x140: {  	_ =	swait.ge [sflag:s26], $0x4000  }
0x141: {  	[sflag:s26] =	ssyncset.done $0x0  }
0x142: {  	s20 =	rddreg [dreg:$0x15];
	[sflag:s26] =	ssyncadd.s32 $0xFFFFC000  }
0x143: {  	[tilespmem:s15], [sflag:$0x4] =	stream.linear.gather [hbm4b:s20+s3], $0x80, $0x38;
	[tilespmem:$0x15280] =	vst v63  }
0x144: {  	s31 =	rddreg [dreg:$0x16]  }
0x145: {  	[tilespmem:s16], [sflag:$0x4] =	stream.linear.gather [hbm4b:s31+s3], $0x4000, $0x38;
	[tilespmem:$0x15280] =	vst v63  }
0x146: {  	_ =	swait.ge [sflag:s18], $0x80  }
0x147: {  	[sflag:s18] =	ssyncset.done $0x0  }
0x148: {  	[sflag:s18] =	ssyncadd.s32 $0xFFFFFF80  }
0x149: {  	_ =	swait.ge [sflag:s18], $0x4000  }
0x14a: {  	[sflag:s18] =	ssyncset.done $0x0  }
0x14b: {  	[sflag:s18] =	ssyncadd.s32 $0xFFFFC000  }
0x14c: {  	[spmem:s2] =	stream.indirect.scatter.add.f32 [tilespmem:s25], [sflag:$0x7], $0x80, s22, s7, $0xb8;
	[tilespmem:$0x15280] =	vst v63  }
0x14d: {  	_ =	swait.ge [sflag:s17], $0x4000  }
0x14e: {  	[sflag:s17] =	ssyncset.done $0x0  }
0x14f: {  	s20 =	rddreg [dreg:$0x17];
	[sflag:s17] =	ssyncadd.s32 $0xFFFFC000  }
0x150: {  	[tilespmem:s3], [sflag:$0x1] =	stream.linear.gather [hbm4b:s20+s3], $0x80, $0x38;
	[tilespmem:$0x15280] =	vst v63  }
0x151: {  	s31 =	rddreg [dreg:$0x18]  }
0x152: {  	[tilespmem:s6], [sflag:$0x1] =	stream.linear.gather [hbm4b:s31+s3], $0x4000, $0x38;
	[tilespmem:$0x15280] =	vst v63  }
0x153: {  	_ =	swait.ge [sflag:s14], $0x80  }
0x154: {  	[sflag:s14] =	ssyncset.done $0x0  }
0x155: {  	[sflag:s14] =	ssyncadd.s32 $0xFFFFFF80  }
0x156: {  	_ =	swait.ge [sflag:s14], $0x4000  }
0x157: {  	[sflag:s14] =	ssyncset.done $0x0  }
0x158: {  	[sflag:s14] =	ssyncadd.s32 $0xFFFFC000  }
0x159: {  	[spmem:s2] =	stream.indirect.scatter.add.f32 [tilespmem:s16], [sflag:$0x8], $0x80, s15, s7, $0xb8;
	[tilespmem:$0x15280] =	vst v63  }
0x15a: {  	_ =	swait.ge [sflag:s13], $0x4000  }
0x15b: {  	[sflag:s13] =	ssyncset.done $0x0  }
0x15c: {  	s12 =	smov.u32 s11;
	s11 =	rddreg [dreg:$0x19];
	[sflag:s13] =	ssyncadd.s32 $0xFFFFC000  }
0x15d: {  	[tilespmem:s7], [sflag:$0x2] =	stream.linear.gather [hbm4b:s11+s3], $0x80, $0x38;
	[tilespmem:$0x15280] =	vst v63  }
0x15e: {  	s20 =	rddreg [dreg:$0x1a]  }
0x15f: {  	[tilespmem:s9], [sflag:$0x2] =	stream.linear.gather [hbm4b:s20+s3], $0x4000, $0x38;
	[tilespmem:$0x15280] =	vst v63  }
0x160: {  	_ =	swait.ge [sflag:s8], $0x80  }
0x161: {  	[sflag:s8] =	ssyncset.done $0x0  }
0x162: {  	[sflag:s8] =	ssyncadd.s32 $0xFFFFFF80  }
0x163: {  	_ =	swait.ge [sflag:s8], $0x4000  }
0x164: {  	[sflag:s8] =	ssyncset.done $0x0  }
0x165: {  	[sflag:s8] =	ssyncadd.s32 $0xFFFFC000  }
0x166: {  	[spmem:s2] =	stream.indirect.scatter.add.f32 [tilespmem:s6], [sflag:$0x5], $0x80, s3, s7, $0xb8;
	[tilespmem:$0x15280] =	vst v63  }
0x167: {  	_ =	swait.ge [sflag:s10], $0x4000  }
0x168: {  	[sflag:s10] =	ssyncset.done $0x0  }
0x169: {  	[sflag:s10] =	ssyncadd.s32 $0xFFFFC000  }
0x16a: {  	_ =	swait.ge @p0 [sflag:s21], $0x80  }
0x16b: {  	[sflag:s21] =	ssyncset.done @p0 $0x0  }
0x16c: {  	[sflag:s21] =	ssyncadd.s32 @p0 $0xFFFFFF80  }
0x16d: {  	_ =	swait.ge @p0 [sflag:s21], $0x4000  }
0x16e: {  	[sflag:s21] =	ssyncset.done @p0 $0x0  }
0x16f: {  	s4 =	simm.s32 @p0 $0x80;
	s11 =	simm.s32 @p0 $0x4200;
	[sflag:s21] =	ssyncadd.s32 @p0 $0xFFFFC000  }
0x170: {  	[spmem:s2] =	stream.indirect.scatter.add.f32 @p0 [tilespmem:s11], [sflag:$0x6], $0x80, s4, s4, $0xb8;
	[tilespmem:$0x15280] =	vst v63  }
0x171: {  	s4 =	simm.s32 @p0 $0x8  }
0x172: {  	_ =	swait.ge @p0 [sflag:s4], $0x4000  }
0x173: {  	[sflag:s4] =	ssyncset.done @p0 $0x0  }
0x174: {  	[sflag:s4] =	ssyncadd.s32 @p0 $0xFFFFC000;
	s4 =	simm.s32 @p0 $0x5  }
0x175: {  	_ =	swait.ge @p0 [sflag:s4], $0x4000  }
0x176: {  	[sflag:s4] =	ssyncset.done @p0 $0x0  }
0x177: {  	s11 =	simm.s32 @p0 $0x6;
	[sflag:s4] =	ssyncadd.s32 @p0 $0xFFFFC000  }
0x178: {  	_ =	swait.ge @p0 [sflag:s11], $0x4000  }
0x179: {  	s9 =	simm.s32 @!p1 $0x10200;
	[sflag:s11] =	ssyncset.done @p0 $0x0  }
0x17a: {  	s4 =	rddreg [dreg:$0x1b];
	[sflag:s11] =	ssyncadd.s32 @p0 $0xFFFFC000;
	s11 =	simm.s32 @!p1 $0x0  }
0x17b: {  	[tilespmem:s9], [sflag:$0x9] =	stream.linear.gather @!p1 [hbm4b:s4+s11], $0x60, $0x38;
	[tilespmem:$0x15280] =	vst v63  }
0x17c: {  	_ =	swait.ge @!p1 [sflag:s28], $0x60  }
0x17d: {  	[sflag:s28] =	ssyncset.done @!p1 $0x0  }
0x17e: {  	s20 =	simm.s32 @!p1 $0x10280;
	s4 =	rddreg [dreg:$0x1c];
	[sflag:s28] =	ssyncadd.s32 @!p1 $0xFFFFFFA0  }
0x17f: {  	[tilespmem:s20], [sflag:$0x9] =	stream.linear.gather @!p1 [hbm4b:s4+s11], $0x3000, $0x38;
	[tilespmem:$0x15280] =	vst v63  }
0x180: {  	_ =	swait.ge @!p1 [sflag:s28], $0x3000  }
0x181: {  	[sflag:s28] =	ssyncset.done @!p1 $0x0  }
0x182: {  	s4 =	simm.s32 @!p1 $0x60;
	[sflag:s28] =	ssyncadd.s32 @!p1 $0xFFFFD000  }
0x183: {  	[spmem:s2] =	stream.indirect.scatter.add.f32 @!p1 [tilespmem:s20], [sflag:$0x9], $0x80, s9, s4, $0xb8;
	[tilespmem:$0x15280] =	vst v63  }
0x184: {  	_ =	swait.ge @!p1 [sflag:s28], $0x3000  }
0x185: {  	s31 =	simm.s32 @!p0 $0x0;
	[sflag:s28] =	ssyncset.done @!p1 $0x0  }
0x186: {  	s20 =	simm.s32 @!p0 $0x100;
	s4 =	rddreg [dreg:$0x1d];
	[sflag:s28] =	ssyncadd.s32 @!p1 $0xFFFFD000  }
0x187: {  	[tilespmem:s20], [sflag:$0x3] =	stream.linear.gather @!p0 [hbm4b:s4+s31], $0x80, $0x38;
	[tilespmem:$0x15280] =	vst v63  }
0x188: {  	s11 =	rddreg [dreg:$0x1e];
	s4 =	simm.s32 @!p0 $0x8200  }
0x189: {  	[tilespmem:s4], [sflag:$0x3] =	stream.linear.gather @!p0 [hbm4b:s11+s31], $0x4000, $0x38;
	[tilespmem:$0x15280] =	vst v63  }
0x18a: {  	_ =	swait.ge @!p0 [sflag:s0], $0x80  }
0x18b: {  	[sflag:s0] =	ssyncset.done @!p0 $0x0  }
0x18c: {  	[sflag:s0] =	ssyncadd.s32 @!p0 $0xFFFFFF80  }
0x18d: {  	_ =	swait.ge @!p0 [sflag:s0], $0x4000  }
0x18e: {  	s11 =	smov.u32 s12;
	[sflag:s0] =	ssyncset.done @!p0 $0x0  }
0x18f: {  	s12 =	simm.s32 @!p0 $0x80;
	s31 =	simm.s32 @!p0 $0x4200;
	[sflag:s0] =	ssyncadd.s32 @!p0 $0xFFFFC000  }
0x190: {  	[spmem:s2] =	stream.indirect.scatter.add.f32 @!p0 [tilespmem:s31], [sflag:$0x6], $0x80, s12, s12, $0xb8;
	[tilespmem:$0x15280] =	vst v63  }
0x191: {  	s31 =	simm.s32 @!p0 $0x8  }
0x192: {  	_ =	swait.ge @!p0 [sflag:s31], $0x4000  }
0x193: {  	[sflag:s31] =	ssyncset.done @!p0 $0x0  }
0x194: {  	[sflag:s31] =	ssyncadd.s32 @!p0 $0xFFFFC000  }
0x195: {  	_ =	swait.ge @!p0 [sflag:s30], $0x80  }
0x196: {  	[sflag:s30] =	ssyncset.done @!p0 $0x0  }
0x197: {  	[sflag:s30] =	ssyncadd.s32 @!p0 $0xFFFFFF80  }
0x198: {  	_ =	swait.ge @!p0 [sflag:s30], $0x4000  }
0x199: {  	[sflag:s30] =	ssyncset.done @!p0 $0x0  }
0x19a: {  	[sflag:s30] =	ssyncadd.s32 @!p0 $0xFFFFC000  }
0x19b: {  	[spmem:s2] =	stream.indirect.scatter.add.f32 @!p0 [tilespmem:s4], [sflag:$0x7], $0x80, s20, s12, $0xb8;
	[tilespmem:$0x15280] =	vst v63  }
0x19c: {  	s4 =	simm.s32 @!p0 $0x5  }
0x19d: {  	_ =	swait.ge @!p0 [sflag:s4], $0x4000  }
0x19e: {  	[sflag:s4] =	ssyncset.done @!p0 $0x0  }
0x19f: {  	[sflag:s4] =	ssyncadd.s32 @!p0 $0xFFFFC000  }
0x1a0: {  	_ =	swait.ge @!p0 [sflag:s1], $0x4000  }
0x1a1: {  	[sflag:s1] =	ssyncset.done @!p0 $0x0  }
0x1a2: {  	[sflag:s1] =	ssyncadd.s32 @!p0 $0xFFFFC000  }
0x1a3: {  	_ =	swait.ge @!p0 [sflag:s23], $0x4000  }
0x1a4: {  	s24 =	sadd.s32 $0xFFFFFFFF, s24;
	[sflag:s23] =	ssyncset.done @!p0 $0x0  }
0x1a5: {  	p3 =	sne.s32 s24, $0x0;
	[sflag:s23] =	ssyncadd.s32 @!p0 $0xFFFFC000  }
.Ltmp2:
0x1a6: {  	[bflag:$0x0] =	sbarrier.arrive $0xFFFF;
	(pc) =	sbr.rel @p3 .LBB2_3-.Ltmp2, $4  }
0x1a7: {  	s31 =	rddreg [dreg:$0x1f]  }
0x1a8: {  	[hbm:s31], [sflag:s11] =	dma.local [spmem:s29], $0x400  }
0x1a9: {  	_ =	swait.ge [sflag:s5], $0x400  }
0x1aa: {  	s9 =	simm.s32 $0x4200;
	s29 =	rddreg [dreg:$0x5];
	[sflag:s5] =	ssyncset.done $0x0  }
0x1ab: {  	s20 =	rddreg [dreg:$0x4]  }
0x1ac: {  	s21 =	stileid.u32;
	s12 =	simm.s32 $0x180;
	s15 =	simm.s32 $0xC200  }
0x1ad: {  	s16 =	simm.s32 $0x100;
	s22 =	simm.s32 $0x8200;
	s23 =	simm.s32 $0x8  }
.LBB2_5:
0x1ae: {  	s1 =	rddreg [dreg:$0x6];
	[sflag:s5] =	ssyncadd.s32 @p2 $0xFFFFFC00;
	s0 =	sshrl.u32 s29, $0x3  }
0x1af: {  	[spmem:s0], [sflag:s11] =	dma.local [hbm:s1], $0x400  }
0x1b0: {  	_ =	swait.ge [sflag:s5], $0x400  }
0x1b1: {  	[sflag:s5] =	ssyncset.done $0x0  }
0x1b2: {  	s26 =	rddreg [dreg:$0x7];
	[sflag:s5] =	ssyncadd.s32 $0xFFFFFC00  }
0x1b3: {  	[tilespmem:s3], [sflag:$0x1] =	stream.linear.gather [hbm4b:s26+s3], $0x80, $0x38;
	[tilespmem:$0x15280] =	vst v63  }
0x1b4: {  	s4 =	rddreg [dreg:$0x8]  }
0x1b5: {  	[tilespmem:s6], [sflag:$0x1] =	stream.linear.gather [hbm4b:s4+s3], $0x4000, $0x38;
	[tilespmem:$0x15280] =	vst v63  }
0x1b6: {  	[bflag:$0x0] =	sbarrier.arrive $0xFFFF  }
0x1b7: {  	s28 =	rddreg [dreg:$0x9]  }
0x1b8: {  	[tilespmem:s7], [sflag:$0x2] =	stream.linear.gather [hbm4b:s28+s3], $0x80, $0x38;
	[tilespmem:$0x15280] =	vst v63  }
0x1b9: {  	s29 =	rddreg [dreg:$0xa]  }
0x1ba: {  	[tilespmem:s9], [sflag:$0x2] =	stream.linear.gather [hbm4b:s29+s3], $0x4000, $0x38;
	[tilespmem:$0x15280] =	vst v63  }
0x1bb: {  	_ =	swait.ge [sflag:s8], $0x80  }
0x1bc: {  	[sflag:s8] =	ssyncset.done $0x0  }
0x1bd: {  	[sflag:s8] =	ssyncadd.s32 $0xFFFFFF80  }
0x1be: {  	_ =	swait.ge [sflag:s8], $0x4000  }
0x1bf: {  	[sflag:s8] =	ssyncset.done $0x0  }
0x1c0: {  	[sflag:s8] =	ssyncadd.s32 $0xFFFFC000  }
0x1c1: {  	[spmem:s2] =	stream.indirect.scatter.add.f32 [tilespmem:s6], [sflag:$0x5], $0x80, s3, s7, $0xb8;
	[tilespmem:$0x15280] =	vst v63  }
0x1c2: {  	s30 =	rddreg [dreg:$0xb]  }
0x1c3: {  	[tilespmem:s16], [sflag:$0x3] =	stream.linear.gather [hbm4b:s30+s3], $0x80, $0x38;
	[tilespmem:$0x15280] =	vst v63  }
0x1c4: {  	s31 =	rddreg [dreg:$0xc]  }
0x1c5: {  	[tilespmem:s22], [sflag:$0x3] =	stream.linear.gather [hbm4b:s31+s3], $0x4000, $0x38;
	[tilespmem:$0x15280] =	vst v63  }
0x1c6: {  	_ =	swait.ge [sflag:s19], $0x80  }
0x1c7: {  	[sflag:s19] =	ssyncset.done $0x0  }
0x1c8: {  	[sflag:s19] =	ssyncadd.s32 $0xFFFFFF80  }
0x1c9: {  	_ =	swait.ge [sflag:s19], $0x4000  }
0x1ca: {  	[sflag:s19] =	ssyncset.done $0x0  }
0x1cb: {  	[sflag:s19] =	ssyncadd.s32 $0xFFFFC000  }
0x1cc: {  	[spmem:s2] =	stream.indirect.scatter.add.f32 [tilespmem:s9], [sflag:$0x6], $0x80, s7, s7, $0xb8;
	[tilespmem:$0x15280] =	vst v63  }
0x1cd: {  	s4 =	rddreg [dreg:$0xd]  }
0x1ce: {  	[tilespmem:s12], [sflag:$0x4] =	stream.linear.gather [hbm4b:s4+s3], $0x80, $0x38;
	[tilespmem:$0x15280] =	vst v63  }
0x1cf: {  	s24 =	rddreg [dreg:$0xe]  }
0x1d0: {  	[tilespmem:s15], [sflag:$0x4] =	stream.linear.gather [hbm4b:s24+s3], $0x4000, $0x38;
	[tilespmem:$0x15280] =	vst v63  }
0x1d1: {  	_ =	swait.ge [sflag:s18], $0x80  }
0x1d2: {  	[sflag:s18] =	ssyncset.done $0x0  }
0x1d3: {  	[sflag:s18] =	ssyncadd.s32 $0xFFFFFF80  }
0x1d4: {  	_ =	swait.ge [sflag:s18], $0x4000  }
0x1d5: {  	[sflag:s18] =	ssyncset.done $0x0  }
0x1d6: {  	[sflag:s18] =	ssyncadd.s32 $0xFFFFC000  }
0x1d7: {  	[spmem:s2] =	stream.indirect.scatter.add.f32 [tilespmem:s22], [sflag:$0x7], $0x80, s16, s7, $0xb8;
	[tilespmem:$0x15280] =	vst v63  }
0x1d8: {  	_ =	swait.ge [sflag:s17], $0x4000  }
0x1d9: {  	[sflag:s17] =	ssyncset.done $0x0  }
0x1da: {  	s25 =	rddreg [dreg:$0xf];
	[sflag:s17] =	ssyncadd.s32 $0xFFFFC000  }
0x1db: {  	[tilespmem:s3], [sflag:$0x1] =	stream.linear.gather [hbm4b:s25+s3], $0x80, $0x38;
	[tilespmem:$0x15280] =	vst v63  }
0x1dc: {  	s26 =	rddreg [dreg:$0x10]  }
0x1dd: {  	[tilespmem:s6], [sflag:$0x1] =	stream.linear.gather [hbm4b:s26+s3], $0x4000, $0x38;
	[tilespmem:$0x15280] =	vst v63  }
0x1de: {  	_ =	swait.ge [sflag:s14], $0x80  }
0x1df: {  	[sflag:s14] =	ssyncset.done $0x0  }
0x1e0: {  	[sflag:s14] =	ssyncadd.s32 $0xFFFFFF80  }
0x1e1: {  	_ =	swait.ge [sflag:s14], $0x4000  }
0x1e2: {  	[sflag:s14] =	ssyncset.done $0x0  }
0x1e3: {  	[sflag:s14] =	ssyncadd.s32 $0xFFFFC000  }
0x1e4: {  	[spmem:s2] =	stream.indirect.scatter.add.f32 [tilespmem:s15], [sflag:$0x8], $0x80, s12, s7, $0xb8;
	[tilespmem:$0x15280] =	vst v63  }
0x1e5: {  	_ =	swait.ge [sflag:s13], $0x4000  }
0x1e6: {  	[sflag:s13] =	ssyncset.done $0x0  }
0x1e7: {  	s28 =	rddreg [dreg:$0x11];
	[sflag:s13] =	ssyncadd.s32 $0xFFFFC000  }
0x1e8: {  	[tilespmem:s7], [sflag:$0x2] =	stream.linear.gather [hbm4b:s28+s3], $0x80, $0x38;
	[tilespmem:$0x15280] =	vst v63  }
0x1e9: {  	s29 =	rddreg [dreg:$0x12]  }
0x1ea: {  	[tilespmem:s9], [sflag:$0x2] =	stream.linear.gather [hbm4b:s29+s3], $0x4000, $0x38;
	[tilespmem:$0x15280] =	vst v63  }
0x1eb: {  	_ =	swait.ge [sflag:s8], $0x80  }
0x1ec: {  	[sflag:s8] =	ssyncset.done $0x0  }
0x1ed: {  	[sflag:s8] =	ssyncadd.s32 $0xFFFFFF80  }
0x1ee: {  	_ =	swait.ge [sflag:s8], $0x4000  }
0x1ef: {  	[sflag:s8] =	ssyncset.done $0x0  }
0x1f0: {  	[sflag:s8] =	ssyncadd.s32 $0xFFFFC000  }
0x1f1: {  	[spmem:s2] =	stream.indirect.scatter.add.f32 [tilespmem:s6], [sflag:$0x5], $0x80, s3, s7, $0xb8;
	[tilespmem:$0x15280] =	vst v63  }
0x1f2: {  	_ =	swait.ge [sflag:s10], $0x4000  }
0x1f3: {  	[sflag:s10] =	ssyncset.done $0x0  }
0x1f4: {  	s30 =	rddreg [dreg:$0x13];
	[sflag:s10] =	ssyncadd.s32 $0xFFFFC000  }
0x1f5: {  	[tilespmem:s16], [sflag:$0x3] =	stream.linear.gather [hbm4b:s30+s3], $0x80, $0x38;
	[tilespmem:$0x15280] =	vst v63  }
0x1f6: {  	s31 =	rddreg [dreg:$0x14]  }
0x1f7: {  	[tilespmem:s22], [sflag:$0x3] =	stream.linear.gather [hbm4b:s31+s3], $0x4000, $0x38;
	[tilespmem:$0x15280] =	vst v63  }
0x1f8: {  	_ =	swait.ge [sflag:s19], $0x80  }
0x1f9: {  	[sflag:s19] =	ssyncset.done $0x0  }
0x1fa: {  	[sflag:s19] =	ssyncadd.s32 $0xFFFFFF80  }
0x1fb: {  	_ =	swait.ge [sflag:s19], $0x4000  }
0x1fc: {  	[sflag:s19] =	ssyncset.done $0x0  }
0x1fd: {  	[sflag:s19] =	ssyncadd.s32 $0xFFFFC000  }
0x1fe: {  	[spmem:s2] =	stream.indirect.scatter.add.f32 [tilespmem:s9], [sflag:$0x6], $0x80, s7, s7, $0xb8;
	[tilespmem:$0x15280] =	vst v63  }
0x1ff: {  	_ =	swait.ge [sflag:s23], $0x4000  }
0x200: {  	[sflag:s23] =	ssyncset.done $0x0  }
0x201: {  	s24 =	rddreg [dreg:$0x15];
	[sflag:s23] =	ssyncadd.s32 $0xFFFFC000  }
0x202: {  	[tilespmem:s12], [sflag:$0x4] =	stream.linear.gather [hbm4b:s24+s3], $0x80, $0x38;
	[tilespmem:$0x15280] =	vst v63  }
0x203: {  	s25 =	rddreg [dreg:$0x16]  }
0x204: {  	[tilespmem:s15], [sflag:$0x4] =	stream.linear.gather [hbm4b:s25+s3], $0x4000, $0x38;
	[tilespmem:$0x15280] =	vst v63  }
0x205: {  	_ =	swait.ge [sflag:s18], $0x80  }
0x206: {  	[sflag:s18] =	ssyncset.done $0x0  }
0x207: {  	[sflag:s18] =	ssyncadd.s32 $0xFFFFFF80  }
0x208: {  	_ =	swait.ge [sflag:s18], $0x4000  }
0x209: {  	[sflag:s18] =	ssyncset.done $0x0  }
0x20a: {  	[sflag:s18] =	ssyncadd.s32 $0xFFFFC000  }
0x20b: {  	[spmem:s2] =	stream.indirect.scatter.add.f32 [tilespmem:s22], [sflag:$0x7], $0x80, s16, s7, $0xb8;
	[tilespmem:$0x15280] =	vst v63  }
0x20c: {  	_ =	swait.ge [sflag:s17], $0x4000  }
0x20d: {  	[sflag:s17] =	ssyncset.done $0x0  }
0x20e: {  	s26 =	rddreg [dreg:$0x17];
	[sflag:s17] =	ssyncadd.s32 $0xFFFFC000  }
0x20f: {  	[tilespmem:s3], [sflag:$0x1] =	stream.linear.gather [hbm4b:s26+s3], $0x80, $0x38;
	[tilespmem:$0x15280] =	vst v63  }
0x210: {  	s28 =	rddreg [dreg:$0x18]  }
0x211: {  	[tilespmem:s6], [sflag:$0x1] =	stream.linear.gather [hbm4b:s28+s3], $0x4000, $0x38;
	[tilespmem:$0x15280] =	vst v63  }
0x212: {  	_ =	swait.ge [sflag:s14], $0x80  }
0x213: {  	[sflag:s14] =	ssyncset.done $0x0  }
0x214: {  	[sflag:s14] =	ssyncadd.s32 $0xFFFFFF80  }
0x215: {  	_ =	swait.ge [sflag:s14], $0x4000  }
0x216: {  	[sflag:s14] =	ssyncset.done $0x0  }
0x217: {  	[sflag:s14] =	ssyncadd.s32 $0xFFFFC000  }
0x218: {  	[spmem:s2] =	stream.indirect.scatter.add.f32 [tilespmem:s15], [sflag:$0x8], $0x80, s12, s7, $0xb8;
	[tilespmem:$0x15280] =	vst v63  }
0x219: {  	_ =	swait.ge [sflag:s13], $0x4000  }
0x21a: {  	[sflag:s13] =	ssyncset.done $0x0  }
0x21b: {  	s29 =	rddreg [dreg:$0x19];
	[sflag:s13] =	ssyncadd.s32 $0xFFFFC000  }
0x21c: {  	[tilespmem:s7], [sflag:$0x2] =	stream.linear.gather [hbm4b:s29+s3], $0x80, $0x38;
	[tilespmem:$0x15280] =	vst v63  }
0x21d: {  	s30 =	rddreg [dreg:$0x1a]  }
0x21e: {  	[tilespmem:s9], [sflag:$0x2] =	stream.linear.gather [hbm4b:s30+s3], $0x4000, $0x38;
	[tilespmem:$0x15280] =	vst v63  }
0x21f: {  	_ =	swait.ge [sflag:s8], $0x80  }
0x220: {  	[sflag:s8] =	ssyncset.done $0x0  }
0x221: {  	[sflag:s8] =	ssyncadd.s32 $0xFFFFFF80  }
0x222: {  	_ =	swait.ge [sflag:s8], $0x4000  }
0x223: {  	[sflag:s8] =	ssyncset.done $0x0  }
0x224: {  	[sflag:s8] =	ssyncadd.s32 $0xFFFFC000  }
0x225: {  	[spmem:s2] =	stream.indirect.scatter.add.f32 [tilespmem:s6], [sflag:$0x5], $0x80, s3, s7, $0xb8;
	[tilespmem:$0x15280] =	vst v63  }
0x226: {  	_ =	swait.ge [sflag:s10], $0x4000  }
0x227: {  	[sflag:s10] =	ssyncset.done $0x0  }
0x228: {  	s1 =	simm.s32 @p0 $0x2;
	[sflag:s10] =	ssyncadd.s32 $0xFFFFC000  }
0x229: {  	_ =	swait.ge @p0 [sflag:s1], $0x80  }
0x22a: {  	[sflag:s1] =	ssyncset.done @p0 $0x0  }
0x22b: {  	[sflag:s1] =	ssyncadd.s32 @p0 $0xFFFFFF80  }
0x22c: {  	_ =	swait.ge @p0 [sflag:s1], $0x4000  }
0x22d: {  	s4 =	simm.s32 @p0 $0x4200;
	[sflag:s1] =	ssyncset.done @p0 $0x0  }
0x22e: {  	s3 =	simm.s32 @p0 $0x8;
	[sflag:s1] =	ssyncadd.s32 @p0 $0xFFFFC000;
	s1 =	simm.s32 @p0 $0x80  }
0x22f: {  	[spmem:s2] =	stream.indirect.scatter.add.f32 @p0 [tilespmem:s4], [sflag:$0x6], $0x80, s1, s1, $0xb8;
	[tilespmem:$0x15280] =	vst v63  }
0x230: {  	_ =	swait.ge @p0 [sflag:s3], $0x4000  }
0x231: {  	[sflag:s3] =	ssyncset.done @p0 $0x0  }
0x232: {  	s1 =	simm.s32 @p0 $0x5;
	[sflag:s3] =	ssyncadd.s32 @p0 $0xFFFFC000  }
0x233: {  	_ =	swait.ge @p0 [sflag:s1], $0x4000  }
0x234: {  	[sflag:s1] =	ssyncset.done @p0 $0x0  }
0x235: {  	[sflag:s1] =	ssyncadd.s32 @p0 $0xFFFFC000;
	s1 =	simm.s32 @p0 $0x6  }
0x236: {  	_ =	swait.ge @p0 [sflag:s1], $0x4000  }
0x237: {  	s6 =	simm.s32 @!p1 $0x10200;
	s4 =	simm.s32 @!p1 $0x9;
	[sflag:s1] =	ssyncset.done @p0 $0x0  }
0x238: {  	s3 =	rddreg [dreg:$0x1b];
	[sflag:s1] =	ssyncadd.s32 @p0 $0xFFFFC000;
	s1 =	simm.s32 @!p1 $0x0  }
0x239: {  	[tilespmem:s6], [sflag:$0x9] =	stream.linear.gather @!p1 [hbm4b:s3+s1], $0x60, $0x38;
	[tilespmem:$0x15280] =	vst v63  }
0x23a: {  	_ =	swait.ge @!p1 [sflag:s4], $0x60  }
0x23b: {  	[sflag:s4] =	ssyncset.done @!p1 $0x0  }
0x23c: {  	s7 =	simm.s32 @!p1 $0x10280;
	s3 =	rddreg [dreg:$0x1c];
	[sflag:s4] =	ssyncadd.s32 @!p1 $0xFFFFFFA0  }
0x23d: {  	[tilespmem:s7], [sflag:$0x9] =	stream.linear.gather @!p1 [hbm4b:s3+s1], $0x3000, $0x38;
	[tilespmem:$0x15280] =	vst v63  }
0x23e: {  	_ =	swait.ge @!p1 [sflag:s4], $0x3000  }
0x23f: {  	[sflag:s4] =	ssyncset.done @!p1 $0x0  }
0x240: {  	s1 =	simm.s32 @!p1 $0x60;
	[sflag:s4] =	ssyncadd.s32 @!p1 $0xFFFFD000  }
0x241: {  	[spmem:s2] =	stream.indirect.scatter.add.f32 @!p1 [tilespmem:s7], [sflag:$0x9], $0x80, s6, s1, $0xb8;
	[tilespmem:$0x15280] =	vst v63  }
0x242: {  	_ =	swait.ge @!p1 [sflag:s4], $0x3000  }
0x243: {  	s3 =	simm.s32 @!p0 $0x100;
	[sflag:s4] =	ssyncset.done @!p1 $0x0  }
0x244: {  	s1 =	rddreg [dreg:$0x1d];
	[sflag:s4] =	ssyncadd.s32 @!p1 $0xFFFFD000;
	s4 =	simm.s32 @!p0 $0x0  }
0x245: {  	[tilespmem:s3], [sflag:$0x3] =	stream.linear.gather @!p0 [hbm4b:s1+s4], $0x80, $0x38;
	[tilespmem:$0x15280] =	vst v63  }
0x246: {  	s7 =	simm.s32 @!p0 $0x2;
	s6 =	rddreg [dreg:$0x1e];
	s1 =	simm.s32 @!p0 $0x8200  }
0x247: {  	[tilespmem:s1], [sflag:$0x3] =	stream.linear.gather @!p0 [hbm4b:s6+s4], $0x4000, $0x38;
	[tilespmem:$0x15280] =	vst v63  }
0x248: {  	_ =	swait.ge @!p0 [sflag:s7], $0x80  }
0x249: {  	[sflag:s7] =	ssyncset.done @!p0 $0x0  }
0x24a: {  	[sflag:s7] =	ssyncadd.s32 @!p0 $0xFFFFFF80  }
0x24b: {  	_ =	swait.ge @!p0 [sflag:s7], $0x4000  }
0x24c: {  	s4 =	simm.s32 @!p0 $0x8;
	[sflag:s7] =	ssyncset.done @!p0 $0x0  }
0x24d: {  	s6 =	simm.s32 @!p0 $0x80;
	[sflag:s7] =	ssyncadd.s32 @!p0 $0xFFFFC000;
	s7 =	simm.s32 @!p0 $0x4200  }
0x24e: {  	[spmem:s2] =	stream.indirect.scatter.add.f32 @!p0 [tilespmem:s7], [sflag:$0x6], $0x80, s6, s6, $0xb8;
	[tilespmem:$0x15280] =	vst v63  }
0x24f: {  	_ =	swait.ge @!p0 [sflag:s4], $0x4000  }
0x250: {  	[sflag:s4] =	ssyncset.done @!p0 $0x0  }
0x251: {  	[sflag:s4] =	ssyncadd.s32 @!p0 $0xFFFFC000;
	s4 =	simm.s32 @!p0 $0x3  }
0x252: {  	_ =	swait.ge @!p0 [sflag:s4], $0x80  }
0x253: {  	[sflag:s4] =	ssyncset.done @!p0 $0x0  }
0x254: {  	[sflag:s4] =	ssyncadd.s32 @!p0 $0xFFFFFF80  }
0x255: {  	_ =	swait.ge @!p0 [sflag:s4], $0x4000  }
0x256: {  	[sflag:s4] =	ssyncset.done @!p0 $0x0  }
0x257: {  	[sflag:s4] =	ssyncadd.s32 @!p0 $0xFFFFC000;
	s4 =	simm.s32 @!p0 $0x5  }
0x258: {  	[spmem:s2] =	stream.indirect.scatter.add.f32 @!p0 [tilespmem:s1], [sflag:$0x7], $0x80, s3, s6, $0xb8;
	[tilespmem:$0x15280] =	vst v63  }
0x259: {  	_ =	swait.ge @!p0 [sflag:s4], $0x4000  }
0x25a: {  	[sflag:s4] =	ssyncset.done @!p0 $0x0  }
0x25b: {  	s1 =	simm.s32 @!p0 $0x6;
	[sflag:s4] =	ssyncadd.s32 @!p0 $0xFFFFC000  }
0x25c: {  	_ =	swait.ge @!p0 [sflag:s1], $0x4000  }
0x25d: {  	[sflag:s1] =	ssyncset.done @!p0 $0x0  }
0x25e: {  	[sflag:s1] =	ssyncadd.s32 @!p0 $0xFFFFC000;
	s1 =	simm.s32 @!p0 $0x7  }
0x25f: {  	_ =	swait.ge @!p0 [sflag:s1], $0x4000  }
0x260: {  	[sflag:s1] =	ssyncset.done @!p0 $0x0  }
0x261: {  	[sflag:s1] =	ssyncadd.s32 @!p0 $0xFFFFC000  }
0x262: {  	[bflag:$0x0] =	sbarrier.arrive $0xFFFF  }
0x263: {  	s31 =	rddreg [dreg:$0x1f]  }
0x264: {  	[hbm:s31], [sflag:s11] =	dma.local [spmem:s0], $0x400  }
0x265: {  	_ =	swait.ge [sflag:s5], $0x400  }
0x266: {  	[sflag:s5] =	ssyncset.done $0x0  }
0x267: {  	[sflag:s5] =	ssyncadd.s32 $0xFFFFFC00  }
0x268: {  	_ =	sfence.sel $0x180000  }
0x269: {  	[bflag:$0x0] =	sbarrier.arrive $0xFFFF  }
0x26a: {  	p0 =	sne.s32 s21, $0x0;
	_ =	strace $0x90000047  }
0x26b: {  	s0 =	sadd.s32 @!p0 $0x100000, s20;
	[bflag:$0x2] =	sbarrier.arrive $0xFFFF  }
0x26c: {  	[sflag:s0] =	ssyncadd.tile.s32 @!p0 $0x1;
	_ =	shalt  }
.LBB2_2:
.Ltmp3:
0x26d: {  	(pc) =	sbr.rel .LBB2_5-.Ltmp3, $4  }
0x26e: {  	_ = 	snop  }
0x26f: {  	s20 =	rddreg [dreg:$0x4]  }
0x270: {  	s21 =	stileid.u32;
	s12 =	simm.s32 $0x180;
	s15 =	simm.s32 $0xC200  }
0x271: {  	s16 =	simm.s32 $0x100;
	s22 =	simm.s32 $0x8200;
	s23 =	simm.s32 $0x8  }
.Lfunc_end2:
_tile_overlayer_lowered:
.L_overlay_start_2:
0x272: {  	(tag) =	ssettag $0x2  }
0x273: {  	s0 =	rddreg [dreg:$0x0];
	s2 =	stileid.u32  }
0x274: {  	s1 =	rddreg [dreg:$0x1];
	p0 =	sne.s32 s2, $0x0  }
0x275: {  	s3 =	rddreg [dreg:$0x2];
	[bflag:$0x3] =	sbarrier.arrive $0xFFFF;
	s2 =	simm.s32 @!p0 $0x1C09  }
0x276: {  	[timem:s3], [sflag:s2] =	dma.local @!p0 [hbm:s0], s1  }
0x277: {  	s0 =	simm.s32 @!p0 $0x9  }
0x278: {  	_ =	swait.ge @!p0 [sflag:s0], s1  }
0x279: {  	s1 =	ssub.s32 @!p0 $0x0, s1;
	[sflag:s0] =	ssyncset.done @!p0 $0x0  }
0x27a: {  	[sflag:s0] =	ssyncadd.s32 @!p0 s1  }
0x27b: {  	[bflag:$0x3] =	sbarrier.arrive $0xFFFF  }
0x27c: {  	_ =	shalt  }

</sc_bundles>
